<compile_context>
chip_gen: v7x
topology: tpu7x:2x2x1
jax: 0.10.2.dev20260603
libtpu: 0.0.44.dev20260713+nightly
codegen_flags: <defaults>
</compile_context>

<pallas_src>
import functools

import jax
import jax.numpy as jnp
from jax import lax
from jax.experimental import pallas as pl
from jax.experimental.pallas import tpu as pltpu
from jax.experimental.pallas import tpu_sc as plsc

B = 2048
D_VIS, D_LANG, D_STATE = 256, 128, 128
D = 256
E = 64
H = 2 * D
K = 2
P = B * K
T = 128
GSTEPS = 16
EPB = E // GSTEPS
PPAD = P + T
_NEG = -1e30


def _gelu(x):
    return 0.5 * x * (1.0 + jax.lax.erf(x * 0.7071067811865476))


def _ln(x, g, b, eps=1e-5):
    m = jnp.mean(x, axis=-1, keepdims=True)
    v = jnp.mean((x - m) ** 2, axis=-1, keepdims=True)
    return (x - m) * jax.lax.rsqrt(v + eps) * g + b


def _encoder_body(vis_ref, lang_ref, state_ref, Wf_ref, bf_ref, gf_ref,
                  betaf_ref, Wg_ref, x_ref, dest_ref, w12_ref, ntl_ref,
                  fb_ref, slo_ref, shi_ref, loss_ref):
    dn = (((1,), (1,)), ((), ()))
    x = jax.lax.dot_general(vis_ref[...], Wf_ref[:, :D_VIS], dn,
                            preferred_element_type=jnp.float32)
    x += jax.lax.dot_general(lang_ref[...], Wf_ref[:, D_VIS:D_VIS + D_LANG],
                             dn, preferred_element_type=jnp.float32)
    x += jax.lax.dot_general(state_ref[...], Wf_ref[:, D_VIS + D_LANG:], dn,
                             preferred_element_type=jnp.float32)
    x += bf_ref[...]
    x = _gelu(_ln(x, gf_ref[...], betaf_ref[...]))
    x_ref[...] = x

    logits = jax.lax.dot_general(x, Wg_ref[...], dn,
                                 preferred_element_type=jnp.float32)
    iota = jax.lax.broadcasted_iota(jnp.int32, (B, E), 1)
    m1 = jnp.max(logits, axis=-1, keepdims=True)
    i1 = jnp.min(jnp.where(logits == m1, iota, E), axis=-1, keepdims=True)
    masked = jnp.where(iota == i1, _NEG, logits)
    m2 = jnp.max(masked, axis=-1, keepdims=True)
    i2 = jnp.min(jnp.where(masked == m2, iota, E), axis=-1, keepdims=True)
    s = jnp.exp(m2 - m1)
    w1 = 1.0 / (1.0 + s)
    w2 = s / (1.0 + s)
    w12_ref[...] = jnp.concatenate([w1, w2], axis=1)

    c1 = (iota == i1).astype(jnp.float32)
    c2 = (iota == i2).astype(jnp.float32)
    csum = c1 + c2
    CH = 256
    tri = (jax.lax.broadcasted_iota(jnp.int32, (CH, CH), 0)
           > jax.lax.broadcasted_iota(jnp.int32, (CH, CH), 1)
           ).astype(jnp.float32)
    dnn = (((1,), (0,)), ((), ()))
    run = jnp.zeros((1, E), jnp.float32)
    chunks = []
    for c in range(B // CH):
        blk = csum[c * CH:(c + 1) * CH, :]
        chunks.append(jax.lax.dot_general(
            tri, blk, dnn, precision=jax.lax.Precision.HIGHEST,
            preferred_element_type=jnp.float32) + run)
        run = run + jnp.sum(blk, axis=0, keepdims=True)
    excl = jnp.concatenate(chunks, axis=0)
    cnt = run
    triE = (jax.lax.broadcasted_iota(jnp.int32, (E, E), 0)
            < jax.lax.broadcasted_iota(jnp.int32, (E, E), 1)
            ).astype(jnp.float32)
    gs = jax.lax.dot_general(cnt, triE, dnn,
                             precision=jax.lax.Precision.HIGHEST,
                             preferred_element_type=jnp.float32)
    d1 = jnp.sum((excl + gs) * c1, axis=-1, keepdims=True)
    d2 = jnp.sum((excl + gs) * c2, axis=-1, keepdims=True)
    dest_ref[...] = jnp.concatenate([d1, d2], axis=1).astype(jnp.int32)

    starts = gs
    ends = gs + cnt
    f = jnp.floor(starts * 0.125) * 8.0
    tiles_per = jnp.where(cnt > 0.0,
                          jnp.floor((ends - f + (T - 1)) * (1.0 / T)), 0.0)
    ntl_ref[...] = tiles_per.astype(jnp.int32)
    fb_ref[...] = f.astype(jnp.int32)
    slo_ref[...] = starts.astype(jnp.int32)
    shi_ref[...] = ends.astype(jnp.int32)

    pexp = jnp.exp(logits - m1)
    probs = pexp / jnp.sum(pexp, axis=-1, keepdims=True)
    probs_sum = jnp.sum(probs, axis=0)
    loss = jnp.sum(cnt[0] * probs_sum) * (E / (B * K * B))
    loss_ref[...] = jnp.reshape(loss, (1, 1))


def _encoder_call(vis, lang, state, Wf, bf, gf, betaf, Wg):
    return pl.pallas_call(
        _encoder_body,
        out_shape=[
            jax.ShapeDtypeStruct((B, D), jnp.float32),
            jax.ShapeDtypeStruct((B, K), jnp.int32),
            jax.ShapeDtypeStruct((B, K), jnp.float32),
            jax.ShapeDtypeStruct((1, E), jnp.int32),
            jax.ShapeDtypeStruct((1, E), jnp.int32),
            jax.ShapeDtypeStruct((1, E), jnp.int32),
            jax.ShapeDtypeStruct((1, E), jnp.int32),
            jax.ShapeDtypeStruct((1, 1), jnp.float32),
        ],
    )(vis, lang, state, Wf, bf.reshape(1, D), gf.reshape(1, D),
      betaf.reshape(1, D), Wg)


def _sc_permute_call(x, dest_flat):
    info = plsc.get_sparse_core_info()
    nw = info.num_cores * info.num_subcores
    ppw = P // nw
    mesh = plsc.VectorSubcoreMesh(core_axis_name="c", subcore_axis_name="s")

    @functools.partial(
        pl.kernel, mesh=mesh,
        out_type=jax.ShapeDtypeStruct((PPAD, D), jnp.float32),
        scratch_types=[
            pltpu.VMEM((ppw,), jnp.int32),
            pltpu.VMEM((ppw,), jnp.int32),
            pltpu.VMEM((ppw, D), jnp.float32),
            pltpu.SemaphoreType.DMA,
        ],
    )
    def k(x_hbm, tok_hbm, dest_hbm, xs_hbm, tok_v, dest_v, rows_v, sem):
        wid = lax.axis_index("s") * info.num_cores + lax.axis_index("c")
        base = wid * ppw
        pltpu.sync_copy(tok_hbm.at[pl.ds(base, ppw)], tok_v)
        pltpu.async_copy(x_hbm.at[tok_v], rows_v, sem).wait()
        pltpu.sync_copy(dest_hbm.at[pl.ds(base, ppw)], dest_v)
        pltpu.async_copy(rows_v, xs_hbm.at[dest_v], sem).wait()

    tok = jnp.arange(P, dtype=jnp.int32) // K
    return k(x, tok, dest_flat)


def _ffn_body(ntl_ref, fb_ref, lo_ref, hi_ref, xs_ref, ws_ref,
              W1_ref, b1_ref, W2_ref, b2_ref, W3_ref, b3_ref, ge_ref, be_ref,
              y_ref):
    i = pl.program_id(0)
    dn = (((1,), (1,)), ((), ()))
    for s in range(EPB):
        e = i * EPB + s
        f_e = pl.multiple_of(fb_ref[e], 8)
        lo = lo_ref[e]
        hi = hi_ref[e]

        def tile_body(j, _, s=s, f_e=f_e, lo=lo, hi=hi):
            base = pl.multiple_of(f_e + j * T, 8)
            xt = xs_ref[pl.ds(base, T), :]
            h = _gelu(jax.lax.dot_general(
                xt, W1_ref[s], dn, preferred_element_type=jnp.float32)
                + b1_ref[s])
            h = _gelu(jax.lax.dot_general(
                h, W2_ref[s], dn, preferred_element_type=jnp.float32)
                + b2_ref[s])
            h = jax.lax.dot_general(
                h, W3_ref[s], dn, preferred_element_type=jnp.float32) \
                + b3_ref[s]
            y = _ln(xt + h, ge_ref[s], be_ref[s])
            y = y * ws_ref[pl.ds(base, T), :]
            grow = base + jax.lax.broadcasted_iota(jnp.int32, (T, 1), 0)
            m = (grow >= lo) & (grow < hi)
            prev = y_ref[pl.ds(base, T), :]
            y_ref[pl.ds(base, T), :] = jnp.where(m, y, prev)
            return 0

        lax.fori_loop(0, ntl_ref[e], tile_body, 0)


def _ffn_call(ntiles, fbase, seg_lo, seg_hi, xs, ws,
              W1, b1, W2, b2, W3, b3, ge, be):
    grid_spec = pltpu.PrefetchScalarGridSpec(
        num_scalar_prefetch=4,
        grid=(GSTEPS,),
        in_specs=[
            pl.BlockSpec((PPAD, D), lambda i, ntl, fb, lo, hi: (0, 0)),
            pl.BlockSpec((PPAD, 1), lambda i, ntl, fb, lo, hi: (0, 0)),
            pl.BlockSpec((EPB, H, D), lambda i, ntl, fb, lo, hi: (i, 0, 0)),
            pl.BlockSpec((EPB, 1, H), lambda i, ntl, fb, lo, hi: (i, 0, 0)),
            pl.BlockSpec((EPB, D, H), lambda i, ntl, fb, lo, hi: (i, 0, 0)),
            pl.BlockSpec((EPB, 1, D), lambda i, ntl, fb, lo, hi: (i, 0, 0)),
            pl.BlockSpec((EPB, D, D), lambda i, ntl, fb, lo, hi: (i, 0, 0)),
            pl.BlockSpec((EPB, 1, D), lambda i, ntl, fb, lo, hi: (i, 0, 0)),
            pl.BlockSpec((EPB, 1, D), lambda i, ntl, fb, lo, hi: (i, 0, 0)),
            pl.BlockSpec((EPB, 1, D), lambda i, ntl, fb, lo, hi: (i, 0, 0)),
        ],
        out_specs=pl.BlockSpec((PPAD, D), lambda i, ntl, fb, lo, hi: (0, 0)),
    )
    return pl.pallas_call(
        _ffn_body,
        grid_spec=grid_spec,
        out_shape=jax.ShapeDtypeStruct((PPAD, D), jnp.float32),
    )(ntiles, fbase, seg_lo, seg_hi, xs, ws,
      W1, b1.reshape(E, 1, H), W2, b2.reshape(E, 1, D), W3,
      b3.reshape(E, 1, D), ge.reshape(E, 1, D), be.reshape(E, 1, D))


def _sc_combine_call(yw, pos0, pos1):
    info = plsc.get_sparse_core_info()
    nw = info.num_cores * info.num_subcores
    tpw = B // nw
    mesh = plsc.VectorSubcoreMesh(core_axis_name="c", subcore_axis_name="s")

    @functools.partial(
        pl.kernel, mesh=mesh,
        out_type=jax.ShapeDtypeStruct((B, D), jnp.float32),
        scratch_types=[
            pltpu.VMEM((tpw,), jnp.int32),
            pltpu.VMEM((tpw,), jnp.int32),
            pltpu.VMEM((tpw, D), jnp.float32),
            pltpu.VMEM((tpw, D), jnp.float32),
            pltpu.VMEM((tpw, D), jnp.float32),
            pltpu.SemaphoreType.DMA,
        ],
    )
    def k(yw_hbm, p0_hbm, p1_hbm, out_hbm, i0_v, i1_v, r0_v, r1_v, o_v, sem):
        wid = lax.axis_index("s") * info.num_cores + lax.axis_index("c")
        base = wid * tpw
        pltpu.sync_copy(p0_hbm.at[pl.ds(base, tpw)], i0_v)
        pltpu.sync_copy(p1_hbm.at[pl.ds(base, tpw)], i1_v)
        pltpu.async_copy(yw_hbm.at[i0_v], r0_v, sem).wait()
        pltpu.async_copy(yw_hbm.at[i1_v], r1_v, sem).wait()

        def row(i, _):
            for c in range(D // 16):
                sl = pl.ds(c * 16, 16)
                o_v[i, sl] = r0_v[i, sl] + r1_v[i, sl]
            return 0

        lax.fori_loop(0, tpw, row, 0)
        pltpu.sync_copy(o_v, out_hbm.at[pl.ds(base, tpw)])

    return k(yw, pos0, pos1)


def kernel(vis, lang, state, Wf, bf, gf, betaf, Wg, W1, b1, W2, b2, W3, b3,
           ge, be):
    (x, dest, w12, ntiles, fbase, seg_lo, seg_hi,
     loss) = _encoder_call(vis, lang, state, Wf, bf, gf, betaf, Wg)
    dest_flat = dest.reshape(-1)
    xs = _sc_permute_call(x, dest_flat)
    ws = jnp.zeros((PPAD,), jnp.float32).at[dest_flat].set(
        w12.reshape(-1)).reshape(PPAD, 1)
    yw = _ffn_call(ntiles.reshape(E), fbase.reshape(E), seg_lo.reshape(E),
                   seg_hi.reshape(E), xs, ws, W1, b1, W2, b2, W3, b3, ge, be)
    out = _sc_combine_call(yw, dest[:, 0], dest[:, 1])
    return (out, loss.reshape(()))

# --- scband reference (transcript-rebuilt; emitter-appended) ---
"""Pipeline reference for scband-vlamodel-24395414241412 (READ-ONLY COPY).

The authoritative reference and input builder live on the scoring server;
editing this copy changes nothing except your own understanding.
"""

import jax, jax.numpy as jnp
import numpy as np

B = 2048
D_VIS, D_LANG, D_STATE = 256, 128, 128
D_MODEL = 256
N_EXPERTS = 64
TOP_K = 2


def _layernorm(x, g, b, eps=1e-5):
    m = x.mean(-1, keepdims=True)
    v = ((x - m) ** 2).mean(-1, keepdims=True)
    return (x - m) / jnp.sqrt(v + eps) * g + b


def setup_inputs(seed: int = 0) -> dict:
    key = jax.random.key(seed)
    ks = jax.random.split(key, 16)
    d_in = D_VIS + D_LANG + D_STATE
    s = 0.02
    E, D, H = N_EXPERTS, D_MODEL, 2 * D_MODEL
    return {
        "vis": jax.random.normal(ks[0], (B, D_VIS), jnp.float32),
        "lang": jax.random.normal(ks[1], (B, D_LANG), jnp.float32),
        "state": jax.random.normal(ks[2], (B, D_STATE), jnp.float32),
        "Wf": jax.random.normal(ks[3], (D, d_in), jnp.float32) * s,
        "bf": jnp.zeros((D,), jnp.float32),
        "gf": jnp.ones((D,), jnp.float32),
        "betaf": jnp.zeros((D,), jnp.float32),
        "Wg": jax.random.normal(ks[4], (E, D), jnp.float32) * s,
        "W1": jax.random.normal(ks[5], (E, H, D), jnp.float32) * s,
        "b1": jnp.zeros((E, H), jnp.float32),
        "W2": jax.random.normal(ks[6], (E, D, H), jnp.float32) * s,
        "b2": jnp.zeros((E, D), jnp.float32),
        "W3": jax.random.normal(ks[7], (E, D, D), jnp.float32) * s,
        "b3": jnp.zeros((E, D), jnp.float32),
        "ge": jnp.ones((E, D), jnp.float32),
        "be": jnp.zeros((E, D), jnp.float32),
    }


def reference(vis, lang, state, Wf, bf, gf, betaf, Wg, W1, b1, W2, b2, W3, b3, ge, be):
    # fusion: Linear -> LayerNorm -> GELU
    x = jnp.concatenate([vis, lang, state], axis=-1) @ Wf.T + bf
    x = jax.nn.gelu(_layernorm(x, gf, betaf), approximate=False)
    # gating
    logits = x @ Wg.T                               # [B, E]
    all_probs = jax.nn.softmax(logits, axis=-1)
    top_vals, top_idx = jax.lax.top_k(logits, TOP_K)
    top_w = jax.nn.softmax(top_vals, axis=-1)       # [B, K]
    # combine weights per (token, expert); zero where not routed -> math-equivalent
    # to torch's masked per-expert dispatch loop
    combine = jnp.sum(top_w[..., None] * jax.nn.one_hot(top_idx, N_EXPERTS, dtype=x.dtype), axis=1)  # [B, E]
    # experts: 3-layer FFN with residual + LayerNorm (dropout is eval-mode identity)
    h = jax.nn.gelu(jnp.einsum('bd,ehd->beh', x, W1) + b1, approximate=False)   # [B, E, 2D]
    h = jax.nn.gelu(jnp.einsum('beh,edh->bed', h, W2) + b2, approximate=False)  # [B, E, D]
    h = jnp.einsum('bed,efd->bef', h, W3) + b3                                  # [B, E, D]
    expert_out = _layernorm(x[:, None, :] + h, ge, be)                          # [B, E, D]
    out = jnp.einsum('be,bed->bd', combine, expert_out)                         # [B, D]
    # load-balancing aux loss: counts via scatter-add of ones at top_idx
    counts = jnp.zeros((N_EXPERTS,), x.dtype).at[top_idx.reshape(-1)].add(1.0)
    f_i = counts / (B * TOP_K)
    lb_loss = N_EXPERTS * jnp.sum(f_i * all_probs.mean(0))
    return (out, lb_loss)

if __name__ == "__main__":
    import jax
    _d = setup_inputs()
    print(jax.jit(kernel)(*tuple(_d.values())))

</pallas_src>

<mosaic_0001>
#map = affine_map<(d0, d1) -> (0, 0)>
#map1 = affine_map<(d0, d1) -> (0)>
module attributes {stable_mosaic.version = 14 : i64} {
  func.func @k(%arg0: i32, %arg1: i32, %arg2: memref<4224x256xf32, #tpu.memory_space<hbm>>, %arg3: memref<2048xi32, #tpu.memory_space<hbm>>, %arg4: memref<2048xi32, #tpu.memory_space<hbm>>, %arg5: memref<2048x256xf32, #tpu.memory_space<hbm>>, %arg6: memref<64xi32, #tpu.memory_space<vmem>>, %arg7: memref<64xi32, #tpu.memory_space<vmem>>, %arg8: memref<64x256xf32, #tpu.memory_space<vmem>>, %arg9: memref<64x256xf32, #tpu.memory_space<vmem>>, %arg10: memref<64x256xf32, #tpu.memory_space<vmem>>, %arg11: memref<!tpu.dma_semaphore, #tpu.memory_space<semaphore_mem>>) attributes {dimension_semantics = [#tpu.dimension_semantics<core_parallel>, #tpu.dimension_semantics<subcore_parallel>], iteration_bounds = array<i64: 2, 16>, scalar_prefetch = 0 : i64, scratch_operands = 6 : i64, tpu.core_type = #tpu.core_type<sc_vector_subcore>, window_params = [{transform_indices = #map}, {transform_indices = #map1}, {transform_indices = #map1}, {transform_indices = #map}]} {
    %mul3A = arith.constant 2 : i32
    %mul3A_0 = arith.muli %arg1, %mul3A : i32
    %add3A = arith.addi %mul3A_0, %arg0 : i32
    %mul3A_1 = arith.constant 64 : i32
    %mul3A_2 = arith.muli %add3A, %mul3A_1 : i32
    "tpu.region"() ({
      %run_scoped3A = tpu.sem_alloc : memref<!tpu.dma_semaphore, #tpu.memory_space<semaphore_mem>>
      %dma_start3A_19 = tpu.memref_slice %arg3[%mul3A_2] : memref<2048xi32, #tpu.memory_space<hbm>> -> memref<64xi32, #tpu.memory_space<hbm>>
      %dma_start3A_20 = tpu.memref_slice %arg3[%mul3A_2] : memref<2048xi32, #tpu.memory_space<hbm>> -> memref<64xi32, #tpu.memory_space<hbm>>
      tpu.enqueue_dma source(%dma_start3A_20 : memref<64xi32, #tpu.memory_space<hbm>>) target(%arg6 : memref<64xi32, #tpu.memory_space<vmem>>) target_semaphore(%run_scoped3A : memref<!tpu.dma_semaphore, #tpu.memory_space<semaphore_mem>>)
      %dma_wait3A_21 = tpu.memref_slice %arg3[%mul3A_2] : memref<2048xi32, #tpu.memory_space<hbm>> -> memref<64xi32, #tpu.memory_space<hbm>>
      %dma_wait3A_22 = tpu.memref_slice %arg3[%mul3A_2] : memref<2048xi32, #tpu.memory_space<hbm>> -> memref<64xi32, #tpu.memory_space<hbm>>
      tpu.wait_dma2 semaphore(%run_scoped3A : memref<!tpu.dma_semaphore, #tpu.memory_space<semaphore_mem>>) src(%dma_wait3A_22 : memref<64xi32, #tpu.memory_space<hbm>>) dst(%arg6 : memref<64xi32, #tpu.memory_space<vmem>>)
      tpu.yield
    }) : () -> ()
    "tpu.region"() ({
      %run_scoped3A = tpu.sem_alloc : memref<!tpu.dma_semaphore, #tpu.memory_space<semaphore_mem>>
      %dma_start3A_19 = tpu.memref_slice %arg4[%mul3A_2] : memref<2048xi32, #tpu.memory_space<hbm>> -> memref<64xi32, #tpu.memory_space<hbm>>
      %dma_start3A_20 = tpu.memref_slice %arg4[%mul3A_2] : memref<2048xi32, #tpu.memory_space<hbm>> -> memref<64xi32, #tpu.memory_space<hbm>>
      tpu.enqueue_dma source(%dma_start3A_20 : memref<64xi32, #tpu.memory_space<hbm>>) target(%arg7 : memref<64xi32, #tpu.memory_space<vmem>>) target_semaphore(%run_scoped3A : memref<!tpu.dma_semaphore, #tpu.memory_space<semaphore_mem>>)
      %dma_wait3A_21 = tpu.memref_slice %arg4[%mul3A_2] : memref<2048xi32, #tpu.memory_space<hbm>> -> memref<64xi32, #tpu.memory_space<hbm>>
      %dma_wait3A_22 = tpu.memref_slice %arg4[%mul3A_2] : memref<2048xi32, #tpu.memory_space<hbm>> -> memref<64xi32, #tpu.memory_space<hbm>>
      tpu.wait_dma2 semaphore(%run_scoped3A : memref<!tpu.dma_semaphore, #tpu.memory_space<semaphore_mem>>) src(%dma_wait3A_22 : memref<64xi32, #tpu.memory_space<hbm>>) dst(%arg7 : memref<64xi32, #tpu.memory_space<vmem>>)
      tpu.yield
    }) : () -> ()
    %dma_start3A = arith.constant 0 : i32
    %dma_start3A_3 = arith.constant 0 : i32
    %dma_start3A_4 = tpu.memref_slice %arg2[%dma_start3A, %dma_start3A_3] : memref<4224x256xf32, #tpu.memory_space<hbm>> -> memref<4224x256xf32, #tpu.memory_space<hbm>>
    tpu.enqueue_indirect_dma source(%dma_start3A_4 : memref<4224x256xf32, #tpu.memory_space<hbm>>) target(%arg8 : memref<64x256xf32, #tpu.memory_space<vmem>>) offsets(%arg6 : memref<64xi32, #tpu.memory_space<vmem>>) semaphore(%arg11 : memref<!tpu.dma_semaphore, #tpu.memory_space<semaphore_mem>>)
    %dma_wait3A = arith.constant 0 : i32
    %dma_wait3A_5 = arith.constant 0 : i32
    %dma_wait3A_6 = tpu.memref_slice %arg2[%dma_wait3A, %dma_wait3A_5] : memref<4224x256xf32, #tpu.memory_space<hbm>> -> memref<4224x256xf32, #tpu.memory_space<hbm>>
    tpu.wait_indirect_dma semaphore(%arg11 : memref<!tpu.dma_semaphore, #tpu.memory_space<semaphore_mem>>) src(%dma_wait3A_6 : memref<4224x256xf32, #tpu.memory_space<hbm>>) dst(%arg8 : memref<64x256xf32, #tpu.memory_space<vmem>>)
    %dma_start3A_7 = arith.constant 0 : i32
    %dma_start3A_8 = arith.constant 0 : i32
    %dma_start3A_9 = tpu.memref_slice %arg2[%dma_start3A_7, %dma_start3A_8] : memref<4224x256xf32, #tpu.memory_space<hbm>> -> memref<4224x256xf32, #tpu.memory_space<hbm>>
    tpu.enqueue_indirect_dma source(%dma_start3A_9 : memref<4224x256xf32, #tpu.memory_space<hbm>>) target(%arg9 : memref<64x256xf32, #tpu.memory_space<vmem>>) offsets(%arg7 : memref<64xi32, #tpu.memory_space<vmem>>) semaphore(%arg11 : memref<!tpu.dma_semaphore, #tpu.memory_space<semaphore_mem>>)
    %dma_wait3A_10 = arith.constant 0 : i32
    %dma_wait3A_11 = arith.constant 0 : i32
    %dma_wait3A_12 = tpu.memref_slice %arg2[%dma_wait3A_10, %dma_wait3A_11] : memref<4224x256xf32, #tpu.memory_space<hbm>> -> memref<4224x256xf32, #tpu.memory_space<hbm>>
    tpu.wait_indirect_dma semaphore(%arg11 : memref<!tpu.dma_semaphore, #tpu.memory_space<semaphore_mem>>) src(%dma_wait3A_12 : memref<4224x256xf32, #tpu.memory_space<hbm>>) dst(%arg9 : memref<64x256xf32, #tpu.memory_space<vmem>>)
    %scan3A = arith.constant 0 : i32
    %scan3A_13 = arith.constant 0 : i32
    %scan3A_14 = arith.constant 64 : i32
    %scan3A_15 = arith.addi %scan3A_13, %scan3A_14 : i32
    %scan3A_16 = arith.constant 1 : i32
    %scan3A_17 = scf.for %scan3A_19 = %scan3A_13 to %scan3A_15 step %scan3A_16 iter_args(%scan3A_20 = %scan3A) -> (i32)  : i32 {
      %get3A = arith.index_cast %scan3A_19 : i32 to index
      %get3A_21 = arith.constant 0 : index
      %get3A_22 = tpu.vector_load %arg8[%get3A, %get3A_21] {strides = array<i32>} : memref<64x256xf32, #tpu.memory_space<vmem>>, vector<1x16xf32>,
      %get3A_23 = vector.shape_cast %get3A_22 : vector<1x16xf32> to vector<16xf32>
      %get3A_24 = arith.index_cast %scan3A_19 : i32 to index
      %get3A_25 = arith.constant 0 : index
      %get3A_26 = tpu.vector_load %arg9[%get3A_24, %get3A_25] {strides = array<i32>} : memref<64x256xf32, #tpu.memory_space<vmem>>, vector<1x16xf32>,
      %get3A_27 = vector.shape_cast %get3A_26 : vector<1x16xf32> to vector<16xf32>
      %add3A_28 = arith.addf %get3A_23, %get3A_27 : vector<16xf32>
      %swap3A = arith.index_cast %scan3A_19 : i32 to index
      %swap3A_29 = arith.constant 0 : index
      %swap3A_30 = tpu.vector_load %arg10[%swap3A, %swap3A_29] {strides = array<i32>} : memref<64x256xf32, #tpu.memory_space<vmem>>, vector<1x16xf32>,
      %swap3A_31 = vector.shape_cast %swap3A_30 : vector<1x16xf32> to vector<16xf32>
      %swap3A_32 = vector.shape_cast %add3A_28 : vector<16xf32> to vector<1x16xf32>
      tpu.vector_store %arg10[%swap3A, %swap3A_29], %swap3A_32 {strides = array<i32>} : memref<64x256xf32, #tpu.memory_space<vmem>>, vector<1x16xf32>,
      %get3A_33 = arith.index_cast %scan3A_19 : i32 to index
      %get3A_34 = arith.constant 16 : index
      %get3A_35 = tpu.vector_load %arg8[%get3A_33, %get3A_34] {strides = array<i32>} : memref<64x256xf32, #tpu.memory_space<vmem>>, vector<1x16xf32>,
      %get3A_36 = vector.shape_cast %get3A_35 : vector<1x16xf32> to vector<16xf32>
      %get3A_37 = arith.index_cast %scan3A_19 : i32 to index
      %get3A_38 = arith.constant 16 : index
      %get3A_39 = tpu.vector_load %arg9[%get3A_37, %get3A_38] {strides = array<i32>} : memref<64x256xf32, #tpu.memory_space<vmem>>, vector<1x16xf32>,
      %get3A_40 = vector.shape_cast %get3A_39 : vector<1x16xf32> to vector<16xf32>
      %add3A_41 = arith.addf %get3A_36, %get3A_40 : vector<16xf32>
      %swap3A_42 = arith.index_cast %scan3A_19 : i32 to index
      %swap3A_43 = arith.constant 16 : index
      %swap3A_44 = tpu.vector_load %arg10[%swap3A_42, %swap3A_43] {strides = array<i32>} : memref<64x256xf32, #tpu.memory_space<vmem>>, vector<1x16xf32>,
      %swap3A_45 = vector.shape_cast %swap3A_44 : vector<1x16xf32> to vector<16xf32>
      %swap3A_46 = vector.shape_cast %add3A_41 : vector<16xf32> to vector<1x16xf32>
      tpu.vector_store %arg10[%swap3A_42, %swap3A_43], %swap3A_46 {strides = array<i32>} : memref<64x256xf32, #tpu.memory_space<vmem>>, vector<1x16xf32>,
      %get3A_47 = arith.index_cast %scan3A_19 : i32 to index
      %get3A_48 = arith.constant 32 : index
      %get3A_49 = tpu.vector_load %arg8[%get3A_47, %get3A_48] {strides = array<i32>} : memref<64x256xf32, #tpu.memory_space<vmem>>, vector<1x16xf32>,
      %get3A_50 = vector.shape_cast %get3A_49 : vector<1x16xf32> to vector<16xf32>
      %get3A_51 = arith.index_cast %scan3A_19 : i32 to index
      %get3A_52 = arith.constant 32 : index
      %get3A_53 = tpu.vector_load %arg9[%get3A_51, %get3A_52] {strides = array<i32>} : memref<64x256xf32, #tpu.memory_space<vmem>>, vector<1x16xf32>,
      %get3A_54 = vector.shape_cast %get3A_53 : vector<1x16xf32> to vector<16xf32>
      %add3A_55 = arith.addf %get3A_50, %get3A_54 : vector<16xf32>
      %swap3A_56 = arith.index_cast %scan3A_19 : i32 to index
      %swap3A_57 = arith.constant 32 : index
      %swap3A_58 = tpu.vector_load %arg10[%swap3A_56, %swap3A_57] {strides = array<i32>} : memref<64x256xf32, #tpu.memory_space<vmem>>, vector<1x16xf32>,
      %swap3A_59 = vector.shape_cast %swap3A_58 : vector<1x16xf32> to vector<16xf32>
      %swap3A_60 = vector.shape_cast %add3A_55 : vector<16xf32> to vector<1x16xf32>
      tpu.vector_store %arg10[%swap3A_56, %swap3A_57], %swap3A_60 {strides = array<i32>} : memref<64x256xf32, #tpu.memory_space<vmem>>, vector<1x16xf32>,
      %get3A_61 = arith.index_cast %scan3A_19 : i32 to index
      %get3A_62 = arith.constant 48 : index
      %get3A_63 = tpu.vector_load %arg8[%get3A_61, %get3A_62] {strides = array<i32>} : memref<64x256xf32, #tpu.memory_space<vmem>>, vector<1x16xf32>,
      %get3A_64 = vector.shape_cast %get3A_63 : vector<1x16xf32> to vector<16xf32>
      %get3A_65 = arith.index_cast %scan3A_19 : i32 to index
      %get3A_66 = arith.constant 48 : index
      %get3A_67 = tpu.vector_load %arg9[%get3A_65, %get3A_66] {strides = array<i32>} : memref<64x256xf32, #tpu.memory_space<vmem>>, vector<1x16xf32>,
      %get3A_68 = vector.shape_cast %get3A_67 : vector<1x16xf32> to vector<16xf32>
      %add3A_69 = arith.addf %get3A_64, %get3A_68 : vector<16xf32>
      %swap3A_70 = arith.index_cast %scan3A_19 : i32 to index
      %swap3A_71 = arith.constant 48 : index
      %swap3A_72 = tpu.vector_load %arg10[%swap3A_70, %swap3A_71] {strides = array<i32>} : memref<64x256xf32, #tpu.memory_space<vmem>>, vector<1x16xf32>,
      %swap3A_73 = vector.shape_cast %swap3A_72 : vector<1x16xf32> to vector<16xf32>
      %swap3A_74 = vector.shape_cast %add3A_69 : vector<16xf32> to vector<1x16xf32>
      tpu.vector_store %arg10[%swap3A_70, %swap3A_71], %swap3A_74 {strides = array<i32>} : memref<64x256xf32, #tpu.memory_space<vmem>>, vector<1x16xf32>,
      %get3A_75 = arith.index_cast %scan3A_19 : i32 to index
      %get3A_76 = arith.constant 64 : index
      %get3A_77 = tpu.vector_load %arg8[%get3A_75, %get3A_76] {strides = array<i32>} : memref<64x256xf32, #tpu.memory_space<vmem>>, vector<1x16xf32>,
      %get3A_78 = vector.shape_cast %get3A_77 : vector<1x16xf32> to vector<16xf32>
      %get3A_79 = arith.index_cast %scan3A_19 : i32 to index
      %get3A_80 = arith.constant 64 : index
      %get3A_81 = tpu.vector_load %arg9[%get3A_79, %get3A_80] {strides = array<i32>} : memref<64x256xf32, #tpu.memory_space<vmem>>, vector<1x16xf32>,
      %get3A_82 = vector.shape_cast %get3A_81 : vector<1x16xf32> to vector<16xf32>
      %add3A_83 = arith.addf %get3A_78, %get3A_82 : vector<16xf32>
      %swap3A_84 = arith.index_cast %scan3A_19 : i32 to index
      %swap3A_85 = arith.constant 64 : index
      %swap3A_86 = tpu.vector_load %arg10[%swap3A_84, %swap3A_85] {strides = array<i32>} : memref<64x256xf32, #tpu.memory_space<vmem>>, vector<1x16xf32>,
      %swap3A_87 = vector.shape_cast %swap3A_86 : vector<1x16xf32> to vector<16xf32>
      %swap3A_88 = vector.shape_cast %add3A_83 : vector<16xf32> to vector<1x16xf32>
      tpu.vector_store %arg10[%swap3A_84, %swap3A_85], %swap3A_88 {strides = array<i32>} : memref<64x256xf32, #tpu.memory_space<vmem>>, vector<1x16xf32>,
      %get3A_89 = arith.index_cast %scan3A_19 : i32 to index
      %get3A_90 = arith.constant 80 : index
      %get3A_91 = tpu.vector_load %arg8[%get3A_89, %get3A_90] {strides = array<i32>} : memref<64x256xf32, #tpu.memory_space<vmem>>, vector<1x16xf32>,
      %get3A_92 = vector.shape_cast %get3A_91 : vector<1x16xf32> to vector<16xf32>
      %get3A_93 = arith.index_cast %scan3A_19 : i32 to index
      %get3A_94 = arith.constant 80 : index
      %get3A_95 = tpu.vector_load %arg9[%get3A_93, %get3A_94] {strides = array<i32>} : memref<64x256xf32, #tpu.memory_space<vmem>>, vector<1x16xf32>,
      %get3A_96 = vector.shape_cast %get3A_95 : vector<1x16xf32> to vector<16xf32>
      %add3A_97 = arith.addf %get3A_92, %get3A_96 : vector<16xf32>
      %swap3A_98 = arith.index_cast %scan3A_19 : i32 to index
      %swap3A_99 = arith.constant 80 : index
      %swap3A_100 = tpu.vector_load %arg10[%swap3A_98, %swap3A_99] {strides = array<i32>} : memref<64x256xf32, #tpu.memory_space<vmem>>, vector<1x16xf32>,
      %swap3A_101 = vector.shape_cast %swap3A_100 : vector<1x16xf32> to vector<16xf32>
      %swap3A_102 = vector.shape_cast %add3A_97 : vector<16xf32> to vector<1x16xf32>
      tpu.vector_store %arg10[%swap3A_98, %swap3A_99], %swap3A_102 {strides = array<i32>} : memref<64x256xf32, #tpu.memory_space<vmem>>, vector<1x16xf32>,
      %get3A_103 = arith.index_cast %scan3A_19 : i32 to index
      %get3A_104 = arith.constant 96 : index
      %get3A_105 = tpu.vector_load %arg8[%get3A_103, %get3A_104] {strides = array<i32>} : memref<64x256xf32, #tpu.memory_space<vmem>>, vector<1x16xf32>,
      %get3A_106 = vector.shape_cast %get3A_105 : vector<1x16xf32> to vector<16xf32>
      %get3A_107 = arith.index_cast %scan3A_19 : i32 to index
      %get3A_108 = arith.constant 96 : index
      %get3A_109 = tpu.vector_load %arg9[%get3A_107, %get3A_108] {strides = array<i32>} : memref<64x256xf32, #tpu.memory_space<vmem>>, vector<1x16xf32>,
      %get3A_110 = vector.shape_cast %get3A_109 : vector<1x16xf32> to vector<16xf32>
      %add3A_111 = arith.addf %get3A_106, %get3A_110 : vector<16xf32>
      %swap3A_112 = arith.index_cast %scan3A_19 : i32 to index
      %swap3A_113 = arith.constant 96 : index
      %swap3A_114 = tpu.vector_load %arg10[%swap3A_112, %swap3A_113] {strides = array<i32>} : memref<64x256xf32, #tpu.memory_space<vmem>>, vector<1x16xf32>,
      %swap3A_115 = vector.shape_cast %swap3A_114 : vector<1x16xf32> to vector<16xf32>
      %swap3A_116 = vector.shape_cast %add3A_111 : vector<16xf32> to vector<1x16xf32>
      tpu.vector_store %arg10[%swap3A_112, %swap3A_113], %swap3A_116 {strides = array<i32>} : memref<64x256xf32, #tpu.memory_space<vmem>>, vector<1x16xf32>,
      %get3A_117 = arith.index_cast %scan3A_19 : i32 to index
      %get3A_118 = arith.constant 112 : index
      %get3A_119 = tpu.vector_load %arg8[%get3A_117, %get3A_118] {strides = array<i32>} : memref<64x256xf32, #tpu.memory_space<vmem>>, vector<1x16xf32>,
      %get3A_120 = vector.shape_cast %get3A_119 : vector<1x16xf32> to vector<16xf32>
      %get3A_121 = arith.index_cast %scan3A_19 : i32 to index
      %get3A_122 = arith.constant 112 : index
      %get3A_123 = tpu.vector_load %arg9[%get3A_121, %get3A_122] {strides = array<i32>} : memref<64x256xf32, #tpu.memory_space<vmem>>, vector<1x16xf32>,
      %get3A_124 = vector.shape_cast %get3A_123 : vector<1x16xf32> to vector<16xf32>
      %add3A_125 = arith.addf %get3A_120, %get3A_124 : vector<16xf32>
      %swap3A_126 = arith.index_cast %scan3A_19 : i32 to index
      %swap3A_127 = arith.constant 112 : index
      %swap3A_128 = tpu.vector_load %arg10[%swap3A_126, %swap3A_127] {strides = array<i32>} : memref<64x256xf32, #tpu.memory_space<vmem>>, vector<1x16xf32>,
      %swap3A_129 = vector.shape_cast %swap3A_128 : vector<1x16xf32> to vector<16xf32>
      %swap3A_130 = vector.shape_cast %add3A_125 : vector<16xf32> to vector<1x16xf32>
      tpu.vector_store %arg10[%swap3A_126, %swap3A_127], %swap3A_130 {strides = array<i32>} : memref<64x256xf32, #tpu.memory_space<vmem>>, vector<1x16xf32>,
      %get3A_131 = arith.index_cast %scan3A_19 : i32 to index
      %get3A_132 = arith.constant 128 : index
      %get3A_133 = tpu.vector_load %arg8[%get3A_131, %get3A_132] {strides = array<i32>} : memref<64x256xf32, #tpu.memory_space<vmem>>, vector<1x16xf32>,
      %get3A_134 = vector.shape_cast %get3A_133 : vector<1x16xf32> to vector<16xf32>
      %get3A_135 = arith.index_cast %scan3A_19 : i32 to index
      %get3A_136 = arith.constant 128 : index
      %get3A_137 = tpu.vector_load %arg9[%get3A_135, %get3A_136] {strides = array<i32>} : memref<64x256xf32, #tpu.memory_space<vmem>>, vector<1x16xf32>,
      %get3A_138 = vector.shape_cast %get3A_137 : vector<1x16xf32> to vector<16xf32>
      %add3A_139 = arith.addf %get3A_134, %get3A_138 : vector<16xf32>
      %swap3A_140 = arith.index_cast %scan3A_19 : i32 to index
      %swap3A_141 = arith.constant 128 : index
      %swap3A_142 = tpu.vector_load %arg10[%swap3A_140, %swap3A_141] {strides = array<i32>} : memref<64x256xf32, #tpu.memory_space<vmem>>, vector<1x16xf32>,
      %swap3A_143 = vector.shape_cast %swap3A_142 : vector<1x16xf32> to vector<16xf32>
      %swap3A_144 = vector.shape_cast %add3A_139 : vector<16xf32> to vector<1x16xf32>
      tpu.vector_store %arg10[%swap3A_140, %swap3A_141], %swap3A_144 {strides = array<i32>} : memref<64x256xf32, #tpu.memory_space<vmem>>, vector<1x16xf32>,
      %get3A_145 = arith.index_cast %scan3A_19 : i32 to index
      %get3A_146 = arith.constant 144 : index
      %get3A_147 = tpu.vector_load %arg8[%get3A_145, %get3A_146] {strides = array<i32>} : memref<64x256xf32, #tpu.memory_space<vmem>>, vector<1x16xf32>,
      %get3A_148 = vector.shape_cast %get3A_147 : vector<1x16xf32> to vector<16xf32>
      %get3A_149 = arith.index_cast %scan3A_19 : i32 to index
      %get3A_150 = arith.constant 144 : index
      %get3A_151 = tpu.vector_load %arg9[%get3A_149, %get3A_150] {strides = array<i32>} : memref<64x256xf32, #tpu.memory_space<vmem>>, vector<1x16xf32>,
      %get3A_152 = vector.shape_cast %get3A_151 : vector<1x16xf32> to vector<16xf32>
      %add3A_153 = arith.addf %get3A_148, %get3A_152 : vector<16xf32>
      %swap3A_154 = arith.index_cast %scan3A_19 : i32 to index
      %swap3A_155 = arith.constant 144 : index
      %swap3A_156 = tpu.vector_load %arg10[%swap3A_154, %swap3A_155] {strides = array<i32>} : memref<64x256xf32, #tpu.memory_space<vmem>>, vector<1x16xf32>,
      %swap3A_157 = vector.shape_cast %swap3A_156 : vector<1x16xf32> to vector<16xf32>
      %swap3A_158 = vector.shape_cast %add3A_153 : vector<16xf32> to vector<1x16xf32>
      tpu.vector_store %arg10[%swap3A_154, %swap3A_155], %swap3A_158 {strides = array<i32>} : memref<64x256xf32, #tpu.memory_space<vmem>>, vector<1x16xf32>,
      %get3A_159 = arith.index_cast %scan3A_19 : i32 to index
      %get3A_160 = arith.constant 160 : index
      %get3A_161 = tpu.vector_load %arg8[%get3A_159, %get3A_160] {strides = array<i32>} : memref<64x256xf32, #tpu.memory_space<vmem>>, vector<1x16xf32>,
      %get3A_162 = vector.shape_cast %get3A_161 : vector<1x16xf32> to vector<16xf32>
      %get3A_163 = arith.index_cast %scan3A_19 : i32 to index
      %get3A_164 = arith.constant 160 : index
      %get3A_165 = tpu.vector_load %arg9[%get3A_163, %get3A_164] {strides = array<i32>} : memref<64x256xf32, #tpu.memory_space<vmem>>, vector<1x16xf32>,
      %get3A_166 = vector.shape_cast %get3A_165 : vector<1x16xf32> to vector<16xf32>
      %add3A_167 = arith.addf %get3A_162, %get3A_166 : vector<16xf32>
      %swap3A_168 = arith.index_cast %scan3A_19 : i32 to index
      %swap3A_169 = arith.constant 160 : index
      %swap3A_170 = tpu.vector_load %arg10[%swap3A_168, %swap3A_169] {strides = array<i32>} : memref<64x256xf32, #tpu.memory_space<vmem>>, vector<1x16xf32>,
      %swap3A_171 = vector.shape_cast %swap3A_170 : vector<1x16xf32> to vector<16xf32>
      %swap3A_172 = vector.shape_cast %add3A_167 : vector<16xf32> to vector<1x16xf32>
      tpu.vector_store %arg10[%swap3A_168, %swap3A_169], %swap3A_172 {strides = array<i32>} : memref<64x256xf32, #tpu.memory_space<vmem>>, vector<1x16xf32>,
      %get3A_173 = arith.index_cast %scan3A_19 : i32 to index
      %get3A_174 = arith.constant 176 : index
      %get3A_175 = tpu.vector_load %arg8[%get3A_173, %get3A_174] {strides = array<i32>} : memref<64x256xf32, #tpu.memory_space<vmem>>, vector<1x16xf32>,
      %get3A_176 = vector.shape_cast %get3A_175 : vector<1x16xf32> to vector<16xf32>
      %get3A_177 = arith.index_cast %scan3A_19 : i32 to index
      %get3A_178 = arith.constant 176 : index
      %get3A_179 = tpu.vector_load %arg9[%get3A_177, %get3A_178] {strides = array<i32>} : memref<64x256xf32, #tpu.memory_space<vmem>>, vector<1x16xf32>,
      %get3A_180 = vector.shape_cast %get3A_179 : vector<1x16xf32> to vector<16xf32>
      %add3A_181 = arith.addf %get3A_176, %get3A_180 : vector<16xf32>
      %swap3A_182 = arith.index_cast %scan3A_19 : i32 to index
      %swap3A_183 = arith.constant 176 : index
      %swap3A_184 = tpu.vector_load %arg10[%swap3A_182, %swap3A_183] {strides = array<i32>} : memref<64x256xf32, #tpu.memory_space<vmem>>, vector<1x16xf32>,
      %swap3A_185 = vector.shape_cast %swap3A_184 : vector<1x16xf32> to vector<16xf32>
      %swap3A_186 = vector.shape_cast %add3A_181 : vector<16xf32> to vector<1x16xf32>
      tpu.vector_store %arg10[%swap3A_182, %swap3A_183], %swap3A_186 {strides = array<i32>} : memref<64x256xf32, #tpu.memory_space<vmem>>, vector<1x16xf32>,
      %get3A_187 = arith.index_cast %scan3A_19 : i32 to index
      %get3A_188 = arith.constant 192 : index
      %get3A_189 = tpu.vector_load %arg8[%get3A_187, %get3A_188] {strides = array<i32>} : memref<64x256xf32, #tpu.memory_space<vmem>>, vector<1x16xf32>,
      %get3A_190 = vector.shape_cast %get3A_189 : vector<1x16xf32> to vector<16xf32>
      %get3A_191 = arith.index_cast %scan3A_19 : i32 to index
      %get3A_192 = arith.constant 192 : index
      %get3A_193 = tpu.vector_load %arg9[%get3A_191, %get3A_192] {strides = array<i32>} : memref<64x256xf32, #tpu.memory_space<vmem>>, vector<1x16xf32>,
      %get3A_194 = vector.shape_cast %get3A_193 : vector<1x16xf32> to vector<16xf32>
      %add3A_195 = arith.addf %get3A_190, %get3A_194 : vector<16xf32>
      %swap3A_196 = arith.index_cast %scan3A_19 : i32 to index
      %swap3A_197 = arith.constant 192 : index
      %swap3A_198 = tpu.vector_load %arg10[%swap3A_196, %swap3A_197] {strides = array<i32>} : memref<64x256xf32, #tpu.memory_space<vmem>>, vector<1x16xf32>,
      %swap3A_199 = vector.shape_cast %swap3A_198 : vector<1x16xf32> to vector<16xf32>
      %swap3A_200 = vector.shape_cast %add3A_195 : vector<16xf32> to vector<1x16xf32>
      tpu.vector_store %arg10[%swap3A_196, %swap3A_197], %swap3A_200 {strides = array<i32>} : memref<64x256xf32, #tpu.memory_space<vmem>>, vector<1x16xf32>,
      %get3A_201 = arith.index_cast %scan3A_19 : i32 to index
      %get3A_202 = arith.constant 208 : index
      %get3A_203 = tpu.vector_load %arg8[%get3A_201, %get3A_202] {strides = array<i32>} : memref<64x256xf32, #tpu.memory_space<vmem>>, vector<1x16xf32>,
      %get3A_204 = vector.shape_cast %get3A_203 : vector<1x16xf32> to vector<16xf32>
      %get3A_205 = arith.index_cast %scan3A_19 : i32 to index
      %get3A_206 = arith.constant 208 : index
      %get3A_207 = tpu.vector_load %arg9[%get3A_205, %get3A_206] {strides = array<i32>} : memref<64x256xf32, #tpu.memory_space<vmem>>, vector<1x16xf32>,
      %get3A_208 = vector.shape_cast %get3A_207 : vector<1x16xf32> to vector<16xf32>
      %add3A_209 = arith.addf %get3A_204, %get3A_208 : vector<16xf32>
      %swap3A_210 = arith.index_cast %scan3A_19 : i32 to index
      %swap3A_211 = arith.constant 208 : index
      %swap3A_212 = tpu.vector_load %arg10[%swap3A_210, %swap3A_211] {strides = array<i32>} : memref<64x256xf32, #tpu.memory_space<vmem>>, vector<1x16xf32>,
      %swap3A_213 = vector.shape_cast %swap3A_212 : vector<1x16xf32> to vector<16xf32>
      %swap3A_214 = vector.shape_cast %add3A_209 : vector<16xf32> to vector<1x16xf32>
      tpu.vector_store %arg10[%swap3A_210, %swap3A_211], %swap3A_214 {strides = array<i32>} : memref<64x256xf32, #tpu.memory_space<vmem>>, vector<1x16xf32>,
      %get3A_215 = arith.index_cast %scan3A_19 : i32 to index
      %get3A_216 = arith.constant 224 : index
      %get3A_217 = tpu.vector_load %arg8[%get3A_215, %get3A_216] {strides = array<i32>} : memref<64x256xf32, #tpu.memory_space<vmem>>, vector<1x16xf32>,
      %get3A_218 = vector.shape_cast %get3A_217 : vector<1x16xf32> to vector<16xf32>
      %get3A_219 = arith.index_cast %scan3A_19 : i32 to index
      %get3A_220 = arith.constant 224 : index
      %get3A_221 = tpu.vector_load %arg9[%get3A_219, %get3A_220] {strides = array<i32>} : memref<64x256xf32, #tpu.memory_space<vmem>>, vector<1x16xf32>,
      %get3A_222 = vector.shape_cast %get3A_221 : vector<1x16xf32> to vector<16xf32>
      %add3A_223 = arith.addf %get3A_218, %get3A_222 : vector<16xf32>
      %swap3A_224 = arith.index_cast %scan3A_19 : i32 to index
      %swap3A_225 = arith.constant 224 : index
      %swap3A_226 = tpu.vector_load %arg10[%swap3A_224, %swap3A_225] {strides = array<i32>} : memref<64x256xf32, #tpu.memory_space<vmem>>, vector<1x16xf32>,
      %swap3A_227 = vector.shape_cast %swap3A_226 : vector<1x16xf32> to vector<16xf32>
      %swap3A_228 = vector.shape_cast %add3A_223 : vector<16xf32> to vector<1x16xf32>
      tpu.vector_store %arg10[%swap3A_224, %swap3A_225], %swap3A_228 {strides = array<i32>} : memref<64x256xf32, #tpu.memory_space<vmem>>, vector<1x16xf32>,
      %get3A_229 = arith.index_cast %scan3A_19 : i32 to index
      %get3A_230 = arith.constant 240 : index
      %get3A_231 = tpu.vector_load %arg8[%get3A_229, %get3A_230] {strides = array<i32>} : memref<64x256xf32, #tpu.memory_space<vmem>>, vector<1x16xf32>,
      %get3A_232 = vector.shape_cast %get3A_231 : vector<1x16xf32> to vector<16xf32>
      %get3A_233 = arith.index_cast %scan3A_19 : i32 to index
      %get3A_234 = arith.constant 240 : index
      %get3A_235 = tpu.vector_load %arg9[%get3A_233, %get3A_234] {strides = array<i32>} : memref<64x256xf32, #tpu.memory_space<vmem>>, vector<1x16xf32>,
      %get3A_236 = vector.shape_cast %get3A_235 : vector<1x16xf32> to vector<16xf32>
      %add3A_237 = arith.addf %get3A_232, %get3A_236 : vector<16xf32>
      %swap3A_238 = arith.index_cast %scan3A_19 : i32 to index
      %swap3A_239 = arith.constant 240 : index
      %swap3A_240 = tpu.vector_load %arg10[%swap3A_238, %swap3A_239] {strides = array<i32>} : memref<64x256xf32, #tpu.memory_space<vmem>>, vector<1x16xf32>,
      %swap3A_241 = vector.shape_cast %swap3A_240 : vector<1x16xf32> to vector<16xf32>
      %swap3A_242 = vector.shape_cast %add3A_237 : vector<16xf32> to vector<1x16xf32>
      tpu.vector_store %arg10[%swap3A_238, %swap3A_239], %swap3A_242 {strides = array<i32>} : memref<64x256xf32, #tpu.memory_space<vmem>>, vector<1x16xf32>,
      %scan3A_243 = arith.constant 0 : i32
      scf.yield %scan3A_243 : i32
    }
    %scan3A_18 = arith.constant 64 : i32
    "tpu.region"() ({
      %run_scoped3A = tpu.sem_alloc : memref<!tpu.dma_semaphore, #tpu.memory_space<semaphore_mem>>
      %dma_start3A_19 = arith.constant 0 : i32
      %dma_start3A_20 = tpu.memref_slice %arg5[%mul3A_2, %dma_start3A_19] : memref<2048x256xf32, #tpu.memory_space<hbm>> -> memref<64x256xf32, #tpu.memory_space<hbm>>
      %dma_start3A_21 = arith.constant 0 : i32
      %dma_start3A_22 = tpu.memref_slice %arg5[%mul3A_2, %dma_start3A_21] : memref<2048x256xf32, #tpu.memory_space<hbm>> -> memref<64x256xf32, #tpu.memory_space<hbm>>
      tpu.enqueue_dma source(%arg10 : memref<64x256xf32, #tpu.memory_space<vmem>>) target(%dma_start3A_22 : memref<64x256xf32, #tpu.memory_space<hbm>>) target_semaphore(%run_scoped3A : memref<!tpu.dma_semaphore, #tpu.memory_space<semaphore_mem>>)
      %dma_wait3A_23 = arith.constant 0 : i32
      %dma_wait3A_24 = tpu.memref_slice %arg5[%mul3A_2, %dma_wait3A_23] : memref<2048x256xf32, #tpu.memory_space<hbm>> -> memref<64x256xf32, #tpu.memory_space<hbm>>
      %dma_wait3A_25 = arith.constant 0 : i32
      %dma_wait3A_26 = tpu.memref_slice %arg5[%mul3A_2, %dma_wait3A_25] : memref<2048x256xf32, #tpu.memory_space<hbm>> -> memref<64x256xf32, #tpu.memory_space<hbm>>
      tpu.wait_dma2 semaphore(%run_scoped3A : memref<!tpu.dma_semaphore, #tpu.memory_space<semaphore_mem>>) src(%arg10 : memref<64x256xf32, #tpu.memory_space<vmem>>) dst(%dma_wait3A_26 : memref<64x256xf32, #tpu.memory_space<hbm>>)
      tpu.yield
    }) : () -> ()
    return
  }
}

#map = affine_map<(d0, d1) -> (0, 0)>
#map1 = affine_map<(d0, d1) -> (0)>
module attributes {stable_mosaic.version = 14 : i64} {
  func.func @k(%arg0: i32, %arg1: i32, %arg2: memref<2048x256xf32, #tpu.memory_space<hbm>>, %arg3: memref<4096xi32, #tpu.memory_space<hbm>>, %arg4: memref<4096xi32, #tpu.memory_space<hbm>>, %arg5: memref<4224x256xf32, #tpu.memory_space<hbm>>, %arg6: memref<128xi32, #tpu.memory_space<vmem>>, %arg7: memref<128xi32, #tpu.memory_space<vmem>>, %arg8: memref<128x256xf32, #tpu.memory_space<vmem>>, %arg9: memref<!tpu.dma_semaphore, #tpu.memory_space<semaphore_mem>>) attributes {dimension_semantics = [#tpu.dimension_semantics<core_parallel>, #tpu.dimension_semantics<subcore_parallel>], iteration_bounds = array<i64: 2, 16>, scalar_prefetch = 0 : i64, scratch_operands = 4 : i64, tpu.core_type = #tpu.core_type<sc_vector_subcore>, window_params = [{transform_indices = #map}, {transform_indices = #map1}, {transform_indices = #map1}, {transform_indices = #map}]} {
    %mul3A = arith.constant 2 : i32
    %mul3A_0 = arith.muli %arg1, %mul3A : i32
    %add3A = arith.addi %mul3A_0, %arg0 : i32
    %mul3A_1 = arith.constant 128 : i32
    %mul3A_2 = arith.muli %add3A, %mul3A_1 : i32
    "tpu.region"() ({
      %run_scoped3A = tpu.sem_alloc : memref<!tpu.dma_semaphore, #tpu.memory_space<semaphore_mem>>
      %dma_start3A_13 = tpu.memref_slice %arg3[%mul3A_2] : memref<4096xi32, #tpu.memory_space<hbm>> -> memref<128xi32, #tpu.memory_space<hbm>>
      %dma_start3A_14 = tpu.memref_slice %arg3[%mul3A_2] : memref<4096xi32, #tpu.memory_space<hbm>> -> memref<128xi32, #tpu.memory_space<hbm>>
      tpu.enqueue_dma source(%dma_start3A_14 : memref<128xi32, #tpu.memory_space<hbm>>) target(%arg6 : memref<128xi32, #tpu.memory_space<vmem>>) target_semaphore(%run_scoped3A : memref<!tpu.dma_semaphore, #tpu.memory_space<semaphore_mem>>)
      %dma_wait3A_15 = tpu.memref_slice %arg3[%mul3A_2] : memref<4096xi32, #tpu.memory_space<hbm>> -> memref<128xi32, #tpu.memory_space<hbm>>
      %dma_wait3A_16 = tpu.memref_slice %arg3[%mul3A_2] : memref<4096xi32, #tpu.memory_space<hbm>> -> memref<128xi32, #tpu.memory_space<hbm>>
      tpu.wait_dma2 semaphore(%run_scoped3A : memref<!tpu.dma_semaphore, #tpu.memory_space<semaphore_mem>>) src(%dma_wait3A_16 : memref<128xi32, #tpu.memory_space<hbm>>) dst(%arg6 : memref<128xi32, #tpu.memory_space<vmem>>)
      tpu.yield
    }) : () -> ()
    %dma_start3A = arith.constant 0 : i32
    %dma_start3A_3 = arith.constant 0 : i32
    %dma_start3A_4 = tpu.memref_slice %arg2[%dma_start3A, %dma_start3A_3] : memref<2048x256xf32, #tpu.memory_space<hbm>> -> memref<2048x256xf32, #tpu.memory_space<hbm>>
    tpu.enqueue_indirect_dma source(%dma_start3A_4 : memref<2048x256xf32, #tpu.memory_space<hbm>>) target(%arg8 : memref<128x256xf32, #tpu.memory_space<vmem>>) offsets(%arg6 : memref<128xi32, #tpu.memory_space<vmem>>) semaphore(%arg9 : memref<!tpu.dma_semaphore, #tpu.memory_space<semaphore_mem>>)
    %dma_wait3A = arith.constant 0 : i32
    %dma_wait3A_5 = arith.constant 0 : i32
    %dma_wait3A_6 = tpu.memref_slice %arg2[%dma_wait3A, %dma_wait3A_5] : memref<2048x256xf32, #tpu.memory_space<hbm>> -> memref<2048x256xf32, #tpu.memory_space<hbm>>
    tpu.wait_indirect_dma semaphore(%arg9 : memref<!tpu.dma_semaphore, #tpu.memory_space<semaphore_mem>>) src(%dma_wait3A_6 : memref<2048x256xf32, #tpu.memory_space<hbm>>) dst(%arg8 : memref<128x256xf32, #tpu.memory_space<vmem>>)
    "tpu.region"() ({
      %run_scoped3A = tpu.sem_alloc : memref<!tpu.dma_semaphore, #tpu.memory_space<semaphore_mem>>
      %dma_start3A_13 = tpu.memref_slice %arg4[%mul3A_2] : memref<4096xi32, #tpu.memory_space<hbm>> -> memref<128xi32, #tpu.memory_space<hbm>>
      %dma_start3A_14 = tpu.memref_slice %arg4[%mul3A_2] : memref<4096xi32, #tpu.memory_space<hbm>> -> memref<128xi32, #tpu.memory_space<hbm>>
      tpu.enqueue_dma source(%dma_start3A_14 : memref<128xi32, #tpu.memory_space<hbm>>) target(%arg7 : memref<128xi32, #tpu.memory_space<vmem>>) target_semaphore(%run_scoped3A : memref<!tpu.dma_semaphore, #tpu.memory_space<semaphore_mem>>)
      %dma_wait3A_15 = tpu.memref_slice %arg4[%mul3A_2] : memref<4096xi32, #tpu.memory_space<hbm>> -> memref<128xi32, #tpu.memory_space<hbm>>
      %dma_wait3A_16 = tpu.memref_slice %arg4[%mul3A_2] : memref<4096xi32, #tpu.memory_space<hbm>> -> memref<128xi32, #tpu.memory_space<hbm>>
      tpu.wait_dma2 semaphore(%run_scoped3A : memref<!tpu.dma_semaphore, #tpu.memory_space<semaphore_mem>>) src(%dma_wait3A_16 : memref<128xi32, #tpu.memory_space<hbm>>) dst(%arg7 : memref<128xi32, #tpu.memory_space<vmem>>)
      tpu.yield
    }) : () -> ()
    %dma_start3A_7 = arith.constant 0 : i32
    %dma_start3A_8 = arith.constant 0 : i32
    %dma_start3A_9 = tpu.memref_slice %arg5[%dma_start3A_7, %dma_start3A_8] : memref<4224x256xf32, #tpu.memory_space<hbm>> -> memref<4224x256xf32, #tpu.memory_space<hbm>>
    tpu.enqueue_indirect_dma source(%arg8 : memref<128x256xf32, #tpu.memory_space<vmem>>) target(%dma_start3A_9 : memref<4224x256xf32, #tpu.memory_space<hbm>>) offsets(%arg7 : memref<128xi32, #tpu.memory_space<vmem>>) semaphore(%arg9 : memref<!tpu.dma_semaphore, #tpu.memory_space<semaphore_mem>>)
    %dma_wait3A_10 = arith.constant 0 : i32
    %dma_wait3A_11 = arith.constant 0 : i32
    %dma_wait3A_12 = tpu.memref_slice %arg5[%dma_wait3A_10, %dma_wait3A_11] : memref<4224x256xf32, #tpu.memory_space<hbm>> -> memref<4224x256xf32, #tpu.memory_space<hbm>>
    tpu.wait_indirect_dma semaphore(%arg9 : memref<!tpu.dma_semaphore, #tpu.memory_space<semaphore_mem>>) src(%arg8 : memref<128x256xf32, #tpu.memory_space<vmem>>) dst(%dma_wait3A_12 : memref<4224x256xf32, #tpu.memory_space<hbm>>)
    return
  }
}

module attributes {stable_mosaic.version = 14 : i64} {
  func.func @_encoder_body(%arg0: memref<2048x256xf32, #tpu.memory_space<vmem>>, %arg1: memref<2048x128xf32, #tpu.memory_space<vmem>>, %arg2: memref<2048x128xf32, #tpu.memory_space<vmem>>, %arg3: memref<256x512xf32, #tpu.memory_space<vmem>>, %arg4: memref<1x256xf32, #tpu.memory_space<vmem>>, %arg5: memref<1x256xf32, #tpu.memory_space<vmem>>, %arg6: memref<1x256xf32, #tpu.memory_space<vmem>>, %arg7: memref<64x256xf32, #tpu.memory_space<vmem>>, %arg8: memref<2048x256xf32, #tpu.memory_space<vmem>>, %arg9: memref<2048x2xi32, #tpu.memory_space<vmem>>, %arg10: memref<2048x2xf32, #tpu.memory_space<vmem>>, %arg11: memref<1x64xi32, #tpu.memory_space<vmem>>, %arg12: memref<1x64xi32, #tpu.memory_space<vmem>>, %arg13: memref<1x64xi32, #tpu.memory_space<vmem>>, %arg14: memref<1x64xi32, #tpu.memory_space<vmem>>, %arg15: memref<1x1xf32, #tpu.memory_space<vmem>>) attributes {dimension_semantics = [], scalar_prefetch = 0 : i64, scratch_operands = 0 : i64, tpu.core_type = #tpu.core_type<tc>} {
    %get3A = arith.constant 0 : index
    %get3A_0 = arith.constant 0 : index
    %get3A_1 = vector.load %arg0[%get3A, %get3A_0] : memref<2048x256xf32, #tpu.memory_space<vmem>>, vector<2048x256xf32>
    %get3A_2 = arith.constant 0 : index
    %get3A_3 = arith.constant 0 : index
    %get3A_4 = vector.load %arg3[%get3A_2, %get3A_3] : memref<256x512xf32, #tpu.memory_space<vmem>>, vector<256x256xf32>
    %dot_general3A = arith.constant dense<0.000000e+00> : vector<2048x256xf32>
    %dot_general3A_5 = tpu.matmul %get3A_1, %get3A_4, %dot_general3A {dimension_numbers = #tpu.dot_dimension_numbers<[1], [1], [0], [0], [0, 0, 1, 0], [], []>, transpose_lhs_hint = false} : vector<2048x256xf32>, vector<256x256xf32>, vector<2048x256xf32> -> vector<2048x256xf32>
    %get3A_6 = arith.constant 0 : index
    %get3A_7 = arith.constant 0 : index
    %get3A_8 = vector.load %arg1[%get3A_6, %get3A_7] : memref<2048x128xf32, #tpu.memory_space<vmem>>, vector<2048x128xf32>
    %get3A_9 = arith.constant 0 : index
    %get3A_10 = arith.constant 256 : index
    %get3A_11 = vector.load %arg3[%get3A_9, %get3A_10] : memref<256x512xf32, #tpu.memory_space<vmem>>, vector<256x128xf32>
    %dot_general3A_12 = arith.constant dense<0.000000e+00> : vector<2048x256xf32>
    %dot_general3A_13 = tpu.matmul %get3A_8, %get3A_11, %dot_general3A_12 {dimension_numbers = #tpu.dot_dimension_numbers<[1], [1], [0], [0], [0, 0, 1, 0], [], []>, transpose_lhs_hint = false} : vector<2048x128xf32>, vector<256x128xf32>, vector<2048x256xf32> -> vector<2048x256xf32>
    %add3A = arith.addf %dot_general3A_5, %dot_general3A_13 : vector<2048x256xf32>
    %get3A_14 = arith.constant 0 : index
    %get3A_15 = arith.constant 0 : index
    %get3A_16 = vector.load %arg2[%get3A_14, %get3A_15] : memref<2048x128xf32, #tpu.memory_space<vmem>>, vector<2048x128xf32>
    %get3A_17 = arith.constant 0 : index
    %get3A_18 = arith.constant 384 : index
    %get3A_19 = vector.load %arg3[%get3A_17, %get3A_18] : memref<256x512xf32, #tpu.memory_space<vmem>>, vector<256x128xf32>
    %dot_general3A_20 = arith.constant dense<0.000000e+00> : vector<2048x256xf32>
    %dot_general3A_21 = tpu.matmul %get3A_16, %get3A_19, %dot_general3A_20 {dimension_numbers = #tpu.dot_dimension_numbers<[1], [1], [0], [0], [0, 0, 1, 0], [], []>, transpose_lhs_hint = false} : vector<2048x128xf32>, vector<256x128xf32>, vector<2048x256xf32> -> vector<2048x256xf32>
    %add3A_22 = arith.addf %add3A, %dot_general3A_21 : vector<2048x256xf32>
    %get3A_23 = arith.constant 0 : index
    %get3A_24 = arith.constant 0 : index
    %get3A_25 = vector.load %arg4[%get3A_23, %get3A_24] : memref<1x256xf32, #tpu.memory_space<vmem>>, vector<1x256xf32>
    %add3A_26 = vector.broadcast %get3A_25 : vector<1x256xf32> to vector<2048x256xf32>
    %add3A_27 = arith.addf %add3A_22, %add3A_26 : vector<2048x256xf32>
    %get3A_28 = arith.constant 0 : index
    %get3A_29 = arith.constant 0 : index
    %get3A_30 = vector.load %arg5[%get3A_28, %get3A_29] : memref<1x256xf32, #tpu.memory_space<vmem>>, vector<1x256xf32>
    %get3A_31 = arith.constant 0 : index
    %get3A_32 = arith.constant 0 : index
    %get3A_33 = vector.load %arg6[%get3A_31, %get3A_32] : memref<1x256xf32, #tpu.memory_space<vmem>>, vector<1x256xf32>
    %reduce_sum3A = arith.constant dense<0.000000e+00> : vector<2048xf32>
    %reduce_sum3A_34 = vector.multi_reduction <add>, %add3A_27, %reduce_sum3A [1] : vector<2048x256xf32> to vector<2048xf32>
    %broadcast_in_dim3A = vector.shape_cast %reduce_sum3A_34 : vector<2048xf32> to vector<2048x1xf32>
    %div3A = arith.constant 2.560000e+02 : f32
    %div3A_35 = vector.broadcast %div3A : f32 to vector<2048x1xf32>
    %div3A_36 = arith.divf %broadcast_in_dim3A, %div3A_35 : vector<2048x1xf32>
    %sub3A = vector.broadcast %div3A_36 : vector<2048x1xf32> to vector<2048x256xf32>
    %sub3A_37 = arith.subf %add3A_27, %sub3A : vector<2048x256xf32>
    %integer_pow3A = arith.mulf %sub3A_37, %sub3A_37 : vector<2048x256xf32>
    %reduce_sum3A_38 = arith.constant dense<0.000000e+00> : vector<2048xf32>
    %reduce_sum3A_39 = vector.multi_reduction <add>, %integer_pow3A, %reduce_sum3A_38 [1] : vector<2048x256xf32> to vector<2048xf32>
    %broadcast_in_dim3A_40 = vector.shape_cast %reduce_sum3A_39 : vector<2048xf32> to vector<2048x1xf32>
    %div3A_41 = arith.constant 2.560000e+02 : f32
    %div3A_42 = vector.broadcast %div3A_41 : f32 to vector<2048x1xf32>
    %div3A_43 = arith.divf %broadcast_in_dim3A_40, %div3A_42 : vector<2048x1xf32>
    %sub3A_44 = vector.broadcast %div3A_36 : vector<2048x1xf32> to vector<2048x256xf32>
    %sub3A_45 = arith.subf %add3A_27, %sub3A_44 : vector<2048x256xf32>
    %add3A_46 = arith.constant 9.99999974E-6 : f32
    %add3A_47 = vector.broadcast %add3A_46 : f32 to vector<2048x1xf32>
    %add3A_48 = arith.addf %div3A_43, %add3A_47 : vector<2048x1xf32>
    %rsqrt3A = math.rsqrt %add3A_48 : vector<2048x1xf32>
    %mul3A = vector.broadcast %rsqrt3A : vector<2048x1xf32> to vector<2048x256xf32>
    %mul3A_49 = arith.mulf %sub3A_45, %mul3A : vector<2048x256xf32>
    %mul3A_50 = vector.broadcast %get3A_30 : vector<1x256xf32> to vector<2048x256xf32>
    %mul3A_51 = arith.mulf %mul3A_49, %mul3A_50 : vector<2048x256xf32>
    %add3A_52 = vector.broadcast %get3A_33 : vector<1x256xf32> to vector<2048x256xf32>
    %add3A_53 = arith.addf %mul3A_51, %add3A_52 : vector<2048x256xf32>
    %mul3A_54 = arith.constant 5.000000e-01 : f32
    %mul3A_55 = vector.broadcast %mul3A_54 : f32 to vector<2048x256xf32>
    %mul3A_56 = arith.mulf %mul3A_55, %add3A_53 : vector<2048x256xf32>
    %mul3A_57 = arith.constant 0.707106769 : f32
    %mul3A_58 = vector.broadcast %mul3A_57 : f32 to vector<2048x256xf32>
    %mul3A_59 = arith.mulf %add3A_53, %mul3A_58 : vector<2048x256xf32>
    %erf3A = math.erf %mul3A_59 : vector<2048x256xf32>
    %add3A_60 = arith.constant 1.000000e+00 : f32
    %add3A_61 = vector.broadcast %add3A_60 : f32 to vector<2048x256xf32>
    %add3A_62 = arith.addf %add3A_61, %erf3A : vector<2048x256xf32>
    %mul3A_63 = arith.mulf %mul3A_56, %add3A_62 : vector<2048x256xf32>
    %swap3A = arith.constant 0 : index
    %swap3A_64 = arith.constant 0 : index
    %swap3A_65 = vector.load %arg8[%swap3A, %swap3A_64] : memref<2048x256xf32, #tpu.memory_space<vmem>>, vector<2048x256xf32>
    tpu.vector_store %arg8[%swap3A, %swap3A_64], %mul3A_63 {strides = array<i32>} : memref<2048x256xf32, #tpu.memory_space<vmem>>, vector<2048x256xf32>,
    %get3A_66 = arith.constant 0 : index
    %get3A_67 = arith.constant 0 : index
    %get3A_68 = vector.load %arg7[%get3A_66, %get3A_67] : memref<64x256xf32, #tpu.memory_space<vmem>>, vector<64x256xf32>
    %dot_general3A_69 = arith.constant dense<0.000000e+00> : vector<2048x64xf32>
    %dot_general3A_70 = tpu.matmul %mul3A_63, %get3A_68, %dot_general3A_69 {dimension_numbers = #tpu.dot_dimension_numbers<[1], [1], [0], [0], [0, 0, 1, 0], [], []>, transpose_lhs_hint = false} : vector<2048x256xf32>, vector<64x256xf32>, vector<2048x64xf32> -> vector<2048x64xf32>
    %iota3A = tpu.iota {dimensions = array<i32: 1>} : vector<2048x64xi32>
    %reduce_max3A = arith.constant dense<0xFF800000> : vector<2048xf32>
    %reduce_max3A_71 = vector.multi_reduction <maximumf>, %dot_general3A_70, %reduce_max3A [1] : vector<2048x64xf32> to vector<2048xf32>
    %broadcast_in_dim3A_72 = vector.shape_cast %reduce_max3A_71 : vector<2048xf32> to vector<2048x1xf32>
    %eq3A = vector.broadcast %broadcast_in_dim3A_72 : vector<2048x1xf32> to vector<2048x64xf32>
    %eq3A_73 = arith.cmpf oeq, %dot_general3A_70, %eq3A : vector<2048x64xf32>
    %jit3A = arith.constant 64 : i32
    %broadcast_in_dim3A_74 = vector.broadcast %jit3A : i32 to vector<2048x64xi32>
    %select_n3A = arith.select %eq3A_73, %iota3A, %broadcast_in_dim3A_74 : vector<2048x64xi1>, vector<2048x64xi32>
    %reduce_min3A = arith.constant dense<2147483647> : vector<2048xi32>
    %reduce_min3A_75 = vector.multi_reduction <minsi>, %select_n3A, %reduce_min3A [1] : vector<2048x64xi32> to vector<2048xi32>
    %broadcast_in_dim3A_76 = vector.shape_cast %reduce_min3A_75 : vector<2048xi32> to vector<2048x1xi32>
    %eq3A_77 = vector.broadcast %broadcast_in_dim3A_76 : vector<2048x1xi32> to vector<2048x64xi32>
    %eq3A_78 = arith.cmpi eq, %iota3A, %eq3A_77 : vector<2048x64xi32>
    %jit3A_79 = arith.constant -1.000000e+30 : f32
    %broadcast_in_dim3A_80 = vector.broadcast %jit3A_79 : f32 to vector<2048x64xf32>
    %select_n3A_81 = arith.select %eq3A_78, %broadcast_in_dim3A_80, %dot_general3A_70 : vector<2048x64xi1>, vector<2048x64xf32>
    %reduce_max3A_82 = arith.constant dense<0xFF800000> : vector<2048xf32>
    %reduce_max3A_83 = vector.multi_reduction <maximumf>, %select_n3A_81, %reduce_max3A_82 [1] : vector<2048x64xf32> to vector<2048xf32>
    %broadcast_in_dim3A_84 = vector.shape_cast %reduce_max3A_83 : vector<2048xf32> to vector<2048x1xf32>
    %eq3A_85 = vector.broadcast %broadcast_in_dim3A_84 : vector<2048x1xf32> to vector<2048x64xf32>
    %eq3A_86 = arith.cmpf oeq, %select_n3A_81, %eq3A_85 : vector<2048x64xf32>
    %jit3A_87 = arith.constant 64 : i32
    %broadcast_in_dim3A_88 = vector.broadcast %jit3A_87 : i32 to vector<2048x64xi32>
    %select_n3A_89 = arith.select %eq3A_86, %iota3A, %broadcast_in_dim3A_88 : vector<2048x64xi1>, vector<2048x64xi32>
    %reduce_min3A_90 = arith.constant dense<2147483647> : vector<2048xi32>
    %reduce_min3A_91 = vector.multi_reduction <minsi>, %select_n3A_89, %reduce_min3A_90 [1] : vector<2048x64xi32> to vector<2048xi32>
    %broadcast_in_dim3A_92 = vector.shape_cast %reduce_min3A_91 : vector<2048xi32> to vector<2048x1xi32>
    %sub3A_93 = arith.subf %broadcast_in_dim3A_84, %broadcast_in_dim3A_72 : vector<2048x1xf32>
    %exp3A = math.exp %sub3A_93 : vector<2048x1xf32>
    %add3A_94 = arith.constant 1.000000e+00 : f32
    %add3A_95 = vector.broadcast %add3A_94 : f32 to vector<2048x1xf32>
    %add3A_96 = arith.addf %add3A_95, %exp3A : vector<2048x1xf32>
    %div3A_97 = arith.constant 1.000000e+00 : f32
    %div3A_98 = vector.broadcast %div3A_97 : f32 to vector<2048x1xf32>
    %div3A_99 = arith.divf %div3A_98, %add3A_96 : vector<2048x1xf32>
    %add3A_100 = arith.constant 1.000000e+00 : f32
    %add3A_101 = vector.broadcast %add3A_100 : f32 to vector<2048x1xf32>
    %add3A_102 = arith.addf %add3A_101, %exp3A : vector<2048x1xf32>
    %div3A_103 = arith.divf %exp3A, %add3A_102 : vector<2048x1xf32>
    %concatenate3A = tpu.concatenate %div3A_99, %div3A_103 in 1 : vector<2048x1xf32>, vector<2048x1xf32> -> vector<2048x2xf32>
    %swap3A_104 = arith.constant 0 : index
    %swap3A_105 = arith.constant 0 : index
    %swap3A_106 = vector.load %arg10[%swap3A_104, %swap3A_105] : memref<2048x2xf32, #tpu.memory_space<vmem>>, vector<2048x2xf32>
    tpu.vector_store %arg10[%swap3A_104, %swap3A_105], %concatenate3A {strides = array<i32>} : memref<2048x2xf32, #tpu.memory_space<vmem>>, vector<2048x2xf32>,
    %eq3A_107 = vector.broadcast %broadcast_in_dim3A_76 : vector<2048x1xi32> to vector<2048x64xi32>
    %eq3A_108 = arith.cmpi eq, %iota3A, %eq3A_107 : vector<2048x64xi32>
    %convert_element_type3A = arith.extui %eq3A_108 : vector<2048x64xi1> to vector<2048x64xi32>
    %convert_element_type3A_109 = arith.sitofp %convert_element_type3A : vector<2048x64xi32> to vector<2048x64xf32>
    %eq3A_110 = vector.broadcast %broadcast_in_dim3A_92 : vector<2048x1xi32> to vector<2048x64xi32>
    %eq3A_111 = arith.cmpi eq, %iota3A, %eq3A_110 : vector<2048x64xi32>
    %convert_element_type3A_112 = arith.extui %eq3A_111 : vector<2048x64xi1> to vector<2048x64xi32>
    %convert_element_type3A_113 = arith.sitofp %convert_element_type3A_112 : vector<2048x64xi32> to vector<2048x64xf32>
    %add3A_114 = arith.addf %convert_element_type3A_109, %convert_element_type3A_113 : vector<2048x64xf32>
    %iota3A_115 = tpu.iota {dimensions = array<i32: 0>} : vector<256x256xi32>
    %iota3A_116 = tpu.iota {dimensions = array<i32: 1>} : vector<256x256xi32>
    %gt3A = arith.cmpi sgt, %iota3A_115, %iota3A_116 : vector<256x256xi32>
    %convert_element_type3A_117 = arith.extui %gt3A : vector<256x256xi1> to vector<256x256xi32>
    %convert_element_type3A_118 = arith.sitofp %convert_element_type3A_117 : vector<256x256xi32> to vector<256x256xf32>
    %broadcast_in_dim3A_119 = arith.constant 0.000000e+00 : f32
    %broadcast_in_dim3A_120 = vector.broadcast %broadcast_in_dim3A_119 : f32 to vector<1x64xf32>
    %slice3A = vector.extract_strided_slice %add3A_114 {offsets = [0, 0], sizes = [256, 64], strides = [1, 1]} : vector<2048x64xf32> to vector<256x64xf32>
    %dot_general3A_121 = arith.constant dense<0.000000e+00> : vector<256x64xf32>
    %dot_general3A_122 = tpu.matmul %convert_element_type3A_118, %slice3A, %dot_general3A_121 {dimension_numbers = #tpu.dot_dimension_numbers<[1], [0], [0], [1], [0, 0, 1, 1], [], []>, precision = #tpu.contract_precision<fp32>, transpose_lhs_hint = false} : vector<256x256xf32>, vector<256x64xf32>, vector<256x64xf32> -> vector<256x64xf32>
    %add3A_123 = vector.broadcast %broadcast_in_dim3A_120 : vector<1x64xf32> to vector<256x64xf32>
    %add3A_124 = arith.addf %dot_general3A_122, %add3A_123 : vector<256x64xf32>
    %reduce_sum3A_125 = arith.constant dense<0.000000e+00> : vector<64xf32>
    %reduce_sum3A_126 = vector.multi_reduction <add>, %slice3A, %reduce_sum3A_125 [0] : vector<256x64xf32> to vector<64xf32>
    %broadcast_in_dim3A_127 = vector.shape_cast %reduce_sum3A_126 : vector<64xf32> to vector<1x64xf32>
    %add3A_128 = arith.addf %broadcast_in_dim3A_120, %broadcast_in_dim3A_127 : vector<1x64xf32>
    %slice3A_129 = vector.extract_strided_slice %add3A_114 {offsets = [256, 0], sizes = [256, 64], strides = [1, 1]} : vector<2048x64xf32> to vector<256x64xf32>
    %dot_general3A_130 = arith.constant dense<0.000000e+00> : vector<256x64xf32>
    %dot_general3A_131 = tpu.matmul %convert_element_type3A_118, %slice3A_129, %dot_general3A_130 {dimension_numbers = #tpu.dot_dimension_numbers<[1], [0], [0], [1], [0, 0, 1, 1], [], []>, precision = #tpu.contract_precision<fp32>, transpose_lhs_hint = false} : vector<256x256xf32>, vector<256x64xf32>, vector<256x64xf32> -> vector<256x64xf32>
    %add3A_132 = vector.broadcast %add3A_128 : vector<1x64xf32> to vector<256x64xf32>
    %add3A_133 = arith.addf %dot_general3A_131, %add3A_132 : vector<256x64xf32>
    %reduce_sum3A_134 = arith.constant dense<0.000000e+00> : vector<64xf32>
    %reduce_sum3A_135 = vector.multi_reduction <add>, %slice3A_129, %reduce_sum3A_134 [0] : vector<256x64xf32> to vector<64xf32>
    %broadcast_in_dim3A_136 = vector.shape_cast %reduce_sum3A_135 : vector<64xf32> to vector<1x64xf32>
    %add3A_137 = arith.addf %add3A_128, %broadcast_in_dim3A_136 : vector<1x64xf32>
    %slice3A_138 = vector.extract_strided_slice %add3A_114 {offsets = [512, 0], sizes = [256, 64], strides = [1, 1]} : vector<2048x64xf32> to vector<256x64xf32>
    %dot_general3A_139 = arith.constant dense<0.000000e+00> : vector<256x64xf32>
    %dot_general3A_140 = tpu.matmul %convert_element_type3A_118, %slice3A_138, %dot_general3A_139 {dimension_numbers = #tpu.dot_dimension_numbers<[1], [0], [0], [1], [0, 0, 1, 1], [], []>, precision = #tpu.contract_precision<fp32>, transpose_lhs_hint = false} : vector<256x256xf32>, vector<256x64xf32>, vector<256x64xf32> -> vector<256x64xf32>
    %add3A_141 = vector.broadcast %add3A_137 : vector<1x64xf32> to vector<256x64xf32>
    %add3A_142 = arith.addf %dot_general3A_140, %add3A_141 : vector<256x64xf32>
    %reduce_sum3A_143 = arith.constant dense<0.000000e+00> : vector<64xf32>
    %reduce_sum3A_144 = vector.multi_reduction <add>, %slice3A_138, %reduce_sum3A_143 [0] : vector<256x64xf32> to vector<64xf32>
    %broadcast_in_dim3A_145 = vector.shape_cast %reduce_sum3A_144 : vector<64xf32> to vector<1x64xf32>
    %add3A_146 = arith.addf %add3A_137, %broadcast_in_dim3A_145 : vector<1x64xf32>
    %slice3A_147 = vector.extract_strided_slice %add3A_114 {offsets = [768, 0], sizes = [256, 64], strides = [1, 1]} : vector<2048x64xf32> to vector<256x64xf32>
    %dot_general3A_148 = arith.constant dense<0.000000e+00> : vector<256x64xf32>
    %dot_general3A_149 = tpu.matmul %convert_element_type3A_118, %slice3A_147, %dot_general3A_148 {dimension_numbers = #tpu.dot_dimension_numbers<[1], [0], [0], [1], [0, 0, 1, 1], [], []>, precision = #tpu.contract_precision<fp32>, transpose_lhs_hint = false} : vector<256x256xf32>, vector<256x64xf32>, vector<256x64xf32> -> vector<256x64xf32>
    %add3A_150 = vector.broadcast %add3A_146 : vector<1x64xf32> to vector<256x64xf32>
    %add3A_151 = arith.addf %dot_general3A_149, %add3A_150 : vector<256x64xf32>
    %reduce_sum3A_152 = arith.constant dense<0.000000e+00> : vector<64xf32>
    %reduce_sum3A_153 = vector.multi_reduction <add>, %slice3A_147, %reduce_sum3A_152 [0] : vector<256x64xf32> to vector<64xf32>
    %broadcast_in_dim3A_154 = vector.shape_cast %reduce_sum3A_153 : vector<64xf32> to vector<1x64xf32>
    %add3A_155 = arith.addf %add3A_146, %broadcast_in_dim3A_154 : vector<1x64xf32>
    %slice3A_156 = vector.extract_strided_slice %add3A_114 {offsets = [1024, 0], sizes = [256, 64], strides = [1, 1]} : vector<2048x64xf32> to vector<256x64xf32>
    %dot_general3A_157 = arith.constant dense<0.000000e+00> : vector<256x64xf32>
    %dot_general3A_158 = tpu.matmul %convert_element_type3A_118, %slice3A_156, %dot_general3A_157 {dimension_numbers = #tpu.dot_dimension_numbers<[1], [0], [0], [1], [0, 0, 1, 1], [], []>, precision = #tpu.contract_precision<fp32>, transpose_lhs_hint = false} : vector<256x256xf32>, vector<256x64xf32>, vector<256x64xf32> -> vector<256x64xf32>
    %add3A_159 = vector.broadcast %add3A_155 : vector<1x64xf32> to vector<256x64xf32>
    %add3A_160 = arith.addf %dot_general3A_158, %add3A_159 : vector<256x64xf32>
    %reduce_sum3A_161 = arith.constant dense<0.000000e+00> : vector<64xf32>
    %reduce_sum3A_162 = vector.multi_reduction <add>, %slice3A_156, %reduce_sum3A_161 [0] : vector<256x64xf32> to vector<64xf32>
    %broadcast_in_dim3A_163 = vector.shape_cast %reduce_sum3A_162 : vector<64xf32> to vector<1x64xf32>
    %add3A_164 = arith.addf %add3A_155, %broadcast_in_dim3A_163 : vector<1x64xf32>
    %slice3A_165 = vector.extract_strided_slice %add3A_114 {offsets = [1280, 0], sizes = [256, 64], strides = [1, 1]} : vector<2048x64xf32> to vector<256x64xf32>
    %dot_general3A_166 = arith.constant dense<0.000000e+00> : vector<256x64xf32>
    %dot_general3A_167 = tpu.matmul %convert_element_type3A_118, %slice3A_165, %dot_general3A_166 {dimension_numbers = #tpu.dot_dimension_numbers<[1], [0], [0], [1], [0, 0, 1, 1], [], []>, precision = #tpu.contract_precision<fp32>, transpose_lhs_hint = false} : vector<256x256xf32>, vector<256x64xf32>, vector<256x64xf32> -> vector<256x64xf32>
    %add3A_168 = vector.broadcast %add3A_164 : vector<1x64xf32> to vector<256x64xf32>
    %add3A_169 = arith.addf %dot_general3A_167, %add3A_168 : vector<256x64xf32>
    %reduce_sum3A_170 = arith.constant dense<0.000000e+00> : vector<64xf32>
    %reduce_sum3A_171 = vector.multi_reduction <add>, %slice3A_165, %reduce_sum3A_170 [0] : vector<256x64xf32> to vector<64xf32>
    %broadcast_in_dim3A_172 = vector.shape_cast %reduce_sum3A_171 : vector<64xf32> to vector<1x64xf32>
    %add3A_173 = arith.addf %add3A_164, %broadcast_in_dim3A_172 : vector<1x64xf32>
    %slice3A_174 = vector.extract_strided_slice %add3A_114 {offsets = [1536, 0], sizes = [256, 64], strides = [1, 1]} : vector<2048x64xf32> to vector<256x64xf32>
    %dot_general3A_175 = arith.constant dense<0.000000e+00> : vector<256x64xf32>
    %dot_general3A_176 = tpu.matmul %convert_element_type3A_118, %slice3A_174, %dot_general3A_175 {dimension_numbers = #tpu.dot_dimension_numbers<[1], [0], [0], [1], [0, 0, 1, 1], [], []>, precision = #tpu.contract_precision<fp32>, transpose_lhs_hint = false} : vector<256x256xf32>, vector<256x64xf32>, vector<256x64xf32> -> vector<256x64xf32>
    %add3A_177 = vector.broadcast %add3A_173 : vector<1x64xf32> to vector<256x64xf32>
    %add3A_178 = arith.addf %dot_general3A_176, %add3A_177 : vector<256x64xf32>
    %reduce_sum3A_179 = arith.constant dense<0.000000e+00> : vector<64xf32>
    %reduce_sum3A_180 = vector.multi_reduction <add>, %slice3A_174, %reduce_sum3A_179 [0] : vector<256x64xf32> to vector<64xf32>
    %broadcast_in_dim3A_181 = vector.shape_cast %reduce_sum3A_180 : vector<64xf32> to vector<1x64xf32>
    %add3A_182 = arith.addf %add3A_173, %broadcast_in_dim3A_181 : vector<1x64xf32>
    %slice3A_183 = vector.extract_strided_slice %add3A_114 {offsets = [1792, 0], sizes = [256, 64], strides = [1, 1]} : vector<2048x64xf32> to vector<256x64xf32>
    %dot_general3A_184 = arith.constant dense<0.000000e+00> : vector<256x64xf32>
    %dot_general3A_185 = tpu.matmul %convert_element_type3A_118, %slice3A_183, %dot_general3A_184 {dimension_numbers = #tpu.dot_dimension_numbers<[1], [0], [0], [1], [0, 0, 1, 1], [], []>, precision = #tpu.contract_precision<fp32>, transpose_lhs_hint = false} : vector<256x256xf32>, vector<256x64xf32>, vector<256x64xf32> -> vector<256x64xf32>
    %add3A_186 = vector.broadcast %add3A_182 : vector<1x64xf32> to vector<256x64xf32>
    %add3A_187 = arith.addf %dot_general3A_185, %add3A_186 : vector<256x64xf32>
    %reduce_sum3A_188 = arith.constant dense<0.000000e+00> : vector<64xf32>
    %reduce_sum3A_189 = vector.multi_reduction <add>, %slice3A_183, %reduce_sum3A_188 [0] : vector<256x64xf32> to vector<64xf32>
    %broadcast_in_dim3A_190 = vector.shape_cast %reduce_sum3A_189 : vector<64xf32> to vector<1x64xf32>
    %add3A_191 = arith.addf %add3A_182, %broadcast_in_dim3A_190 : vector<1x64xf32>
    %concatenate3A_192 = tpu.concatenate %add3A_124, %add3A_133, %add3A_142, %add3A_151, %add3A_160, %add3A_169, %add3A_178, %add3A_187 in 0 : vector<256x64xf32>, vector<256x64xf32>, vector<256x64xf32>, vector<256x64xf32>, vector<256x64xf32>, vector<256x64xf32>, vector<256x64xf32>, vector<256x64xf32> -> vector<2048x64xf32>
    %iota3A_193 = tpu.iota {dimensions = array<i32: 0>} : vector<64x64xi32>
    %iota3A_194 = tpu.iota {dimensions = array<i32: 1>} : vector<64x64xi32>
    %lt3A = arith.cmpi slt, %iota3A_193, %iota3A_194 : vector<64x64xi32>
    %convert_element_type3A_195 = arith.extui %lt3A : vector<64x64xi1> to vector<64x64xi32>
    %convert_element_type3A_196 = arith.sitofp %convert_element_type3A_195 : vector<64x64xi32> to vector<64x64xf32>
    %dot_general3A_197 = arith.constant dense<0.000000e+00> : vector<1x64xf32>
    %dot_general3A_198 = tpu.matmul %add3A_191, %convert_element_type3A_196, %dot_general3A_197 {dimension_numbers = #tpu.dot_dimension_numbers<[1], [0], [0], [1], [0, 0, 1, 1], [], []>, precision = #tpu.contract_precision<fp32>, transpose_lhs_hint = false} : vector<1x64xf32>, vector<64x64xf32>, vector<1x64xf32> -> vector<1x64xf32>
    %add3A_199 = vector.broadcast %dot_general3A_198 : vector<1x64xf32> to vector<2048x64xf32>
    %add3A_200 = arith.addf %concatenate3A_192, %add3A_199 : vector<2048x64xf32>
    %mul3A_201 = arith.mulf %add3A_200, %convert_element_type3A_109 : vector<2048x64xf32>
    %reduce_sum3A_202 = arith.constant dense<0.000000e+00> : vector<2048xf32>
    %reduce_sum3A_203 = vector.multi_reduction <add>, %mul3A_201, %reduce_sum3A_202 [1] : vector<2048x64xf32> to vector<2048xf32>
    %broadcast_in_dim3A_204 = vector.shape_cast %reduce_sum3A_203 : vector<2048xf32> to vector<2048x1xf32>
    %add3A_205 = vector.broadcast %dot_general3A_198 : vector<1x64xf32> to vector<2048x64xf32>
    %add3A_206 = arith.addf %concatenate3A_192, %add3A_205 : vector<2048x64xf32>
    %mul3A_207 = arith.mulf %add3A_206, %convert_element_type3A_113 : vector<2048x64xf32>
    %reduce_sum3A_208 = arith.constant dense<0.000000e+00> : vector<2048xf32>
    %reduce_sum3A_209 = vector.multi_reduction <add>, %mul3A_207, %reduce_sum3A_208 [1] : vector<2048x64xf32> to vector<2048xf32>
    %broadcast_in_dim3A_210 = vector.shape_cast %reduce_sum3A_209 : vector<2048xf32> to vector<2048x1xf32>
    %concatenate3A_211 = tpu.concatenate %broadcast_in_dim3A_204, %broadcast_in_dim3A_210 in 1 : vector<2048x1xf32>, vector<2048x1xf32> -> vector<2048x2xf32>
    %convert_element_type3A_212 = arith.fptosi %concatenate3A_211 : vector<2048x2xf32> to vector<2048x2xi32>
    %swap3A_213 = arith.constant 0 : index
    %swap3A_214 = arith.constant 0 : index
    %swap3A_215 = vector.load %arg9[%swap3A_213, %swap3A_214] : memref<2048x2xi32, #tpu.memory_space<vmem>>, vector<2048x2xi32>
    tpu.vector_store %arg9[%swap3A_213, %swap3A_214], %convert_element_type3A_212 {strides = array<i32>} : memref<2048x2xi32, #tpu.memory_space<vmem>>, vector<2048x2xi32>,
    %add3A_216 = arith.addf %dot_general3A_198, %add3A_191 : vector<1x64xf32>
    %mul3A_217 = arith.constant 1.250000e-01 : f32
    %mul3A_218 = vector.broadcast %mul3A_217 : f32 to vector<1x64xf32>
    %mul3A_219 = arith.mulf %dot_general3A_198, %mul3A_218 : vector<1x64xf32>
    %floor3A = math.floor %mul3A_219 : vector<1x64xf32>
    %mul3A_220 = arith.constant 8.000000e+00 : f32
    %mul3A_221 = vector.broadcast %mul3A_220 : f32 to vector<1x64xf32>
    %mul3A_222 = arith.mulf %floor3A, %mul3A_221 : vector<1x64xf32>
    %gt3A_223 = arith.constant 0.000000e+00 : f32
    %gt3A_224 = vector.broadcast %gt3A_223 : f32 to vector<1x64xf32>
    %gt3A_225 = arith.cmpf ogt, %add3A_191, %gt3A_224 : vector<1x64xf32>
    %sub3A_226 = arith.subf %add3A_216, %mul3A_222 : vector<1x64xf32>
    %add3A_227 = arith.constant 1.270000e+02 : f32
    %add3A_228 = vector.broadcast %add3A_227 : f32 to vector<1x64xf32>
    %add3A_229 = arith.addf %sub3A_226, %add3A_228 : vector<1x64xf32>
    %mul3A_230 = arith.constant 7.812500e-03 : f32
    %mul3A_231 = vector.broadcast %mul3A_230 : f32 to vector<1x64xf32>
    %mul3A_232 = arith.mulf %add3A_229, %mul3A_231 : vector<1x64xf32>
    %floor3A_233 = math.floor %mul3A_232 : vector<1x64xf32>
    %jit3A_234 = arith.constant 0.000000e+00 : f32
    %broadcast_in_dim3A_235 = vector.broadcast %jit3A_234 : f32 to vector<1x64xf32>
    %select_n3A_236 = arith.select %gt3A_225, %floor3A_233, %broadcast_in_dim3A_235 : vector<1x64xi1>, vector<1x64xf32>
    %convert_element_type3A_237 = arith.fptosi %select_n3A_236 : vector<1x64xf32> to vector<1x64xi32>
    %swap3A_238 = arith.constant 0 : index
    %swap3A_239 = arith.constant 0 : index
    %swap3A_240 = vector.load %arg11[%swap3A_238, %swap3A_239] : memref<1x64xi32, #tpu.memory_space<vmem>>, vector<1x64xi32>
    tpu.vector_store %arg11[%swap3A_238, %swap3A_239], %convert_element_type3A_237 {strides = array<i32>} : memref<1x64xi32, #tpu.memory_space<vmem>>, vector<1x64xi32>,
    %convert_element_type3A_241 = arith.fptosi %mul3A_222 : vector<1x64xf32> to vector<1x64xi32>
    %swap3A_242 = arith.constant 0 : index
    %swap3A_243 = arith.constant 0 : index
    %swap3A_244 = vector.load %arg12[%swap3A_242, %swap3A_243] : memref<1x64xi32, #tpu.memory_space<vmem>>, vector<1x64xi32>
    tpu.vector_store %arg12[%swap3A_242, %swap3A_243], %convert_element_type3A_241 {strides = array<i32>} : memref<1x64xi32, #tpu.memory_space<vmem>>, vector<1x64xi32>,
    %convert_element_type3A_245 = arith.fptosi %dot_general3A_198 : vector<1x64xf32> to vector<1x64xi32>
    %swap3A_246 = arith.constant 0 : index
    %swap3A_247 = arith.constant 0 : index
    %swap3A_248 = vector.load %arg13[%swap3A_246, %swap3A_247] : memref<1x64xi32, #tpu.memory_space<vmem>>, vector<1x64xi32>
    tpu.vector_store %arg13[%swap3A_246, %swap3A_247], %convert_element_type3A_245 {strides = array<i32>} : memref<1x64xi32, #tpu.memory_space<vmem>>, vector<1x64xi32>,
    %convert_element_type3A_249 = arith.fptosi %add3A_216 : vector<1x64xf32> to vector<1x64xi32>
    %swap3A_250 = arith.constant 0 : index
    %swap3A_251 = arith.constant 0 : index
    %swap3A_252 = vector.load %arg14[%swap3A_250, %swap3A_251] : memref<1x64xi32, #tpu.memory_space<vmem>>, vector<1x64xi32>
    tpu.vector_store %arg14[%swap3A_250, %swap3A_251], %convert_element_type3A_249 {strides = array<i32>} : memref<1x64xi32, #tpu.memory_space<vmem>>, vector<1x64xi32>,
    %sub3A_253 = vector.broadcast %broadcast_in_dim3A_72 : vector<2048x1xf32> to vector<2048x64xf32>
    %sub3A_254 = arith.subf %dot_general3A_70, %sub3A_253 : vector<2048x64xf32>
    %exp3A_255 = math.exp %sub3A_254 : vector<2048x64xf32>
    %reduce_sum3A_256 = arith.constant dense<0.000000e+00> : vector<2048xf32>
    %reduce_sum3A_257 = vector.multi_reduction <add>, %exp3A_255, %reduce_sum3A_256 [1] : vector<2048x64xf32> to vector<2048xf32>
    %broadcast_in_dim3A_258 = vector.shape_cast %reduce_sum3A_257 : vector<2048xf32> to vector<2048x1xf32>
    %div3A_259 = vector.broadcast %broadcast_in_dim3A_258 : vector<2048x1xf32> to vector<2048x64xf32>
    %div3A_260 = arith.divf %exp3A_255, %div3A_259 : vector<2048x64xf32>
    %reduce_sum3A_261 = arith.constant dense<0.000000e+00> : vector<64xf32>
    %reduce_sum3A_262 = vector.multi_reduction <add>, %div3A_260, %reduce_sum3A_261 [0] : vector<2048x64xf32> to vector<64xf32>
    %squeeze3A = vector.shape_cast %add3A_191 : vector<1x64xf32> to vector<64xf32>
    %mul3A_263 = arith.mulf %squeeze3A, %reduce_sum3A_262 : vector<64xf32>
    %reduce_sum3A_264 = vector.shape_cast %mul3A_263 : vector<64xf32> to vector<1x64xf32>
    %reduce_sum3A_265 = arith.constant dense<0.000000e+00> : vector<1xf32>
    %reduce_sum3A_266 = vector.multi_reduction <add>, %reduce_sum3A_264, %reduce_sum3A_265 [1] : vector<1x64xf32> to vector<1xf32>
    %reduce_sum3A_267 = vector.shape_cast %reduce_sum3A_266 : vector<1xf32> to vector<1x1xf32>
    %reduce_sum3A_268 = vector.extract %reduce_sum3A_267[0, 0] : f32 from vector<1x1xf32>
    %mul3A_269 = arith.constant 7.62939453E-6 : f32
    %mul3A_270 = arith.mulf %reduce_sum3A_268, %mul3A_269 : f32
    %reshape3A = vector.broadcast %mul3A_270 : f32 to vector<1x1xf32>
    %swap3A_271 = arith.constant 0 : index
    %swap3A_272 = arith.constant 0 : index
    %swap3A_273 = vector.load %arg15[%swap3A_271, %swap3A_272] : memref<1x1xf32, #tpu.memory_space<vmem>>, vector<1x1xf32>
    tpu.vector_store %arg15[%swap3A_271, %swap3A_272], %reshape3A {strides = array<i32>} : memref<1x1xf32, #tpu.memory_space<vmem>>, vector<1x1xf32>,
    return
  }
}

module attributes {stable_mosaic.version = 14 : i64} {
  func.func @_ffn_body(%arg0: i32, %arg1: memref<64xi32, #tpu.memory_space<smem>>, %arg2: memref<64xi32, #tpu.memory_space<smem>>, %arg3: memref<64xi32, #tpu.memory_space<smem>>, %arg4: memref<64xi32, #tpu.memory_space<smem>>, %arg5: memref<4224x256xf32, #tpu.memory_space<vmem>>, %arg6: memref<4224x1xf32, #tpu.memory_space<vmem>>, %arg7: memref<4x512x256xf32, #tpu.memory_space<vmem>>, %arg8: memref<4x1x512xf32, #tpu.memory_space<vmem>>, %arg9: memref<4x256x512xf32, #tpu.memory_space<vmem>>, %arg10: memref<4x1x256xf32, #tpu.memory_space<vmem>>, %arg11: memref<4x256x256xf32, #tpu.memory_space<vmem>>, %arg12: memref<4x1x256xf32, #tpu.memory_space<vmem>>, %arg13: memref<4x1x256xf32, #tpu.memory_space<vmem>>, %arg14: memref<4x1x256xf32, #tpu.memory_space<vmem>>, %arg15: memref<4224x256xf32, #tpu.memory_space<vmem>>) attributes {dimension_semantics = [#tpu.dimension_semantics<arbitrary>], iteration_bounds = array<i64: 16>, scalar_prefetch = 4 : i64, scratch_operands = 0 : i64, tpu.core_type = #tpu.core_type<tc>, window_params = [{pipeline_mode = #tpu.pipeline_mode<synchronous>, transform_indices = @transform_0, window_bounds = array<i64: 4224, 256>}, {pipeline_mode = #tpu.pipeline_mode<synchronous>, transform_indices = @transform_1, window_bounds = array<i64: 4224, 1>}, {transform_indices = @transform_2, window_bounds = array<i64: 4, 512, 256>}, {transform_indices = @transform_3, window_bounds = array<i64: 4, 1, 512>}, {transform_indices = @transform_4, window_bounds = array<i64: 4, 256, 512>}, {transform_indices = @transform_5, window_bounds = array<i64: 4, 1, 256>}, {transform_indices = @transform_6, window_bounds = array<i64: 4, 256, 256>}, {transform_indices = @transform_7, window_bounds = array<i64: 4, 1, 256>}, {transform_indices = @transform_8, window_bounds = array<i64: 4, 1, 256>}, {transform_indices = @transform_9, window_bounds = array<i64: 4, 1, 256>}, {pipeline_mode = #tpu.pipeline_mode<synchronous>, transform_indices = @transform_10, window_bounds = array<i64: 4224, 256>}]} {
    %mul3A = arith.constant 4 : i32
    %mul3A_0 = arith.muli %arg0, %mul3A : i32
    %add3A = arith.constant 0 : i32
    %add3A_1 = arith.addi %mul3A_0, %add3A : i32
    %get3A = arith.index_cast %add3A_1 : i32 to index
    %get3A_2 = memref.load %arg2[%get3A] : memref<64xi32, #tpu.memory_space<smem>>
    %multiple_of3A = tpu.assume_multiple %get3A_2, 8 : i32
    %get3A_3 = arith.index_cast %add3A_1 : i32 to index
    %get3A_4 = memref.load %arg3[%get3A_3] : memref<64xi32, #tpu.memory_space<smem>>
    %get3A_5 = arith.index_cast %add3A_1 : i32 to index
    %get3A_6 = memref.load %arg4[%get3A_5] : memref<64xi32, #tpu.memory_space<smem>>
    %get3A_7 = arith.index_cast %add3A_1 : i32 to index
    %get3A_8 = memref.load %arg1[%get3A_7] : memref<64xi32, #tpu.memory_space<smem>>
    %while3A = arith.constant 0 : i32
    %while3A_9 = arith.constant 0 : i32
    %while3A_10 = arith.subi %get3A_8, %while3A : i32
    %while3A_11 = arith.addi %while3A, %while3A_10 : i32
    %while3A_12 = arith.constant 1 : i32
    %while3A_13 = arith.divsi %while3A_10, %while3A_12 : i32
    %while3A_14 = arith.muli %while3A_13, %while3A_12 : i32
    %while3A_15 = arith.addi %while3A, %while3A_14 : i32
    %while3A_16 = arith.constant 1 : i32
    %while3A_17 = scf.for %while3A_95 = %while3A to %while3A_15 step %while3A_16 iter_args(%while3A_96 = %while3A_9) -> (i32)  : i32 {
      %mul3A_97 = arith.constant 128 : i32
      %mul3A_98 = arith.muli %while3A_95, %mul3A_97 : i32
      %add3A_99 = arith.addi %multiple_of3A, %mul3A_98 : i32
      %multiple_of3A_100 = tpu.assume_multiple %add3A_99, 8 : i32
      %get3A_101 = arith.index_cast %multiple_of3A_100 : i32 to index
      %get3A_102 = arith.constant 0 : index
      %get3A_103 = vector.load %arg5[%get3A_101, %get3A_102] : memref<4224x256xf32, #tpu.memory_space<vmem>>, vector<128x256xf32>
      %get3A_104 = arith.constant 0 : index
      %get3A_105 = arith.constant 0 : index
      %get3A_106 = arith.constant 0 : index
      %get3A_107 = vector.load %arg7[%get3A_104, %get3A_105, %get3A_106] : memref<4x512x256xf32, #tpu.memory_space<vmem>>, vector<1x512x256xf32>
      %get3A_108 = vector.shape_cast %get3A_107 : vector<1x512x256xf32> to vector<512x256xf32>
      %dot_general3A = arith.constant dense<0.000000e+00> : vector<128x512xf32>
      %dot_general3A_109 = tpu.matmul %get3A_103, %get3A_108, %dot_general3A {dimension_numbers = #tpu.dot_dimension_numbers<[1], [1], [0], [0], [0, 0, 1, 0], [], []>, transpose_lhs_hint = false} : vector<128x256xf32>, vector<512x256xf32>, vector<128x512xf32> -> vector<128x512xf32>
      %get3A_110 = arith.constant 0 : index
      %get3A_111 = arith.constant 0 : index
      %get3A_112 = arith.constant 0 : index
      %get3A_113 = vector.load %arg8[%get3A_110, %get3A_111, %get3A_112] : memref<4x1x512xf32, #tpu.memory_space<vmem>>, vector<1x1x512xf32>
      %get3A_114 = vector.shape_cast %get3A_113 : vector<1x1x512xf32> to vector<1x512xf32>
      %add3A_115 = vector.broadcast %get3A_114 : vector<1x512xf32> to vector<128x512xf32>
      %add3A_116 = arith.addf %dot_general3A_109, %add3A_115 : vector<128x512xf32>
      %mul3A_117 = arith.constant 5.000000e-01 : f32
      %mul3A_118 = vector.broadcast %mul3A_117 : f32 to vector<128x512xf32>
      %mul3A_119 = arith.mulf %mul3A_118, %add3A_116 : vector<128x512xf32>
      %mul3A_120 = arith.constant 0.707106769 : f32
      %mul3A_121 = vector.broadcast %mul3A_120 : f32 to vector<128x512xf32>
      %mul3A_122 = arith.mulf %add3A_116, %mul3A_121 : vector<128x512xf32>
      %erf3A = math.erf %mul3A_122 : vector<128x512xf32>
      %add3A_123 = arith.constant 1.000000e+00 : f32
      %add3A_124 = vector.broadcast %add3A_123 : f32 to vector<128x512xf32>
      %add3A_125 = arith.addf %add3A_124, %erf3A : vector<128x512xf32>
      %mul3A_126 = arith.mulf %mul3A_119, %add3A_125 : vector<128x512xf32>
      %get3A_127 = arith.constant 0 : index
      %get3A_128 = arith.constant 0 : index
      %get3A_129 = arith.constant 0 : index
      %get3A_130 = vector.load %arg9[%get3A_127, %get3A_128, %get3A_129] : memref<4x256x512xf32, #tpu.memory_space<vmem>>, vector<1x256x512xf32>
      %get3A_131 = vector.shape_cast %get3A_130 : vector<1x256x512xf32> to vector<256x512xf32>
      %dot_general3A_132 = arith.constant dense<0.000000e+00> : vector<128x256xf32>
      %dot_general3A_133 = tpu.matmul %mul3A_126, %get3A_131, %dot_general3A_132 {dimension_numbers = #tpu.dot_dimension_numbers<[1], [1], [0], [0], [0, 0, 1, 0], [], []>, transpose_lhs_hint = false} : vector<128x512xf32>, vector<256x512xf32>, vector<128x256xf32> -> vector<128x256xf32>
      %get3A_134 = arith.constant 0 : index
      %get3A_135 = arith.constant 0 : index
      %get3A_136 = arith.constant 0 : index
      %get3A_137 = vector.load %arg10[%get3A_134, %get3A_135, %get3A_136] : memref<4x1x256xf32, #tpu.memory_space<vmem>>, vector<1x1x256xf32>
      %get3A_138 = vector.shape_cast %get3A_137 : vector<1x1x256xf32> to vector<1x256xf32>
      %add3A_139 = vector.broadcast %get3A_138 : vector<1x256xf32> to vector<128x256xf32>
      %add3A_140 = arith.addf %dot_general3A_133, %add3A_139 : vector<128x256xf32>
      %mul3A_141 = arith.constant 5.000000e-01 : f32
      %mul3A_142 = vector.broadcast %mul3A_141 : f32 to vector<128x256xf32>
      %mul3A_143 = arith.mulf %mul3A_142, %add3A_140 : vector<128x256xf32>
      %mul3A_144 = arith.constant 0.707106769 : f32
      %mul3A_145 = vector.broadcast %mul3A_144 : f32 to vector<128x256xf32>
      %mul3A_146 = arith.mulf %add3A_140, %mul3A_145 : vector<128x256xf32>
      %erf3A_147 = math.erf %mul3A_146 : vector<128x256xf32>
      %add3A_148 = arith.constant 1.000000e+00 : f32
      %add3A_149 = vector.broadcast %add3A_148 : f32 to vector<128x256xf32>
      %add3A_150 = arith.addf %add3A_149, %erf3A_147 : vector<128x256xf32>
      %mul3A_151 = arith.mulf %mul3A_143, %add3A_150 : vector<128x256xf32>
      %get3A_152 = arith.constant 0 : index
      %get3A_153 = arith.constant 0 : index
      %get3A_154 = arith.constant 0 : index
      %get3A_155 = vector.load %arg11[%get3A_152, %get3A_153, %get3A_154] : memref<4x256x256xf32, #tpu.memory_space<vmem>>, vector<1x256x256xf32>
      %get3A_156 = vector.shape_cast %get3A_155 : vector<1x256x256xf32> to vector<256x256xf32>
      %dot_general3A_157 = arith.constant dense<0.000000e+00> : vector<128x256xf32>
      %dot_general3A_158 = tpu.matmul %mul3A_151, %get3A_156, %dot_general3A_157 {dimension_numbers = #tpu.dot_dimension_numbers<[1], [1], [0], [0], [0, 0, 1, 0], [], []>, transpose_lhs_hint = false} : vector<128x256xf32>, vector<256x256xf32>, vector<128x256xf32> -> vector<128x256xf32>
      %get3A_159 = arith.constant 0 : index
      %get3A_160 = arith.constant 0 : index
      %get3A_161 = arith.constant 0 : index
      %get3A_162 = vector.load %arg12[%get3A_159, %get3A_160, %get3A_161] : memref<4x1x256xf32, #tpu.memory_space<vmem>>, vector<1x1x256xf32>
      %get3A_163 = vector.shape_cast %get3A_162 : vector<1x1x256xf32> to vector<1x256xf32>
      %add3A_164 = vector.broadcast %get3A_163 : vector<1x256xf32> to vector<128x256xf32>
      %add3A_165 = arith.addf %dot_general3A_158, %add3A_164 : vector<128x256xf32>
      %add3A_166 = arith.addf %get3A_103, %add3A_165 : vector<128x256xf32>
      %get3A_167 = arith.constant 0 : index
      %get3A_168 = arith.constant 0 : index
      %get3A_169 = arith.constant 0 : index
      %get3A_170 = vector.load %arg13[%get3A_167, %get3A_168, %get3A_169] : memref<4x1x256xf32, #tpu.memory_space<vmem>>, vector<1x1x256xf32>
      %get3A_171 = vector.shape_cast %get3A_170 : vector<1x1x256xf32> to vector<1x256xf32>
      %get3A_172 = arith.constant 0 : index
      %get3A_173 = arith.constant 0 : index
      %get3A_174 = arith.constant 0 : index
      %get3A_175 = vector.load %arg14[%get3A_172, %get3A_173, %get3A_174] : memref<4x1x256xf32, #tpu.memory_space<vmem>>, vector<1x1x256xf32>
      %get3A_176 = vector.shape_cast %get3A_175 : vector<1x1x256xf32> to vector<1x256xf32>
      %reduce_sum3A = arith.constant dense<0.000000e+00> : vector<128xf32>
      %reduce_sum3A_177 = vector.multi_reduction <add>, %add3A_166, %reduce_sum3A [1] : vector<128x256xf32> to vector<128xf32>
      %broadcast_in_dim3A = vector.shape_cast %reduce_sum3A_177 : vector<128xf32> to vector<128x1xf32>
      %div3A = arith.constant 2.560000e+02 : f32
      %div3A_178 = vector.broadcast %div3A : f32 to vector<128x1xf32>
      %div3A_179 = arith.divf %broadcast_in_dim3A, %div3A_178 : vector<128x1xf32>
      %sub3A = vector.broadcast %div3A_179 : vector<128x1xf32> to vector<128x256xf32>
      %sub3A_180 = arith.subf %add3A_166, %sub3A : vector<128x256xf32>
      %integer_pow3A = arith.mulf %sub3A_180, %sub3A_180 : vector<128x256xf32>
      %reduce_sum3A_181 = arith.constant dense<0.000000e+00> : vector<128xf32>
      %reduce_sum3A_182 = vector.multi_reduction <add>, %integer_pow3A, %reduce_sum3A_181 [1] : vector<128x256xf32> to vector<128xf32>
      %broadcast_in_dim3A_183 = vector.shape_cast %reduce_sum3A_182 : vector<128xf32> to vector<128x1xf32>
      %div3A_184 = arith.constant 2.560000e+02 : f32
      %div3A_185 = vector.broadcast %div3A_184 : f32 to vector<128x1xf32>
      %div3A_186 = arith.divf %broadcast_in_dim3A_183, %div3A_185 : vector<128x1xf32>
      %sub3A_187 = vector.broadcast %div3A_179 : vector<128x1xf32> to vector<128x256xf32>
      %sub3A_188 = arith.subf %add3A_166, %sub3A_187 : vector<128x256xf32>
      %add3A_189 = arith.constant 9.99999974E-6 : f32
      %add3A_190 = vector.broadcast %add3A_189 : f32 to vector<128x1xf32>
      %add3A_191 = arith.addf %div3A_186, %add3A_190 : vector<128x1xf32>
      %rsqrt3A = math.rsqrt %add3A_191 : vector<128x1xf32>
      %mul3A_192 = vector.broadcast %rsqrt3A : vector<128x1xf32> to vector<128x256xf32>
      %mul3A_193 = arith.mulf %sub3A_188, %mul3A_192 : vector<128x256xf32>
      %mul3A_194 = vector.broadcast %get3A_171 : vector<1x256xf32> to vector<128x256xf32>
      %mul3A_195 = arith.mulf %mul3A_193, %mul3A_194 : vector<128x256xf32>
      %add3A_196 = vector.broadcast %get3A_176 : vector<1x256xf32> to vector<128x256xf32>
      %add3A_197 = arith.addf %mul3A_195, %add3A_196 : vector<128x256xf32>
      %get3A_198 = arith.index_cast %multiple_of3A_100 : i32 to index
      %get3A_199 = arith.constant 0 : index
      %get3A_200 = vector.load %arg6[%get3A_198, %get3A_199] : memref<4224x1xf32, #tpu.memory_space<vmem>>, vector<128x1xf32>
      %mul3A_201 = vector.broadcast %get3A_200 : vector<128x1xf32> to vector<128x256xf32>
      %mul3A_202 = arith.mulf %add3A_197, %mul3A_201 : vector<128x256xf32>
      %iota3A = tpu.iota {dimensions = array<i32: 0>} : vector<128x1xi32>
      %add3A_203 = vector.broadcast %multiple_of3A_100 : i32 to vector<128x1xi32>
      %add3A_204 = arith.addi %add3A_203, %iota3A : vector<128x1xi32>
      %ge3A = vector.broadcast %get3A_4 : i32 to vector<128x1xi32>
      %ge3A_205 = arith.cmpi sge, %add3A_204, %ge3A : vector<128x1xi32>
      %lt3A = vector.broadcast %get3A_6 : i32 to vector<128x1xi32>
      %lt3A_206 = arith.cmpi slt, %add3A_204, %lt3A : vector<128x1xi32>
      %and3A = arith.andi %ge3A_205, %lt3A_206 : vector<128x1xi1>
      %get3A_207 = arith.index_cast %multiple_of3A_100 : i32 to index
      %get3A_208 = arith.constant 0 : index
      %get3A_209 = vector.load %arg15[%get3A_207, %get3A_208] : memref<4224x256xf32, #tpu.memory_space<vmem>>, vector<128x256xf32>
      %broadcast_in_dim3A_210 = vector.shape_cast %and3A : vector<128x1xi1> to vector<128x1xi1>
      %broadcast_in_dim3A_211 = vector.broadcast %broadcast_in_dim3A_210 : vector<128x1xi1> to vector<128x256xi1>
      %select_n3A = arith.select %broadcast_in_dim3A_211, %mul3A_202, %get3A_209 : vector<128x256xi1>, vector<128x256xf32>
      %swap3A = arith.index_cast %multiple_of3A_100 : i32 to index
      %swap3A_212 = arith.constant 0 : index
      %swap3A_213 = vector.load %arg15[%swap3A, %swap3A_212] : memref<4224x256xf32, #tpu.memory_space<vmem>>, vector<128x256xf32>
      tpu.vector_store %arg15[%swap3A, %swap3A_212], %select_n3A {strides = array<i32>} : memref<4224x256xf32, #tpu.memory_space<vmem>>, vector<128x256xf32>,
      %while3A_214 = arith.constant 0 : i32
      scf.yield %while3A_214 : i32
    }
    %while3A_18 = arith.constant 1 : i32
    %while3A_19 = scf.for %while3A_95 = %while3A_15 to %while3A_11 step %while3A_18 iter_args(%while3A_96 = %while3A_17) -> (i32)  : i32 {
      %mul3A_97 = arith.constant 128 : i32
      %mul3A_98 = arith.muli %while3A_95, %mul3A_97 : i32
      %add3A_99 = arith.addi %multiple_of3A, %mul3A_98 : i32
      %multiple_of3A_100 = tpu.assume_multiple %add3A_99, 8 : i32
      %get3A_101 = arith.index_cast %multiple_of3A_100 : i32 to index
      %get3A_102 = arith.constant 0 : index
      %get3A_103 = vector.load %arg5[%get3A_101, %get3A_102] : memref<4224x256xf32, #tpu.memory_space<vmem>>, vector<128x256xf32>
      %get3A_104 = arith.constant 0 : index
      %get3A_105 = arith.constant 0 : index
      %get3A_106 = arith.constant 0 : index
      %get3A_107 = vector.load %arg7[%get3A_104, %get3A_105, %get3A_106] : memref<4x512x256xf32, #tpu.memory_space<vmem>>, vector<1x512x256xf32>
      %get3A_108 = vector.shape_cast %get3A_107 : vector<1x512x256xf32> to vector<512x256xf32>
      %dot_general3A = arith.constant dense<0.000000e+00> : vector<128x512xf32>
      %dot_general3A_109 = tpu.matmul %get3A_103, %get3A_108, %dot_general3A {dimension_numbers = #tpu.dot_dimension_numbers<[1], [1], [0], [0], [0, 0, 1, 0], [], []>, transpose_lhs_hint = false} : vector<128x256xf32>, vector<512x256xf32>, vector<128x512xf32> -> vector<128x512xf32>
      %get3A_110 = arith.constant 0 : index
      %get3A_111 = arith.constant 0 : index
      %get3A_112 = arith.constant 0 : index
      %get3A_113 = vector.load %arg8[%get3A_110, %get3A_111, %get3A_112] : memref<4x1x512xf32, #tpu.memory_space<vmem>>, vector<1x1x512xf32>
      %get3A_114 = vector.shape_cast %get3A_113 : vector<1x1x512xf32> to vector<1x512xf32>
      %add3A_115 = vector.broadcast %get3A_114 : vector<1x512xf32> to vector<128x512xf32>
      %add3A_116 = arith.addf %dot_general3A_109, %add3A_115 : vector<128x512xf32>
      %mul3A_117 = arith.constant 5.000000e-01 : f32
      %mul3A_118 = vector.broadcast %mul3A_117 : f32 to vector<128x512xf32>
      %mul3A_119 = arith.mulf %mul3A_118, %add3A_116 : vector<128x512xf32>
      %mul3A_120 = arith.constant 0.707106769 : f32
      %mul3A_121 = vector.broadcast %mul3A_120 : f32 to vector<128x512xf32>
      %mul3A_122 = arith.mulf %add3A_116, %mul3A_121 : vector<128x512xf32>
      %erf3A = math.erf %mul3A_122 : vector<128x512xf32>
      %add3A_123 = arith.constant 1.000000e+00 : f32
      %add3A_124 = vector.broadcast %add3A_123 : f32 to vector<128x512xf32>
      %add3A_125 = arith.addf %add3A_124, %erf3A : vector<128x512xf32>
      %mul3A_126 = arith.mulf %mul3A_119, %add3A_125 : vector<128x512xf32>
      %get3A_127 = arith.constant 0 : index
      %get3A_128 = arith.constant 0 : index
      %get3A_129 = arith.constant 0 : index
      %get3A_130 = vector.load %arg9[%get3A_127, %get3A_128, %get3A_129] : memref<4x256x512xf32, #tpu.memory_space<vmem>>, vector<1x256x512xf32>
      %get3A_131 = vector.shape_cast %get3A_130 : vector<1x256x512xf32> to vector<256x512xf32>
      %dot_general3A_132 = arith.constant dense<0.000000e+00> : vector<128x256xf32>
      %dot_general3A_133 = tpu.matmul %mul3A_126, %get3A_131, %dot_general3A_132 {dimension_numbers = #tpu.dot_dimension_numbers<[1], [1], [0], [0], [0, 0, 1, 0], [], []>, transpose_lhs_hint = false} : vector<128x512xf32>, vector<256x512xf32>, vector<128x256xf32> -> vector<128x256xf32>
      %get3A_134 = arith.constant 0 : index
      %get3A_135 = arith.constant 0 : index
      %get3A_136 = arith.constant 0 : index
      %get3A_137 = vector.load %arg10[%get3A_134, %get3A_135, %get3A_136] : memref<4x1x256xf32, #tpu.memory_space<vmem>>, vector<1x1x256xf32>
      %get3A_138 = vector.shape_cast %get3A_137 : vector<1x1x256xf32> to vector<1x256xf32>
      %add3A_139 = vector.broadcast %get3A_138 : vector<1x256xf32> to vector<128x256xf32>
      %add3A_140 = arith.addf %dot_general3A_133, %add3A_139 : vector<128x256xf32>
      %mul3A_141 = arith.constant 5.000000e-01 : f32
      %mul3A_142 = vector.broadcast %mul3A_141 : f32 to vector<128x256xf32>
      %mul3A_143 = arith.mulf %mul3A_142, %add3A_140 : vector<128x256xf32>
      %mul3A_144 = arith.constant 0.707106769 : f32
      %mul3A_145 = vector.broadcast %mul3A_144 : f32 to vector<128x256xf32>
      %mul3A_146 = arith.mulf %add3A_140, %mul3A_145 : vector<128x256xf32>
      %erf3A_147 = math.erf %mul3A_146 : vector<128x256xf32>
      %add3A_148 = arith.constant 1.000000e+00 : f32
      %add3A_149 = vector.broadcast %add3A_148 : f32 to vector<128x256xf32>
      %add3A_150 = arith.addf %add3A_149, %erf3A_147 : vector<128x256xf32>
      %mul3A_151 = arith.mulf %mul3A_143, %add3A_150 : vector<128x256xf32>
      %get3A_152 = arith.constant 0 : index
      %get3A_153 = arith.constant 0 : index
      %get3A_154 = arith.constant 0 : index
      %get3A_155 = vector.load %arg11[%get3A_152, %get3A_153, %get3A_154] : memref<4x256x256xf32, #tpu.memory_space<vmem>>, vector<1x256x256xf32>
      %get3A_156 = vector.shape_cast %get3A_155 : vector<1x256x256xf32> to vector<256x256xf32>
      %dot_general3A_157 = arith.constant dense<0.000000e+00> : vector<128x256xf32>
      %dot_general3A_158 = tpu.matmul %mul3A_151, %get3A_156, %dot_general3A_157 {dimension_numbers = #tpu.dot_dimension_numbers<[1], [1], [0], [0], [0, 0, 1, 0], [], []>, transpose_lhs_hint = false} : vector<128x256xf32>, vector<256x256xf32>, vector<128x256xf32> -> vector<128x256xf32>
      %get3A_159 = arith.constant 0 : index
      %get3A_160 = arith.constant 0 : index
      %get3A_161 = arith.constant 0 : index
      %get3A_162 = vector.load %arg12[%get3A_159, %get3A_160, %get3A_161] : memref<4x1x256xf32, #tpu.memory_space<vmem>>, vector<1x1x256xf32>
      %get3A_163 = vector.shape_cast %get3A_162 : vector<1x1x256xf32> to vector<1x256xf32>
      %add3A_164 = vector.broadcast %get3A_163 : vector<1x256xf32> to vector<128x256xf32>
      %add3A_165 = arith.addf %dot_general3A_158, %add3A_164 : vector<128x256xf32>
      %add3A_166 = arith.addf %get3A_103, %add3A_165 : vector<128x256xf32>
      %get3A_167 = arith.constant 0 : index
      %get3A_168 = arith.constant 0 : index
      %get3A_169 = arith.constant 0 : index
      %get3A_170 = vector.load %arg13[%get3A_167, %get3A_168, %get3A_169] : memref<4x1x256xf32, #tpu.memory_space<vmem>>, vector<1x1x256xf32>
      %get3A_171 = vector.shape_cast %get3A_170 : vector<1x1x256xf32> to vector<1x256xf32>
      %get3A_172 = arith.constant 0 : index
      %get3A_173 = arith.constant 0 : index
      %get3A_174 = arith.constant 0 : index
      %get3A_175 = vector.load %arg14[%get3A_172, %get3A_173, %get3A_174] : memref<4x1x256xf32, #tpu.memory_space<vmem>>, vector<1x1x256xf32>
      %get3A_176 = vector.shape_cast %get3A_175 : vector<1x1x256xf32> to vector<1x256xf32>
      %reduce_sum3A = arith.constant dense<0.000000e+00> : vector<128xf32>
      %reduce_sum3A_177 = vector.multi_reduction <add>, %add3A_166, %reduce_sum3A [1] : vector<128x256xf32> to vector<128xf32>
      %broadcast_in_dim3A = vector.shape_cast %reduce_sum3A_177 : vector<128xf32> to vector<128x1xf32>
      %div3A = arith.constant 2.560000e+02 : f32
      %div3A_178 = vector.broadcast %div3A : f32 to vector<128x1xf32>
      %div3A_179 = arith.divf %broadcast_in_dim3A, %div3A_178 : vector<128x1xf32>
      %sub3A = vector.broadcast %div3A_179 : vector<128x1xf32> to vector<128x256xf32>
      %sub3A_180 = arith.subf %add3A_166, %sub3A : vector<128x256xf32>
      %integer_pow3A = arith.mulf %sub3A_180, %sub3A_180 : vector<128x256xf32>
      %reduce_sum3A_181 = arith.constant dense<0.000000e+00> : vector<128xf32>
      %reduce_sum3A_182 = vector.multi_reduction <add>, %integer_pow3A, %reduce_sum3A_181 [1] : vector<128x256xf32> to vector<128xf32>
      %broadcast_in_dim3A_183 = vector.shape_cast %reduce_sum3A_182 : vector<128xf32> to vector<128x1xf32>
      %div3A_184 = arith.constant 2.560000e+02 : f32
      %div3A_185 = vector.broadcast %div3A_184 : f32 to vector<128x1xf32>
      %div3A_186 = arith.divf %broadcast_in_dim3A_183, %div3A_185 : vector<128x1xf32>
      %sub3A_187 = vector.broadcast %div3A_179 : vector<128x1xf32> to vector<128x256xf32>
      %sub3A_188 = arith.subf %add3A_166, %sub3A_187 : vector<128x256xf32>
      %add3A_189 = arith.constant 9.99999974E-6 : f32
      %add3A_190 = vector.broadcast %add3A_189 : f32 to vector<128x1xf32>
      %add3A_191 = arith.addf %div3A_186, %add3A_190 : vector<128x1xf32>
      %rsqrt3A = math.rsqrt %add3A_191 : vector<128x1xf32>
      %mul3A_192 = vector.broadcast %rsqrt3A : vector<128x1xf32> to vector<128x256xf32>
      %mul3A_193 = arith.mulf %sub3A_188, %mul3A_192 : vector<128x256xf32>
      %mul3A_194 = vector.broadcast %get3A_171 : vector<1x256xf32> to vector<128x256xf32>
      %mul3A_195 = arith.mulf %mul3A_193, %mul3A_194 : vector<128x256xf32>
      %add3A_196 = vector.broadcast %get3A_176 : vector<1x256xf32> to vector<128x256xf32>
      %add3A_197 = arith.addf %mul3A_195, %add3A_196 : vector<128x256xf32>
      %get3A_198 = arith.index_cast %multiple_of3A_100 : i32 to index
      %get3A_199 = arith.constant 0 : index
      %get3A_200 = vector.load %arg6[%get3A_198, %get3A_199] : memref<4224x1xf32, #tpu.memory_space<vmem>>, vector<128x1xf32>
      %mul3A_201 = vector.broadcast %get3A_200 : vector<128x1xf32> to vector<128x256xf32>
      %mul3A_202 = arith.mulf %add3A_197, %mul3A_201 : vector<128x256xf32>
      %iota3A = tpu.iota {dimensions = array<i32: 0>} : vector<128x1xi32>
      %add3A_203 = vector.broadcast %multiple_of3A_100 : i32 to vector<128x1xi32>
      %add3A_204 = arith.addi %add3A_203, %iota3A : vector<128x1xi32>
      %ge3A = vector.broadcast %get3A_4 : i32 to vector<128x1xi32>
      %ge3A_205 = arith.cmpi sge, %add3A_204, %ge3A : vector<128x1xi32>
      %lt3A = vector.broadcast %get3A_6 : i32 to vector<128x1xi32>
      %lt3A_206 = arith.cmpi slt, %add3A_204, %lt3A : vector<128x1xi32>
      %and3A = arith.andi %ge3A_205, %lt3A_206 : vector<128x1xi1>
      %get3A_207 = arith.index_cast %multiple_of3A_100 : i32 to index
      %get3A_208 = arith.constant 0 : index
      %get3A_209 = vector.load %arg15[%get3A_207, %get3A_208] : memref<4224x256xf32, #tpu.memory_space<vmem>>, vector<128x256xf32>
      %broadcast_in_dim3A_210 = vector.shape_cast %and3A : vector<128x1xi1> to vector<128x1xi1>
      %broadcast_in_dim3A_211 = vector.broadcast %broadcast_in_dim3A_210 : vector<128x1xi1> to vector<128x256xi1>
      %select_n3A = arith.select %broadcast_in_dim3A_211, %mul3A_202, %get3A_209 : vector<128x256xi1>, vector<128x256xf32>
      %swap3A = arith.index_cast %multiple_of3A_100 : i32 to index
      %swap3A_212 = arith.constant 0 : index
      %swap3A_213 = vector.load %arg15[%swap3A, %swap3A_212] : memref<4224x256xf32, #tpu.memory_space<vmem>>, vector<128x256xf32>
      tpu.vector_store %arg15[%swap3A, %swap3A_212], %select_n3A {strides = array<i32>} : memref<4224x256xf32, #tpu.memory_space<vmem>>, vector<128x256xf32>,
      %while3A_214 = arith.constant 0 : i32
      scf.yield %while3A_214 : i32
    }
    %mul3A_20 = arith.constant 4 : i32
    %mul3A_21 = arith.muli %arg0, %mul3A_20 : i32
    %add3A_22 = arith.constant 1 : i32
    %add3A_23 = arith.addi %mul3A_21, %add3A_22 : i32
    %get3A_24 = arith.index_cast %add3A_23 : i32 to index
    %get3A_25 = memref.load %arg2[%get3A_24] : memref<64xi32, #tpu.memory_space<smem>>
    %multiple_of3A_26 = tpu.assume_multiple %get3A_25, 8 : i32
    %get3A_27 = arith.index_cast %add3A_23 : i32 to index
    %get3A_28 = memref.load %arg3[%get3A_27] : memref<64xi32, #tpu.memory_space<smem>>
    %get3A_29 = arith.index_cast %add3A_23 : i32 to index
    %get3A_30 = memref.load %arg4[%get3A_29] : memref<64xi32, #tpu.memory_space<smem>>
    %get3A_31 = arith.index_cast %add3A_23 : i32 to index
    %get3A_32 = memref.load %arg1[%get3A_31] : memref<64xi32, #tpu.memory_space<smem>>
    %while3A_33 = arith.constant 0 : i32
    %while3A_34 = arith.constant 0 : i32
    %while3A_35 = arith.subi %get3A_32, %while3A_33 : i32
    %while3A_36 = arith.addi %while3A_33, %while3A_35 : i32
    %while3A_37 = arith.constant 1 : i32
    %while3A_38 = arith.divsi %while3A_35, %while3A_37 : i32
    %while3A_39 = arith.muli %while3A_38, %while3A_37 : i32
    %while3A_40 = arith.addi %while3A_33, %while3A_39 : i32
    %while3A_41 = arith.constant 1 : i32
    %while3A_42 = scf.for %while3A_95 = %while3A_33 to %while3A_40 step %while3A_41 iter_args(%while3A_96 = %while3A_34) -> (i32)  : i32 {
      %mul3A_97 = arith.constant 128 : i32
      %mul3A_98 = arith.muli %while3A_95, %mul3A_97 : i32
      %add3A_99 = arith.addi %multiple_of3A_26, %mul3A_98 : i32
      %multiple_of3A_100 = tpu.assume_multiple %add3A_99, 8 : i32
      %get3A_101 = arith.index_cast %multiple_of3A_100 : i32 to index
      %get3A_102 = arith.constant 0 : index
      %get3A_103 = vector.load %arg5[%get3A_101, %get3A_102] : memref<4224x256xf32, #tpu.memory_space<vmem>>, vector<128x256xf32>
      %get3A_104 = arith.constant 1 : index
      %get3A_105 = arith.constant 0 : index
      %get3A_106 = arith.constant 0 : index
      %get3A_107 = vector.load %arg7[%get3A_104, %get3A_105, %get3A_106] : memref<4x512x256xf32, #tpu.memory_space<vmem>>, vector<1x512x256xf32>
      %get3A_108 = vector.shape_cast %get3A_107 : vector<1x512x256xf32> to vector<512x256xf32>
      %dot_general3A = arith.constant dense<0.000000e+00> : vector<128x512xf32>
      %dot_general3A_109 = tpu.matmul %get3A_103, %get3A_108, %dot_general3A {dimension_numbers = #tpu.dot_dimension_numbers<[1], [1], [0], [0], [0, 0, 1, 0], [], []>, transpose_lhs_hint = false} : vector<128x256xf32>, vector<512x256xf32>, vector<128x512xf32> -> vector<128x512xf32>
      %get3A_110 = arith.constant 1 : index
      %get3A_111 = arith.constant 0 : index
      %get3A_112 = arith.constant 0 : index
      %get3A_113 = vector.load %arg8[%get3A_110, %get3A_111, %get3A_112] : memref<4x1x512xf32, #tpu.memory_space<vmem>>, vector<1x1x512xf32>
      %get3A_114 = vector.shape_cast %get3A_113 : vector<1x1x512xf32> to vector<1x512xf32>
      %add3A_115 = vector.broadcast %get3A_114 : vector<1x512xf32> to vector<128x512xf32>
      %add3A_116 = arith.addf %dot_general3A_109, %add3A_115 : vector<128x512xf32>
      %mul3A_117 = arith.constant 5.000000e-01 : f32
      %mul3A_118 = vector.broadcast %mul3A_117 : f32 to vector<128x512xf32>
      %mul3A_119 = arith.mulf %mul3A_118, %add3A_116 : vector<128x512xf32>
      %mul3A_120 = arith.constant 0.707106769 : f32
      %mul3A_121 = vector.broadcast %mul3A_120 : f32 to vector<128x512xf32>
      %mul3A_122 = arith.mulf %add3A_116, %mul3A_121 : vector<128x512xf32>
      %erf3A = math.erf %mul3A_122 : vector<128x512xf32>
      %add3A_123 = arith.constant 1.000000e+00 : f32
      %add3A_124 = vector.broadcast %add3A_123 : f32 to vector<128x512xf32>
      %add3A_125 = arith.addf %add3A_124, %erf3A : vector<128x512xf32>
      %mul3A_126 = arith.mulf %mul3A_119, %add3A_125 : vector<128x512xf32>
      %get3A_127 = arith.constant 1 : index
      %get3A_128 = arith.constant 0 : index
      %get3A_129 = arith.constant 0 : index
      %get3A_130 = vector.load %arg9[%get3A_127, %get3A_128, %get3A_129] : memref<4x256x512xf32, #tpu.memory_space<vmem>>, vector<1x256x512xf32>
      %get3A_131 = vector.shape_cast %get3A_130 : vector<1x256x512xf32> to vector<256x512xf32>
      %dot_general3A_132 = arith.constant dense<0.000000e+00> : vector<128x256xf32>
      %dot_general3A_133 = tpu.matmul %mul3A_126, %get3A_131, %dot_general3A_132 {dimension_numbers = #tpu.dot_dimension_numbers<[1], [1], [0], [0], [0, 0, 1, 0], [], []>, transpose_lhs_hint = false} : vector<128x512xf32>, vector<256x512xf32>, vector<128x256xf32> -> vector<128x256xf32>
      %get3A_134 = arith.constant 1 : index
      %get3A_135 = arith.constant 0 : index
      %get3A_136 = arith.constant 0 : index
      %get3A_137 = vector.load %arg10[%get3A_134, %get3A_135, %get3A_136] : memref<4x1x256xf32, #tpu.memory_space<vmem>>, vector<1x1x256xf32>
      %get3A_138 = vector.shape_cast %get3A_137 : vector<1x1x256xf32> to vector<1x256xf32>
      %add3A_139 = vector.broadcast %get3A_138 : vector<1x256xf32> to vector<128x256xf32>
      %add3A_140 = arith.addf %dot_general3A_133, %add3A_139 : vector<128x256xf32>
      %mul3A_141 = arith.constant 5.000000e-01 : f32
      %mul3A_142 = vector.broadcast %mul3A_141 : f32 to vector<128x256xf32>
      %mul3A_143 = arith.mulf %mul3A_142, %add3A_140 : vector<128x256xf32>
      %mul3A_144 = arith.constant 0.707106769 : f32
      %mul3A_145 = vector.broadcast %mul3A_144 : f32 to vector<128x256xf32>
      %mul3A_146 = arith.mulf %add3A_140, %mul3A_145 : vector<128x256xf32>
      %erf3A_147 = math.erf %mul3A_146 : vector<128x256xf32>
      %add3A_148 = arith.constant 1.000000e+00 : f32
      %add3A_149 = vector.broadcast %add3A_148 : f32 to vector<128x256xf32>
      %add3A_150 = arith.addf %add3A_149, %erf3A_147 : vector<128x256xf32>
      %mul3A_151 = arith.mulf %mul3A_143, %add3A_150 : vector<128x256xf32>
      %get3A_152 = arith.constant 1 : index
      %get3A_153 = arith.constant 0 : index
      %get3A_154 = arith.constant 0 : index
      %get3A_155 = vector.load %arg11[%get3A_152, %get3A_153, %get3A_154] : memref<4x256x256xf32, #tpu.memory_space<vmem>>, vector<1x256x256xf32>
      %get3A_156 = vector.shape_cast %get3A_155 : vector<1x256x256xf32> to vector<256x256xf32>
      %dot_general3A_157 = arith.constant dense<0.000000e+00> : vector<128x256xf32>
      %dot_general3A_158 = tpu.matmul %mul3A_151, %get3A_156, %dot_general3A_157 {dimension_numbers = #tpu.dot_dimension_numbers<[1], [1], [0], [0], [0, 0, 1, 0], [], []>, transpose_lhs_hint = false} : vector<128x256xf32>, vector<256x256xf32>, vector<128x256xf32> -> vector<128x256xf32>
      %get3A_159 = arith.constant 1 : index
      %get3A_160 = arith.constant 0 : index
      %get3A_161 = arith.constant 0 : index
      %get3A_162 = vector.load %arg12[%get3A_159, %get3A_160, %get3A_161] : memref<4x1x256xf32, #tpu.memory_space<vmem>>, vector<1x1x256xf32>
      %get3A_163 = vector.shape_cast %get3A_162 : vector<1x1x256xf32> to vector<1x256xf32>
      %add3A_164 = vector.broadcast %get3A_163 : vector<1x256xf32> to vector<128x256xf32>
      %add3A_165 = arith.addf %dot_general3A_158, %add3A_164 : vector<128x256xf32>
      %add3A_166 = arith.addf %get3A_103, %add3A_165 : vector<128x256xf32>
      %get3A_167 = arith.constant 1 : index
      %get3A_168 = arith.constant 0 : index
      %get3A_169 = arith.constant 0 : index
      %get3A_170 = vector.load %arg13[%get3A_167, %get3A_168, %get3A_169] : memref<4x1x256xf32, #tpu.memory_space<vmem>>, vector<1x1x256xf32>
      %get3A_171 = vector.shape_cast %get3A_170 : vector<1x1x256xf32> to vector<1x256xf32>
      %get3A_172 = arith.constant 1 : index
      %get3A_173 = arith.constant 0 : index
      %get3A_174 = arith.constant 0 : index
      %get3A_175 = vector.load %arg14[%get3A_172, %get3A_173, %get3A_174] : memref<4x1x256xf32, #tpu.memory_space<vmem>>, vector<1x1x256xf32>
      %get3A_176 = vector.shape_cast %get3A_175 : vector<1x1x256xf32> to vector<1x256xf32>
      %reduce_sum3A = arith.constant dense<0.000000e+00> : vector<128xf32>
      %reduce_sum3A_177 = vector.multi_reduction <add>, %add3A_166, %reduce_sum3A [1] : vector<128x256xf32> to vector<128xf32>
      %broadcast_in_dim3A = vector.shape_cast %reduce_sum3A_177 : vector<128xf32> to vector<128x1xf32>
      %div3A = arith.constant 2.560000e+02 : f32
      %div3A_178 = vector.broadcast %div3A : f32 to vector<128x1xf32>
      %div3A_179 = arith.divf %broadcast_in_dim3A, %div3A_178 : vector<128x1xf32>
      %sub3A = vector.broadcast %div3A_179 : vector<128x1xf32> to vector<128x256xf32>
      %sub3A_180 = arith.subf %add3A_166, %sub3A : vector<128x256xf32>
      %integer_pow3A = arith.mulf %sub3A_180, %sub3A_180 : vector<128x256xf32>
      %reduce_sum3A_181 = arith.constant dense<0.000000e+00> : vector<128xf32>
      %reduce_sum3A_182 = vector.multi_reduction <add>, %integer_pow3A, %reduce_sum3A_181 [1] : vector<128x256xf32> to vector<128xf32>
      %broadcast_in_dim3A_183 = vector.shape_cast %reduce_sum3A_182 : vector<128xf32> to vector<128x1xf32>
      %div3A_184 = arith.constant 2.560000e+02 : f32
      %div3A_185 = vector.broadcast %div3A_184 : f32 to vector<128x1xf32>
      %div3A_186 = arith.divf %broadcast_in_dim3A_183, %div3A_185 : vector<128x1xf32>
      %sub3A_187 = vector.broadcast %div3A_179 : vector<128x1xf32> to vector<128x256xf32>
      %sub3A_188 = arith.subf %add3A_166, %sub3A_187 : vector<128x256xf32>
      %add3A_189 = arith.constant 9.99999974E-6 : f32
      %add3A_190 = vector.broadcast %add3A_189 : f32 to vector<128x1xf32>
      %add3A_191 = arith.addf %div3A_186, %add3A_190 : vector<128x1xf32>
      %rsqrt3A = math.rsqrt %add3A_191 : vector<128x1xf32>
      %mul3A_192 = vector.broadcast %rsqrt3A : vector<128x1xf32> to vector<128x256xf32>
      %mul3A_193 = arith.mulf %sub3A_188, %mul3A_192 : vector<128x256xf32>
      %mul3A_194 = vector.broadcast %get3A_171 : vector<1x256xf32> to vector<128x256xf32>
      %mul3A_195 = arith.mulf %mul3A_193, %mul3A_194 : vector<128x256xf32>
      %add3A_196 = vector.broadcast %get3A_176 : vector<1x256xf32> to vector<128x256xf32>
      %add3A_197 = arith.addf %mul3A_195, %add3A_196 : vector<128x256xf32>
      %get3A_198 = arith.index_cast %multiple_of3A_100 : i32 to index
      %get3A_199 = arith.constant 0 : index
      %get3A_200 = vector.load %arg6[%get3A_198, %get3A_199] : memref<4224x1xf32, #tpu.memory_space<vmem>>, vector<128x1xf32>
      %mul3A_201 = vector.broadcast %get3A_200 : vector<128x1xf32> to vector<128x256xf32>
      %mul3A_202 = arith.mulf %add3A_197, %mul3A_201 : vector<128x256xf32>
      %iota3A = tpu.iota {dimensions = array<i32: 0>} : vector<128x1xi32>
      %add3A_203 = vector.broadcast %multiple_of3A_100 : i32 to vector<128x1xi32>
      %add3A_204 = arith.addi %add3A_203, %iota3A : vector<128x1xi32>
      %ge3A = vector.broadcast %get3A_28 : i32 to vector<128x1xi32>
      %ge3A_205 = arith.cmpi sge, %add3A_204, %ge3A : vector<128x1xi32>
      %lt3A = vector.broadcast %get3A_30 : i32 to vector<128x1xi32>
      %lt3A_206 = arith.cmpi slt, %add3A_204, %lt3A : vector<128x1xi32>
      %and3A = arith.andi %ge3A_205, %lt3A_206 : vector<128x1xi1>
      %get3A_207 = arith.index_cast %multiple_of3A_100 : i32 to index
      %get3A_208 = arith.constant 0 : index
      %get3A_209 = vector.load %arg15[%get3A_207, %get3A_208] : memref<4224x256xf32, #tpu.memory_space<vmem>>, vector<128x256xf32>
      %broadcast_in_dim3A_210 = vector.shape_cast %and3A : vector<128x1xi1> to vector<128x1xi1>
      %broadcast_in_dim3A_211 = vector.broadcast %broadcast_in_dim3A_210 : vector<128x1xi1> to vector<128x256xi1>
      %select_n3A = arith.select %broadcast_in_dim3A_211, %mul3A_202, %get3A_209 : vector<128x256xi1>, vector<128x256xf32>
      %swap3A = arith.index_cast %multiple_of3A_100 : i32 to index
      %swap3A_212 = arith.constant 0 : index
      %swap3A_213 = vector.load %arg15[%swap3A, %swap3A_212] : memref<4224x256xf32, #tpu.memory_space<vmem>>, vector<128x256xf32>
      tpu.vector_store %arg15[%swap3A, %swap3A_212], %select_n3A {strides = array<i32>} : memref<4224x256xf32, #tpu.memory_space<vmem>>, vector<128x256xf32>,
      %while3A_214 = arith.constant 0 : i32
      scf.yield %while3A_214 : i32
    }
    %while3A_43 = arith.constant 1 : i32
    %while3A_44 = scf.for %while3A_95 = %while3A_40 to %while3A_36 step %while3A_43 iter_args(%while3A_96 = %while3A_42) -> (i32)  : i32 {
      %mul3A_97 = arith.constant 128 : i32
      %mul3A_98 = arith.muli %while3A_95, %mul3A_97 : i32
      %add3A_99 = arith.addi %multiple_of3A_26, %mul3A_98 : i32
      %multiple_of3A_100 = tpu.assume_multiple %add3A_99, 8 : i32
      %get3A_101 = arith.index_cast %multiple_of3A_100 : i32 to index
      %get3A_102 = arith.constant 0 : index
      %get3A_103 = vector.load %arg5[%get3A_101, %get3A_102] : memref<4224x256xf32, #tpu.memory_space<vmem>>, vector<128x256xf32>
      %get3A_104 = arith.constant 1 : index
      %get3A_105 = arith.constant 0 : index
      %get3A_106 = arith.constant 0 : index
      %get3A_107 = vector.load %arg7[%get3A_104, %get3A_105, %get3A_106] : memref<4x512x256xf32, #tpu.memory_space<vmem>>, vector<1x512x256xf32>
      %get3A_108 = vector.shape_cast %get3A_107 : vector<1x512x256xf32> to vector<512x256xf32>
      %dot_general3A = arith.constant dense<0.000000e+00> : vector<128x512xf32>
      %dot_general3A_109 = tpu.matmul %get3A_103, %get3A_108, %dot_general3A {dimension_numbers = #tpu.dot_dimension_numbers<[1], [1], [0], [0], [0, 0, 1, 0], [], []>, transpose_lhs_hint = false} : vector<128x256xf32>, vector<512x256xf32>, vector<128x512xf32> -> vector<128x512xf32>
      %get3A_110 = arith.constant 1 : index
      %get3A_111 = arith.constant 0 : index
      %get3A_112 = arith.constant 0 : index
      %get3A_113 = vector.load %arg8[%get3A_110, %get3A_111, %get3A_112] : memref<4x1x512xf32, #tpu.memory_space<vmem>>, vector<1x1x512xf32>
      %get3A_114 = vector.shape_cast %get3A_113 : vector<1x1x512xf32> to vector<1x512xf32>
      %add3A_115 = vector.broadcast %get3A_114 : vector<1x512xf32> to vector<128x512xf32>
      %add3A_116 = arith.addf %dot_general3A_109, %add3A_115 : vector<128x512xf32>
      %mul3A_117 = arith.constant 5.000000e-01 : f32
      %mul3A_118 = vector.broadcast %mul3A_117 : f32 to vector<128x512xf32>
      %mul3A_119 = arith.mulf %mul3A_118, %add3A_116 : vector<128x512xf32>
      %mul3A_120 = arith.constant 0.707106769 : f32
      %mul3A_121 = vector.broadcast %mul3A_120 : f32 to vector<128x512xf32>
      %mul3A_122 = arith.mulf %add3A_116, %mul3A_121 : vector<128x512xf32>
      %erf3A = math.erf %mul3A_122 : vector<128x512xf32>
      %add3A_123 = arith.constant 1.000000e+00 : f32
      %add3A_124 = vector.broadcast %add3A_123 : f32 to vector<128x512xf32>
      %add3A_125 = arith.addf %add3A_124, %erf3A : vector<128x512xf32>
      %mul3A_126 = arith.mulf %mul3A_119, %add3A_125 : vector<128x512xf32>
      %get3A_127 = arith.constant 1 : index
      %get3A_128 = arith.constant 0 : index
      %get3A_129 = arith.constant 0 : index
      %get3A_130 = vector.load %arg9[%get3A_127, %get3A_128, %get3A_129] : memref<4x256x512xf32, #tpu.memory_space<vmem>>, vector<1x256x512xf32>
      %get3A_131 = vector.shape_cast %get3A_130 : vector<1x256x512xf32> to vector<256x512xf32>
      %dot_general3A_132 = arith.constant dense<0.000000e+00> : vector<128x256xf32>
      %dot_general3A_133 = tpu.matmul %mul3A_126, %get3A_131, %dot_general3A_132 {dimension_numbers = #tpu.dot_dimension_numbers<[1], [1], [0], [0], [0, 0, 1, 0], [], []>, transpose_lhs_hint = false} : vector<128x512xf32>, vector<256x512xf32>, vector<128x256xf32> -> vector<128x256xf32>
      %get3A_134 = arith.constant 1 : index
      %get3A_135 = arith.constant 0 : index
      %get3A_136 = arith.constant 0 : index
      %get3A_137 = vector.load %arg10[%get3A_134, %get3A_135, %get3A_136] : memref<4x1x256xf32, #tpu.memory_space<vmem>>, vector<1x1x256xf32>
      %get3A_138 = vector.shape_cast %get3A_137 : vector<1x1x256xf32> to vector<1x256xf32>
      %add3A_139 = vector.broadcast %get3A_138 : vector<1x256xf32> to vector<128x256xf32>
      %add3A_140 = arith.addf %dot_general3A_133, %add3A_139 : vector<128x256xf32>
      %mul3A_141 = arith.constant 5.000000e-01 : f32
      %mul3A_142 = vector.broadcast %mul3A_141 : f32 to vector<128x256xf32>
      %mul3A_143 = arith.mulf %mul3A_142, %add3A_140 : vector<128x256xf32>
      %mul3A_144 = arith.constant 0.707106769 : f32
      %mul3A_145 = vector.broadcast %mul3A_144 : f32 to vector<128x256xf32>
      %mul3A_146 = arith.mulf %add3A_140, %mul3A_145 : vector<128x256xf32>
      %erf3A_147 = math.erf %mul3A_146 : vector<128x256xf32>
      %add3A_148 = arith.constant 1.000000e+00 : f32
      %add3A_149 = vector.broadcast %add3A_148 : f32 to vector<128x256xf32>
      %add3A_150 = arith.addf %add3A_149, %erf3A_147 : vector<128x256xf32>
      %mul3A_151 = arith.mulf %mul3A_143, %add3A_150 : vector<128x256xf32>
      %get3A_152 = arith.constant 1 : index
      %get3A_153 = arith.constant 0 : index
      %get3A_154 = arith.constant 0 : index
      %get3A_155 = vector.load %arg11[%get3A_152, %get3A_153, %get3A_154] : memref<4x256x256xf32, #tpu.memory_space<vmem>>, vector<1x256x256xf32>
      %get3A_156 = vector.shape_cast %get3A_155 : vector<1x256x256xf32> to vector<256x256xf32>
      %dot_general3A_157 = arith.constant dense<0.000000e+00> : vector<128x256xf32>
      %dot_general3A_158 = tpu.matmul %mul3A_151, %get3A_156, %dot_general3A_157 {dimension_numbers = #tpu.dot_dimension_numbers<[1], [1], [0], [0], [0, 0, 1, 0], [], []>, transpose_lhs_hint = false} : vector<128x256xf32>, vector<256x256xf32>, vector<128x256xf32> -> vector<128x256xf32>
      %get3A_159 = arith.constant 1 : index
      %get3A_160 = arith.constant 0 : index
      %get3A_161 = arith.constant 0 : index
      %get3A_162 = vector.load %arg12[%get3A_159, %get3A_160, %get3A_161] : memref<4x1x256xf32, #tpu.memory_space<vmem>>, vector<1x1x256xf32>
      %get3A_163 = vector.shape_cast %get3A_162 : vector<1x1x256xf32> to vector<1x256xf32>
      %add3A_164 = vector.broadcast %get3A_163 : vector<1x256xf32> to vector<128x256xf32>
      %add3A_165 = arith.addf %dot_general3A_158, %add3A_164 : vector<128x256xf32>
      %add3A_166 = arith.addf %get3A_103, %add3A_165 : vector<128x256xf32>
      %get3A_167 = arith.constant 1 : index
      %get3A_168 = arith.constant 0 : index
      %get3A_169 = arith.constant 0 : index
      %get3A_170 = vector.load %arg13[%get3A_167, %get3A_168, %get3A_169] : memref<4x1x256xf32, #tpu.memory_space<vmem>>, vector<1x1x256xf32>
      %get3A_171 = vector.shape_cast %get3A_170 : vector<1x1x256xf32> to vector<1x256xf32>
      %get3A_172 = arith.constant 1 : index
      %get3A_173 = arith.constant 0 : index
      %get3A_174 = arith.constant 0 : index
      %get3A_175 = vector.load %arg14[%get3A_172, %get3A_173, %get3A_174] : memref<4x1x256xf32, #tpu.memory_space<vmem>>, vector<1x1x256xf32>
      %get3A_176 = vector.shape_cast %get3A_175 : vector<1x1x256xf32> to vector<1x256xf32>
      %reduce_sum3A = arith.constant dense<0.000000e+00> : vector<128xf32>
      %reduce_sum3A_177 = vector.multi_reduction <add>, %add3A_166, %reduce_sum3A [1] : vector<128x256xf32> to vector<128xf32>
      %broadcast_in_dim3A = vector.shape_cast %reduce_sum3A_177 : vector<128xf32> to vector<128x1xf32>
      %div3A = arith.constant 2.560000e+02 : f32
      %div3A_178 = vector.broadcast %div3A : f32 to vector<128x1xf32>
      %div3A_179 = arith.divf %broadcast_in_dim3A, %div3A_178 : vector<128x1xf32>
      %sub3A = vector.broadcast %div3A_179 : vector<128x1xf32> to vector<128x256xf32>
      %sub3A_180 = arith.subf %add3A_166, %sub3A : vector<128x256xf32>
      %integer_pow3A = arith.mulf %sub3A_180, %sub3A_180 : vector<128x256xf32>
      %reduce_sum3A_181 = arith.constant dense<0.000000e+00> : vector<128xf32>
      %reduce_sum3A_182 = vector.multi_reduction <add>, %integer_pow3A, %reduce_sum3A_181 [1] : vector<128x256xf32> to vector<128xf32>
      %broadcast_in_dim3A_183 = vector.shape_cast %reduce_sum3A_182 : vector<128xf32> to vector<128x1xf32>
      %div3A_184 = arith.constant 2.560000e+02 : f32
      %div3A_185 = vector.broadcast %div3A_184 : f32 to vector<128x1xf32>
      %div3A_186 = arith.divf %broadcast_in_dim3A_183, %div3A_185 : vector<128x1xf32>
      %sub3A_187 = vector.broadcast %div3A_179 : vector<128x1xf32> to vector<128x256xf32>
      %sub3A_188 = arith.subf %add3A_166, %sub3A_187 : vector<128x256xf32>
      %add3A_189 = arith.constant 9.99999974E-6 : f32
      %add3A_190 = vector.broadcast %add3A_189 : f32 to vector<128x1xf32>
      %add3A_191 = arith.addf %div3A_186, %add3A_190 : vector<128x1xf32>
      %rsqrt3A = math.rsqrt %add3A_191 : vector<128x1xf32>
      %mul3A_192 = vector.broadcast %rsqrt3A : vector<128x1xf32> to vector<128x256xf32>
      %mul3A_193 = arith.mulf %sub3A_188, %mul3A_192 : vector<128x256xf32>
      %mul3A_194 = vector.broadcast %get3A_171 : vector<1x256xf32> to vector<128x256xf32>
      %mul3A_195 = arith.mulf %mul3A_193, %mul3A_194 : vector<128x256xf32>
      %add3A_196 = vector.broadcast %get3A_176 : vector<1x256xf32> to vector<128x256xf32>
      %add3A_197 = arith.addf %mul3A_195, %add3A_196 : vector<128x256xf32>
      %get3A_198 = arith.index_cast %multiple_of3A_100 : i32 to index
      %get3A_199 = arith.constant 0 : index
      %get3A_200 = vector.load %arg6[%get3A_198, %get3A_199] : memref<4224x1xf32, #tpu.memory_space<vmem>>, vector<128x1xf32>
      %mul3A_201 = vector.broadcast %get3A_200 : vector<128x1xf32> to vector<128x256xf32>
      %mul3A_202 = arith.mulf %add3A_197, %mul3A_201 : vector<128x256xf32>
      %iota3A = tpu.iota {dimensions = array<i32: 0>} : vector<128x1xi32>
      %add3A_203 = vector.broadcast %multiple_of3A_100 : i32 to vector<128x1xi32>
      %add3A_204 = arith.addi %add3A_203, %iota3A : vector<128x1xi32>
      %ge3A = vector.broadcast %get3A_28 : i32 to vector<128x1xi32>
      %ge3A_205 = arith.cmpi sge, %add3A_204, %ge3A : vector<128x1xi32>
      %lt3A = vector.broadcast %get3A_30 : i32 to vector<128x1xi32>
      %lt3A_206 = arith.cmpi slt, %add3A_204, %lt3A : vector<128x1xi32>
      %and3A = arith.andi %ge3A_205, %lt3A_206 : vector<128x1xi1>
      %get3A_207 = arith.index_cast %multiple_of3A_100 : i32 to index
      %get3A_208 = arith.constant 0 : index
      %get3A_209 = vector.load %arg15[%get3A_207, %get3A_208] : memref<4224x256xf32, #tpu.memory_space<vmem>>, vector<128x256xf32>
      %broadcast_in_dim3A_210 = vector.shape_cast %and3A : vector<128x1xi1> to vector<128x1xi1>
      %broadcast_in_dim3A_211 = vector.broadcast %broadcast_in_dim3A_210 : vector<128x1xi1> to vector<128x256xi1>
      %select_n3A = arith.select %broadcast_in_dim3A_211, %mul3A_202, %get3A_209 : vector<128x256xi1>, vector<128x256xf32>
      %swap3A = arith.index_cast %multiple_of3A_100 : i32 to index
      %swap3A_212 = arith.constant 0 : index
      %swap3A_213 = vector.load %arg15[%swap3A, %swap3A_212] : memref<4224x256xf32, #tpu.memory_space<vmem>>, vector<128x256xf32>
      tpu.vector_store %arg15[%swap3A, %swap3A_212], %select_n3A {strides = array<i32>} : memref<4224x256xf32, #tpu.memory_space<vmem>>, vector<128x256xf32>,
      %while3A_214 = arith.constant 0 : i32
      scf.yield %while3A_214 : i32
    }
    %mul3A_45 = arith.constant 4 : i32
    %mul3A_46 = arith.muli %arg0, %mul3A_45 : i32
    %add3A_47 = arith.constant 2 : i32
    %add3A_48 = arith.addi %mul3A_46, %add3A_47 : i32
    %get3A_49 = arith.index_cast %add3A_48 : i32 to index
    %get3A_50 = memref.load %arg2[%get3A_49] : memref<64xi32, #tpu.memory_space<smem>>
    %multiple_of3A_51 = tpu.assume_multiple %get3A_50, 8 : i32
    %get3A_52 = arith.index_cast %add3A_48 : i32 to index
    %get3A_53 = memref.load %arg3[%get3A_52] : memref<64xi32, #tpu.memory_space<smem>>
    %get3A_54 = arith.index_cast %add3A_48 : i32 to index
    %get3A_55 = memref.load %arg4[%get3A_54] : memref<64xi32, #tpu.memory_space<smem>>
    %get3A_56 = arith.index_cast %add3A_48 : i32 to index
    %get3A_57 = memref.load %arg1[%get3A_56] : memref<64xi32, #tpu.memory_space<smem>>
    %while3A_58 = arith.constant 0 : i32
    %while3A_59 = arith.constant 0 : i32
    %while3A_60 = arith.subi %get3A_57, %while3A_58 : i32
    %while3A_61 = arith.addi %while3A_58, %while3A_60 : i32
    %while3A_62 = arith.constant 1 : i32
    %while3A_63 = arith.divsi %while3A_60, %while3A_62 : i32
    %while3A_64 = arith.muli %while3A_63, %while3A_62 : i32
    %while3A_65 = arith.addi %while3A_58, %while3A_64 : i32
    %while3A_66 = arith.constant 1 : i32
    %while3A_67 = scf.for %while3A_95 = %while3A_58 to %while3A_65 step %while3A_66 iter_args(%while3A_96 = %while3A_59) -> (i32)  : i32 {
      %mul3A_97 = arith.constant 128 : i32
      %mul3A_98 = arith.muli %while3A_95, %mul3A_97 : i32
      %add3A_99 = arith.addi %multiple_of3A_51, %mul3A_98 : i32
      %multiple_of3A_100 = tpu.assume_multiple %add3A_99, 8 : i32
      %get3A_101 = arith.index_cast %multiple_of3A_100 : i32 to index
      %get3A_102 = arith.constant 0 : index
      %get3A_103 = vector.load %arg5[%get3A_101, %get3A_102] : memref<4224x256xf32, #tpu.memory_space<vmem>>, vector<128x256xf32>
      %get3A_104 = arith.constant 2 : index
      %get3A_105 = arith.constant 0 : index
      %get3A_106 = arith.constant 0 : index
      %get3A_107 = vector.load %arg7[%get3A_104, %get3A_105, %get3A_106] : memref<4x512x256xf32, #tpu.memory_space<vmem>>, vector<1x512x256xf32>
      %get3A_108 = vector.shape_cast %get3A_107 : vector<1x512x256xf32> to vector<512x256xf32>
      %dot_general3A = arith.constant dense<0.000000e+00> : vector<128x512xf32>
      %dot_general3A_109 = tpu.matmul %get3A_103, %get3A_108, %dot_general3A {dimension_numbers = #tpu.dot_dimension_numbers<[1], [1], [0], [0], [0, 0, 1, 0], [], []>, transpose_lhs_hint = false} : vector<128x256xf32>, vector<512x256xf32>, vector<128x512xf32> -> vector<128x512xf32>
      %get3A_110 = arith.constant 2 : index
      %get3A_111 = arith.constant 0 : index
      %get3A_112 = arith.constant 0 : index
      %get3A_113 = vector.load %arg8[%get3A_110, %get3A_111, %get3A_112] : memref<4x1x512xf32, #tpu.memory_space<vmem>>, vector<1x1x512xf32>
      %get3A_114 = vector.shape_cast %get3A_113 : vector<1x1x512xf32> to vector<1x512xf32>
      %add3A_115 = vector.broadcast %get3A_114 : vector<1x512xf32> to vector<128x512xf32>
      %add3A_116 = arith.addf %dot_general3A_109, %add3A_115 : vector<128x512xf32>
      %mul3A_117 = arith.constant 5.000000e-01 : f32
      %mul3A_118 = vector.broadcast %mul3A_117 : f32 to vector<128x512xf32>
      %mul3A_119 = arith.mulf %mul3A_118, %add3A_116 : vector<128x512xf32>
      %mul3A_120 = arith.constant 0.707106769 : f32
      %mul3A_121 = vector.broadcast %mul3A_120 : f32 to vector<128x512xf32>
      %mul3A_122 = arith.mulf %add3A_116, %mul3A_121 : vector<128x512xf32>
      %erf3A = math.erf %mul3A_122 : vector<128x512xf32>
      %add3A_123 = arith.constant 1.000000e+00 : f32
      %add3A_124 = vector.broadcast %add3A_123 : f32 to vector<128x512xf32>
      %add3A_125 = arith.addf %add3A_124, %erf3A : vector<128x512xf32>
      %mul3A_126 = arith.mulf %mul3A_119, %add3A_125 : vector<128x512xf32>
      %get3A_127 = arith.constant 2 : index
      %get3A_128 = arith.constant 0 : index
      %get3A_129 = arith.constant 0 : index
      %get3A_130 = vector.load %arg9[%get3A_127, %get3A_128, %get3A_129] : memref<4x256x512xf32, #tpu.memory_space<vmem>>, vector<1x256x512xf32>
      %get3A_131 = vector.shape_cast %get3A_130 : vector<1x256x512xf32> to vector<256x512xf32>
      %dot_general3A_132 = arith.constant dense<0.000000e+00> : vector<128x256xf32>
      %dot_general3A_133 = tpu.matmul %mul3A_126, %get3A_131, %dot_general3A_132 {dimension_numbers = #tpu.dot_dimension_numbers<[1], [1], [0], [0], [0, 0, 1, 0], [], []>, transpose_lhs_hint = false} : vector<128x512xf32>, vector<256x512xf32>, vector<128x256xf32> -> vector<128x256xf32>
      %get3A_134 = arith.constant 2 : index
      %get3A_135 = arith.constant 0 : index
      %get3A_136 = arith.constant 0 : index
      %get3A_137 = vector.load %arg10[%get3A_134, %get3A_135, %get3A_136] : memref<4x1x256xf32, #tpu.memory_space<vmem>>, vector<1x1x256xf32>
      %get3A_138 = vector.shape_cast %get3A_137 : vector<1x1x256xf32> to vector<1x256xf32>
      %add3A_139 = vector.broadcast %get3A_138 : vector<1x256xf32> to vector<128x256xf32>
      %add3A_140 = arith.addf %dot_general3A_133, %add3A_139 : vector<128x256xf32>
      %mul3A_141 = arith.constant 5.000000e-01 : f32
      %mul3A_142 = vector.broadcast %mul3A_141 : f32 to vector<128x256xf32>
      %mul3A_143 = arith.mulf %mul3A_142, %add3A_140 : vector<128x256xf32>
      %mul3A_144 = arith.constant 0.707106769 : f32
      %mul3A_145 = vector.broadcast %mul3A_144 : f32 to vector<128x256xf32>
      %mul3A_146 = arith.mulf %add3A_140, %mul3A_145 : vector<128x256xf32>
      %erf3A_147 = math.erf %mul3A_146 : vector<128x256xf32>
      %add3A_148 = arith.constant 1.000000e+00 : f32
      %add3A_149 = vector.broadcast %add3A_148 : f32 to vector<128x256xf32>
      %add3A_150 = arith.addf %add3A_149, %erf3A_147 : vector<128x256xf32>
      %mul3A_151 = arith.mulf %mul3A_143, %add3A_150 : vector<128x256xf32>
      %get3A_152 = arith.constant 2 : index
      %get3A_153 = arith.constant 0 : index
      %get3A_154 = arith.constant 0 : index
      %get3A_155 = vector.load %arg11[%get3A_152, %get3A_153, %get3A_154] : memref<4x256x256xf32, #tpu.memory_space<vmem>>, vector<1x256x256xf32>
      %get3A_156 = vector.shape_cast %get3A_155 : vector<1x256x256xf32> to vector<256x256xf32>
      %dot_general3A_157 = arith.constant dense<0.000000e+00> : vector<128x256xf32>
      %dot_general3A_158 = tpu.matmul %mul3A_151, %get3A_156, %dot_general3A_157 {dimension_numbers = #tpu.dot_dimension_numbers<[1], [1], [0], [0], [0, 0, 1, 0], [], []>, transpose_lhs_hint = false} : vector<128x256xf32>, vector<256x256xf32>, vector<128x256xf32> -> vector<128x256xf32>
      %get3A_159 = arith.constant 2 : index
      %get3A_160 = arith.constant 0 : index
      %get3A_161 = arith.constant 0 : index
      %get3A_162 = vector.load %arg12[%get3A_159, %get3A_160, %get3A_161] : memref<4x1x256xf32, #tpu.memory_space<vmem>>, vector<1x1x256xf32>
      %get3A_163 = vector.shape_cast %get3A_162 : vector<1x1x256xf32> to vector<1x256xf32>
      %add3A_164 = vector.broadcast %get3A_163 : vector<1x256xf32> to vector<128x256xf32>
      %add3A_165 = arith.addf %dot_general3A_158, %add3A_164 : vector<128x256xf32>
      %add3A_166 = arith.addf %get3A_103, %add3A_165 : vector<128x256xf32>
      %get3A_167 = arith.constant 2 : index
      %get3A_168 = arith.constant 0 : index
      %get3A_169 = arith.constant 0 : index
      %get3A_170 = vector.load %arg13[%get3A_167, %get3A_168, %get3A_169] : memref<4x1x256xf32, #tpu.memory_space<vmem>>, vector<1x1x256xf32>
      %get3A_171 = vector.shape_cast %get3A_170 : vector<1x1x256xf32> to vector<1x256xf32>
      %get3A_172 = arith.constant 2 : index
      %get3A_173 = arith.constant 0 : index
      %get3A_174 = arith.constant 0 : index
      %get3A_175 = vector.load %arg14[%get3A_172, %get3A_173, %get3A_174] : memref<4x1x256xf32, #tpu.memory_space<vmem>>, vector<1x1x256xf32>
      %get3A_176 = vector.shape_cast %get3A_175 : vector<1x1x256xf32> to vector<1x256xf32>
      %reduce_sum3A = arith.constant dense<0.000000e+00> : vector<128xf32>
      %reduce_sum3A_177 = vector.multi_reduction <add>, %add3A_166, %reduce_sum3A [1] : vector<128x256xf32> to vector<128xf32>
      %broadcast_in_dim3A = vector.shape_cast %reduce_sum3A_177 : vector<128xf32> to vector<128x1xf32>
      %div3A = arith.constant 2.560000e+02 : f32
      %div3A_178 = vector.broadcast %div3A : f32 to vector<128x1xf32>
      %div3A_179 = arith.divf %broadcast_in_dim3A, %div3A_178 : vector<128x1xf32>
      %sub3A = vector.broadcast %div3A_179 : vector<128x1xf32> to vector<128x256xf32>
      %sub3A_180 = arith.subf %add3A_166, %sub3A : vector<128x256xf32>
      %integer_pow3A = arith.mulf %sub3A_180, %sub3A_180 : vector<128x256xf32>
      %reduce_sum3A_181 = arith.constant dense<0.000000e+00> : vector<128xf32>
      %reduce_sum3A_182 = vector.multi_reduction <add>, %integer_pow3A, %reduce_sum3A_181 [1] : vector<128x256xf32> to vector<128xf32>
      %broadcast_in_dim3A_183 = vector.shape_cast %reduce_sum3A_182 : vector<128xf32> to vector<128x1xf32>
      %div3A_184 = arith.constant 2.560000e+02 : f32
      %div3A_185 = vector.broadcast %div3A_184 : f32 to vector<128x1xf32>
      %div3A_186 = arith.divf %broadcast_in_dim3A_183, %div3A_185 : vector<128x1xf32>
      %sub3A_187 = vector.broadcast %div3A_179 : vector<128x1xf32> to vector<128x256xf32>
      %sub3A_188 = arith.subf %add3A_166, %sub3A_187 : vector<128x256xf32>
      %add3A_189 = arith.constant 9.99999974E-6 : f32
      %add3A_190 = vector.broadcast %add3A_189 : f32 to vector<128x1xf32>
      %add3A_191 = arith.addf %div3A_186, %add3A_190 : vector<128x1xf32>
      %rsqrt3A = math.rsqrt %add3A_191 : vector<128x1xf32>
      %mul3A_192 = vector.broadcast %rsqrt3A : vector<128x1xf32> to vector<128x256xf32>
      %mul3A_193 = arith.mulf %sub3A_188, %mul3A_192 : vector<128x256xf32>
      %mul3A_194 = vector.broadcast %get3A_171 : vector<1x256xf32> to vector<128x256xf32>
      %mul3A_195 = arith.mulf %mul3A_193, %mul3A_194 : vector<128x256xf32>
      %add3A_196 = vector.broadcast %get3A_176 : vector<1x256xf32> to vector<128x256xf32>
      %add3A_197 = arith.addf %mul3A_195, %add3A_196 : vector<128x256xf32>
      %get3A_198 = arith.index_cast %multiple_of3A_100 : i32 to index
      %get3A_199 = arith.constant 0 : index
      %get3A_200 = vector.load %arg6[%get3A_198, %get3A_199] : memref<4224x1xf32, #tpu.memory_space<vmem>>, vector<128x1xf32>
      %mul3A_201 = vector.broadcast %get3A_200 : vector<128x1xf32> to vector<128x256xf32>
      %mul3A_202 = arith.mulf %add3A_197, %mul3A_201 : vector<128x256xf32>
      %iota3A = tpu.iota {dimensions = array<i32: 0>} : vector<128x1xi32>
      %add3A_203 = vector.broadcast %multiple_of3A_100 : i32 to vector<128x1xi32>
      %add3A_204 = arith.addi %add3A_203, %iota3A : vector<128x1xi32>
      %ge3A = vector.broadcast %get3A_53 : i32 to vector<128x1xi32>
      %ge3A_205 = arith.cmpi sge, %add3A_204, %ge3A : vector<128x1xi32>
      %lt3A = vector.broadcast %get3A_55 : i32 to vector<128x1xi32>
      %lt3A_206 = arith.cmpi slt, %add3A_204, %lt3A : vector<128x1xi32>
      %and3A = arith.andi %ge3A_205, %lt3A_206 : vector<128x1xi1>
      %get3A_207 = arith.index_cast %multiple_of3A_100 : i32 to index
      %get3A_208 = arith.constant 0 : index
      %get3A_209 = vector.load %arg15[%get3A_207, %get3A_208] : memref<4224x256xf32, #tpu.memory_space<vmem>>, vector<128x256xf32>
      %broadcast_in_dim3A_210 = vector.shape_cast %and3A : vector<128x1xi1> to vector<128x1xi1>
      %broadcast_in_dim3A_211 = vector.broadcast %broadcast_in_dim3A_210 : vector<128x1xi1> to vector<128x256xi1>
      %select_n3A = arith.select %broadcast_in_dim3A_211, %mul3A_202, %get3A_209 : vector<128x256xi1>, vector<128x256xf32>
      %swap3A = arith.index_cast %multiple_of3A_100 : i32 to index
      %swap3A_212 = arith.constant 0 : index
      %swap3A_213 = vector.load %arg15[%swap3A, %swap3A_212] : memref<4224x256xf32, #tpu.memory_space<vmem>>, vector<128x256xf32>
      tpu.vector_store %arg15[%swap3A, %swap3A_212], %select_n3A {strides = array<i32>} : memref<4224x256xf32, #tpu.memory_space<vmem>>, vector<128x256xf32>,
      %while3A_214 = arith.constant 0 : i32
      scf.yield %while3A_214 : i32
    }
    %while3A_68 = arith.constant 1 : i32
    %while3A_69 = scf.for %while3A_95 = %while3A_65 to %while3A_61 step %while3A_68 iter_args(%while3A_96 = %while3A_67) -> (i32)  : i32 {
      %mul3A_97 = arith.constant 128 : i32
      %mul3A_98 = arith.muli %while3A_95, %mul3A_97 : i32
      %add3A_99 = arith.addi %multiple_of3A_51, %mul3A_98 : i32
      %multiple_of3A_100 = tpu.assume_multiple %add3A_99, 8 : i32
      %get3A_101 = arith.index_cast %multiple_of3A_100 : i32 to index
      %get3A_102 = arith.constant 0 : index
      %get3A_103 = vector.load %arg5[%get3A_101, %get3A_102] : memref<4224x256xf32, #tpu.memory_space<vmem>>, vector<128x256xf32>
      %get3A_104 = arith.constant 2 : index
      %get3A_105 = arith.constant 0 : index
      %get3A_106 = arith.constant 0 : index
      %get3A_107 = vector.load %arg7[%get3A_104, %get3A_105, %get3A_106] : memref<4x512x256xf32, #tpu.memory_space<vmem>>, vector<1x512x256xf32>
      %get3A_108 = vector.shape_cast %get3A_107 : vector<1x512x256xf32> to vector<512x256xf32>
      %dot_general3A = arith.constant dense<0.000000e+00> : vector<128x512xf32>
      %dot_general3A_109 = tpu.matmul %get3A_103, %get3A_108, %dot_general3A {dimension_numbers = #tpu.dot_dimension_numbers<[1], [1], [0], [0], [0, 0, 1, 0], [], []>, transpose_lhs_hint = false} : vector<128x256xf32>, vector<512x256xf32>, vector<128x512xf32> -> vector<128x512xf32>
      %get3A_110 = arith.constant 2 : index
      %get3A_111 = arith.constant 0 : index
      %get3A_112 = arith.constant 0 : index
      %get3A_113 = vector.load %arg8[%get3A_110, %get3A_111, %get3A_112] : memref<4x1x512xf32, #tpu.memory_space<vmem>>, vector<1x1x512xf32>
      %get3A_114 = vector.shape_cast %get3A_113 : vector<1x1x512xf32> to vector<1x512xf32>
      %add3A_115 = vector.broadcast %get3A_114 : vector<1x512xf32> to vector<128x512xf32>
      %add3A_116 = arith.addf %dot_general3A_109, %add3A_115 : vector<128x512xf32>
      %mul3A_117 = arith.constant 5.000000e-01 : f32
      %mul3A_118 = vector.broadcast %mul3A_117 : f32 to vector<128x512xf32>
      %mul3A_119 = arith.mulf %mul3A_118, %add3A_116 : vector<128x512xf32>
      %mul3A_120 = arith.constant 0.707106769 : f32
      %mul3A_121 = vector.broadcast %mul3A_120 : f32 to vector<128x512xf32>
      %mul3A_122 = arith.mulf %add3A_116, %mul3A_121 : vector<128x512xf32>
      %erf3A = math.erf %mul3A_122 : vector<128x512xf32>
      %add3A_123 = arith.constant 1.000000e+00 : f32
      %add3A_124 = vector.broadcast %add3A_123 : f32 to vector<128x512xf32>
      %add3A_125 = arith.addf %add3A_124, %erf3A : vector<128x512xf32>
      %mul3A_126 = arith.mulf %mul3A_119, %add3A_125 : vector<128x512xf32>
      %get3A_127 = arith.constant 2 : index
      %get3A_128 = arith.constant 0 : index
      %get3A_129 = arith.constant 0 : index
      %get3A_130 = vector.load %arg9[%get3A_127, %get3A_128, %get3A_129] : memref<4x256x512xf32, #tpu.memory_space<vmem>>, vector<1x256x512xf32>
      %get3A_131 = vector.shape_cast %get3A_130 : vector<1x256x512xf32> to vector<256x512xf32>
      %dot_general3A_132 = arith.constant dense<0.000000e+00> : vector<128x256xf32>
      %dot_general3A_133 = tpu.matmul %mul3A_126, %get3A_131, %dot_general3A_132 {dimension_numbers = #tpu.dot_dimension_numbers<[1], [1], [0], [0], [0, 0, 1, 0], [], []>, transpose_lhs_hint = false} : vector<128x512xf32>, vector<256x512xf32>, vector<128x256xf32> -> vector<128x256xf32>
      %get3A_134 = arith.constant 2 : index
      %get3A_135 = arith.constant 0 : index
      %get3A_136 = arith.constant 0 : index
      %get3A_137 = vector.load %arg10[%get3A_134, %get3A_135, %get3A_136] : memref<4x1x256xf32, #tpu.memory_space<vmem>>, vector<1x1x256xf32>
      %get3A_138 = vector.shape_cast %get3A_137 : vector<1x1x256xf32> to vector<1x256xf32>
      %add3A_139 = vector.broadcast %get3A_138 : vector<1x256xf32> to vector<128x256xf32>
      %add3A_140 = arith.addf %dot_general3A_133, %add3A_139 : vector<128x256xf32>
      %mul3A_141 = arith.constant 5.000000e-01 : f32
      %mul3A_142 = vector.broadcast %mul3A_141 : f32 to vector<128x256xf32>
      %mul3A_143 = arith.mulf %mul3A_142, %add3A_140 : vector<128x256xf32>
      %mul3A_144 = arith.constant 0.707106769 : f32
      %mul3A_145 = vector.broadcast %mul3A_144 : f32 to vector<128x256xf32>
      %mul3A_146 = arith.mulf %add3A_140, %mul3A_145 : vector<128x256xf32>
      %erf3A_147 = math.erf %mul3A_146 : vector<128x256xf32>
      %add3A_148 = arith.constant 1.000000e+00 : f32
      %add3A_149 = vector.broadcast %add3A_148 : f32 to vector<128x256xf32>
      %add3A_150 = arith.addf %add3A_149, %erf3A_147 : vector<128x256xf32>
      %mul3A_151 = arith.mulf %mul3A_143, %add3A_150 : vector<128x256xf32>
      %get3A_152 = arith.constant 2 : index
      %get3A_153 = arith.constant 0 : index
      %get3A_154 = arith.constant 0 : index
      %get3A_155 = vector.load %arg11[%get3A_152, %get3A_153, %get3A_154] : memref<4x256x256xf32, #tpu.memory_space<vmem>>, vector<1x256x256xf32>
      %get3A_156 = vector.shape_cast %get3A_155 : vector<1x256x256xf32> to vector<256x256xf32>
      %dot_general3A_157 = arith.constant dense<0.000000e+00> : vector<128x256xf32>
      %dot_general3A_158 = tpu.matmul %mul3A_151, %get3A_156, %dot_general3A_157 {dimension_numbers = #tpu.dot_dimension_numbers<[1], [1], [0], [0], [0, 0, 1, 0], [], []>, transpose_lhs_hint = false} : vector<128x256xf32>, vector<256x256xf32>, vector<128x256xf32> -> vector<128x256xf32>
      %get3A_159 = arith.constant 2 : index
      %get3A_160 = arith.constant 0 : index
      %get3A_161 = arith.constant 0 : index
      %get3A_162 = vector.load %arg12[%get3A_159, %get3A_160, %get3A_161] : memref<4x1x256xf32, #tpu.memory_space<vmem>>, vector<1x1x256xf32>
      %get3A_163 = vector.shape_cast %get3A_162 : vector<1x1x256xf32> to vector<1x256xf32>
      %add3A_164 = vector.broadcast %get3A_163 : vector<1x256xf32> to vector<128x256xf32>
      %add3A_165 = arith.addf %dot_general3A_158, %add3A_164 : vector<128x256xf32>
      %add3A_166 = arith.addf %get3A_103, %add3A_165 : vector<128x256xf32>
      %get3A_167 = arith.constant 2 : index
      %get3A_168 = arith.constant 0 : index
      %get3A_169 = arith.constant 0 : index
      %get3A_170 = vector.load %arg13[%get3A_167, %get3A_168, %get3A_169] : memref<4x1x256xf32, #tpu.memory_space<vmem>>, vector<1x1x256xf32>
      %get3A_171 = vector.shape_cast %get3A_170 : vector<1x1x256xf32> to vector<1x256xf32>
      %get3A_172 = arith.constant 2 : index
      %get3A_173 = arith.constant 0 : index
      %get3A_174 = arith.constant 0 : index
      %get3A_175 = vector.load %arg14[%get3A_172, %get3A_173, %get3A_174] : memref<4x1x256xf32, #tpu.memory_space<vmem>>, vector<1x1x256xf32>
      %get3A_176 = vector.shape_cast %get3A_175 : vector<1x1x256xf32> to vector<1x256xf32>
      %reduce_sum3A = arith.constant dense<0.000000e+00> : vector<128xf32>
      %reduce_sum3A_177 = vector.multi_reduction <add>, %add3A_166, %reduce_sum3A [1] : vector<128x256xf32> to vector<128xf32>
      %broadcast_in_dim3A = vector.shape_cast %reduce_sum3A_177 : vector<128xf32> to vector<128x1xf32>
      %div3A = arith.constant 2.560000e+02 : f32
      %div3A_178 = vector.broadcast %div3A : f32 to vector<128x1xf32>
      %div3A_179 = arith.divf %broadcast_in_dim3A, %div3A_178 : vector<128x1xf32>
      %sub3A = vector.broadcast %div3A_179 : vector<128x1xf32> to vector<128x256xf32>
      %sub3A_180 = arith.subf %add3A_166, %sub3A : vector<128x256xf32>
      %integer_pow3A = arith.mulf %sub3A_180, %sub3A_180 : vector<128x256xf32>
      %reduce_sum3A_181 = arith.constant dense<0.000000e+00> : vector<128xf32>
      %reduce_sum3A_182 = vector.multi_reduction <add>, %integer_pow3A, %reduce_sum3A_181 [1] : vector<128x256xf32> to vector<128xf32>
      %broadcast_in_dim3A_183 = vector.shape_cast %reduce_sum3A_182 : vector<128xf32> to vector<128x1xf32>
      %div3A_184 = arith.constant 2.560000e+02 : f32
      %div3A_185 = vector.broadcast %div3A_184 : f32 to vector<128x1xf32>
      %div3A_186 = arith.divf %broadcast_in_dim3A_183, %div3A_185 : vector<128x1xf32>
      %sub3A_187 = vector.broadcast %div3A_179 : vector<128x1xf32> to vector<128x256xf32>
      %sub3A_188 = arith.subf %add3A_166, %sub3A_187 : vector<128x256xf32>
      %add3A_189 = arith.constant 9.99999974E-6 : f32
      %add3A_190 = vector.broadcast %add3A_189 : f32 to vector<128x1xf32>
      %add3A_191 = arith.addf %div3A_186, %add3A_190 : vector<128x1xf32>
      %rsqrt3A = math.rsqrt %add3A_191 : vector<128x1xf32>
      %mul3A_192 = vector.broadcast %rsqrt3A : vector<128x1xf32> to vector<128x256xf32>
      %mul3A_193 = arith.mulf %sub3A_188, %mul3A_192 : vector<128x256xf32>
      %mul3A_194 = vector.broadcast %get3A_171 : vector<1x256xf32> to vector<128x256xf32>
      %mul3A_195 = arith.mulf %mul3A_193, %mul3A_194 : vector<128x256xf32>
      %add3A_196 = vector.broadcast %get3A_176 : vector<1x256xf32> to vector<128x256xf32>
      %add3A_197 = arith.addf %mul3A_195, %add3A_196 : vector<128x256xf32>
      %get3A_198 = arith.index_cast %multiple_of3A_100 : i32 to index
      %get3A_199 = arith.constant 0 : index
      %get3A_200 = vector.load %arg6[%get3A_198, %get3A_199] : memref<4224x1xf32, #tpu.memory_space<vmem>>, vector<128x1xf32>
      %mul3A_201 = vector.broadcast %get3A_200 : vector<128x1xf32> to vector<128x256xf32>
      %mul3A_202 = arith.mulf %add3A_197, %mul3A_201 : vector<128x256xf32>
      %iota3A = tpu.iota {dimensions = array<i32: 0>} : vector<128x1xi32>
      %add3A_203 = vector.broadcast %multiple_of3A_100 : i32 to vector<128x1xi32>
      %add3A_204 = arith.addi %add3A_203, %iota3A : vector<128x1xi32>
      %ge3A = vector.broadcast %get3A_53 : i32 to vector<128x1xi32>
      %ge3A_205 = arith.cmpi sge, %add3A_204, %ge3A : vector<128x1xi32>
      %lt3A = vector.broadcast %get3A_55 : i32 to vector<128x1xi32>
      %lt3A_206 = arith.cmpi slt, %add3A_204, %lt3A : vector<128x1xi32>
      %and3A = arith.andi %ge3A_205, %lt3A_206 : vector<128x1xi1>
      %get3A_207 = arith.index_cast %multiple_of3A_100 : i32 to index
      %get3A_208 = arith.constant 0 : index
      %get3A_209 = vector.load %arg15[%get3A_207, %get3A_208] : memref<4224x256xf32, #tpu.memory_space<vmem>>, vector<128x256xf32>
      %broadcast_in_dim3A_210 = vector.shape_cast %and3A : vector<128x1xi1> to vector<128x1xi1>
      %broadcast_in_dim3A_211 = vector.broadcast %broadcast_in_dim3A_210 : vector<128x1xi1> to vector<128x256xi1>
      %select_n3A = arith.select %broadcast_in_dim3A_211, %mul3A_202, %get3A_209 : vector<128x256xi1>, vector<128x256xf32>
      %swap3A = arith.index_cast %multiple_of3A_100 : i32 to index
      %swap3A_212 = arith.constant 0 : index
      %swap3A_213 = vector.load %arg15[%swap3A, %swap3A_212] : memref<4224x256xf32, #tpu.memory_space<vmem>>, vector<128x256xf32>
      tpu.vector_store %arg15[%swap3A, %swap3A_212], %select_n3A {strides = array<i32>} : memref<4224x256xf32, #tpu.memory_space<vmem>>, vector<128x256xf32>,
      %while3A_214 = arith.constant 0 : i32
      scf.yield %while3A_214 : i32
    }
    %mul3A_70 = arith.constant 4 : i32
    %mul3A_71 = arith.muli %arg0, %mul3A_70 : i32
    %add3A_72 = arith.constant 3 : i32
    %add3A_73 = arith.addi %mul3A_71, %add3A_72 : i32
    %get3A_74 = arith.index_cast %add3A_73 : i32 to index
    %get3A_75 = memref.load %arg2[%get3A_74] : memref<64xi32, #tpu.memory_space<smem>>
    %multiple_of3A_76 = tpu.assume_multiple %get3A_75, 8 : i32
    %get3A_77 = arith.index_cast %add3A_73 : i32 to index
    %get3A_78 = memref.load %arg3[%get3A_77] : memref<64xi32, #tpu.memory_space<smem>>
    %get3A_79 = arith.index_cast %add3A_73 : i32 to index
    %get3A_80 = memref.load %arg4[%get3A_79] : memref<64xi32, #tpu.memory_space<smem>>
    %get3A_81 = arith.index_cast %add3A_73 : i32 to index
    %get3A_82 = memref.load %arg1[%get3A_81] : memref<64xi32, #tpu.memory_space<smem>>
    %while3A_83 = arith.constant 0 : i32
    %while3A_84 = arith.constant 0 : i32
    %while3A_85 = arith.subi %get3A_82, %while3A_83 : i32
    %while3A_86 = arith.addi %while3A_83, %while3A_85 : i32
    %while3A_87 = arith.constant 1 : i32
    %while3A_88 = arith.divsi %while3A_85, %while3A_87 : i32
    %while3A_89 = arith.muli %while3A_88, %while3A_87 : i32
    %while3A_90 = arith.addi %while3A_83, %while3A_89 : i32
    %while3A_91 = arith.constant 1 : i32
    %while3A_92 = scf.for %while3A_95 = %while3A_83 to %while3A_90 step %while3A_91 iter_args(%while3A_96 = %while3A_84) -> (i32)  : i32 {
      %mul3A_97 = arith.constant 128 : i32
      %mul3A_98 = arith.muli %while3A_95, %mul3A_97 : i32
      %add3A_99 = arith.addi %multiple_of3A_76, %mul3A_98 : i32
      %multiple_of3A_100 = tpu.assume_multiple %add3A_99, 8 : i32
      %get3A_101 = arith.index_cast %multiple_of3A_100 : i32 to index
      %get3A_102 = arith.constant 0 : index
      %get3A_103 = vector.load %arg5[%get3A_101, %get3A_102] : memref<4224x256xf32, #tpu.memory_space<vmem>>, vector<128x256xf32>
      %get3A_104 = arith.constant 3 : index
      %get3A_105 = arith.constant 0 : index
      %get3A_106 = arith.constant 0 : index
      %get3A_107 = vector.load %arg7[%get3A_104, %get3A_105, %get3A_106] : memref<4x512x256xf32, #tpu.memory_space<vmem>>, vector<1x512x256xf32>
      %get3A_108 = vector.shape_cast %get3A_107 : vector<1x512x256xf32> to vector<512x256xf32>
      %dot_general3A = arith.constant dense<0.000000e+00> : vector<128x512xf32>
      %dot_general3A_109 = tpu.matmul %get3A_103, %get3A_108, %dot_general3A {dimension_numbers = #tpu.dot_dimension_numbers<[1], [1], [0], [0], [0, 0, 1, 0], [], []>, transpose_lhs_hint = false} : vector<128x256xf32>, vector<512x256xf32>, vector<128x512xf32> -> vector<128x512xf32>
      %get3A_110 = arith.constant 3 : index
      %get3A_111 = arith.constant 0 : index
      %get3A_112 = arith.constant 0 : index
      %get3A_113 = vector.load %arg8[%get3A_110, %get3A_111, %get3A_112] : memref<4x1x512xf32, #tpu.memory_space<vmem>>, vector<1x1x512xf32>
      %get3A_114 = vector.shape_cast %get3A_113 : vector<1x1x512xf32> to vector<1x512xf32>
      %add3A_115 = vector.broadcast %get3A_114 : vector<1x512xf32> to vector<128x512xf32>
      %add3A_116 = arith.addf %dot_general3A_109, %add3A_115 : vector<128x512xf32>
      %mul3A_117 = arith.constant 5.000000e-01 : f32
      %mul3A_118 = vector.broadcast %mul3A_117 : f32 to vector<128x512xf32>
      %mul3A_119 = arith.mulf %mul3A_118, %add3A_116 : vector<128x512xf32>
      %mul3A_120 = arith.constant 0.707106769 : f32
      %mul3A_121 = vector.broadcast %mul3A_120 : f32 to vector<128x512xf32>
      %mul3A_122 = arith.mulf %add3A_116, %mul3A_121 : vector<128x512xf32>
      %erf3A = math.erf %mul3A_122 : vector<128x512xf32>
      %add3A_123 = arith.constant 1.000000e+00 : f32
      %add3A_124 = vector.broadcast %add3A_123 : f32 to vector<128x512xf32>
      %add3A_125 = arith.addf %add3A_124, %erf3A : vector<128x512xf32>
      %mul3A_126 = arith.mulf %mul3A_119, %add3A_125 : vector<128x512xf32>
      %get3A_127 = arith.constant 3 : index
      %get3A_128 = arith.constant 0 : index
      %get3A_129 = arith.constant 0 : index
      %get3A_130 = vector.load %arg9[%get3A_127, %get3A_128, %get3A_129] : memref<4x256x512xf32, #tpu.memory_space<vmem>>, vector<1x256x512xf32>
      %get3A_131 = vector.shape_cast %get3A_130 : vector<1x256x512xf32> to vector<256x512xf32>
      %dot_general3A_132 = arith.constant dense<0.000000e+00> : vector<128x256xf32>
      %dot_general3A_133 = tpu.matmul %mul3A_126, %get3A_131, %dot_general3A_132 {dimension_numbers = #tpu.dot_dimension_numbers<[1], [1], [0], [0], [0, 0, 1, 0], [], []>, transpose_lhs_hint = false} : vector<128x512xf32>, vector<256x512xf32>, vector<128x256xf32> -> vector<128x256xf32>
      %get3A_134 = arith.constant 3 : index
      %get3A_135 = arith.constant 0 : index
      %get3A_136 = arith.constant 0 : index
      %get3A_137 = vector.load %arg10[%get3A_134, %get3A_135, %get3A_136] : memref<4x1x256xf32, #tpu.memory_space<vmem>>, vector<1x1x256xf32>
      %get3A_138 = vector.shape_cast %get3A_137 : vector<1x1x256xf32> to vector<1x256xf32>
      %add3A_139 = vector.broadcast %get3A_138 : vector<1x256xf32> to vector<128x256xf32>
      %add3A_140 = arith.addf %dot_general3A_133, %add3A_139 : vector<128x256xf32>
      %mul3A_141 = arith.constant 5.000000e-01 : f32
      %mul3A_142 = vector.broadcast %mul3A_141 : f32 to vector<128x256xf32>
      %mul3A_143 = arith.mulf %mul3A_142, %add3A_140 : vector<128x256xf32>
      %mul3A_144 = arith.constant 0.707106769 : f32
      %mul3A_145 = vector.broadcast %mul3A_144 : f32 to vector<128x256xf32>
      %mul3A_146 = arith.mulf %add3A_140, %mul3A_145 : vector<128x256xf32>
      %erf3A_147 = math.erf %mul3A_146 : vector<128x256xf32>
      %add3A_148 = arith.constant 1.000000e+00 : f32
      %add3A_149 = vector.broadcast %add3A_148 : f32 to vector<128x256xf32>
      %add3A_150 = arith.addf %add3A_149, %erf3A_147 : vector<128x256xf32>
      %mul3A_151 = arith.mulf %mul3A_143, %add3A_150 : vector<128x256xf32>
      %get3A_152 = arith.constant 3 : index
      %get3A_153 = arith.constant 0 : index
      %get3A_154 = arith.constant 0 : index
      %get3A_155 = vector.load %arg11[%get3A_152, %get3A_153, %get3A_154] : memref<4x256x256xf32, #tpu.memory_space<vmem>>, vector<1x256x256xf32>
      %get3A_156 = vector.shape_cast %get3A_155 : vector<1x256x256xf32> to vector<256x256xf32>
      %dot_general3A_157 = arith.constant dense<0.000000e+00> : vector<128x256xf32>
      %dot_general3A_158 = tpu.matmul %mul3A_151, %get3A_156, %dot_general3A_157 {dimension_numbers = #tpu.dot_dimension_numbers<[1], [1], [0], [0], [0, 0, 1, 0], [], []>, transpose_lhs_hint = false} : vector<128x256xf32>, vector<256x256xf32>, vector<128x256xf32> -> vector<128x256xf32>
      %get3A_159 = arith.constant 3 : index
      %get3A_160 = arith.constant 0 : index
      %get3A_161 = arith.constant 0 : index
      %get3A_162 = vector.load %arg12[%get3A_159, %get3A_160, %get3A_161] : memref<4x1x256xf32, #tpu.memory_space<vmem>>, vector<1x1x256xf32>
      %get3A_163 = vector.shape_cast %get3A_162 : vector<1x1x256xf32> to vector<1x256xf32>
      %add3A_164 = vector.broadcast %get3A_163 : vector<1x256xf32> to vector<128x256xf32>
      %add3A_165 = arith.addf %dot_general3A_158, %add3A_164 : vector<128x256xf32>
      %add3A_166 = arith.addf %get3A_103, %add3A_165 : vector<128x256xf32>
      %get3A_167 = arith.constant 3 : index
      %get3A_168 = arith.constant 0 : index
      %get3A_169 = arith.constant 0 : index
      %get3A_170 = vector.load %arg13[%get3A_167, %get3A_168, %get3A_169] : memref<4x1x256xf32, #tpu.memory_space<vmem>>, vector<1x1x256xf32>
      %get3A_171 = vector.shape_cast %get3A_170 : vector<1x1x256xf32> to vector<1x256xf32>
      %get3A_172 = arith.constant 3 : index
      %get3A_173 = arith.constant 0 : index
      %get3A_174 = arith.constant 0 : index
      %get3A_175 = vector.load %arg14[%get3A_172, %get3A_173, %get3A_174] : memref<4x1x256xf32, #tpu.memory_space<vmem>>, vector<1x1x256xf32>
      %get3A_176 = vector.shape_cast %get3A_175 : vector<1x1x256xf32> to vector<1x256xf32>
      %reduce_sum3A = arith.constant dense<0.000000e+00> : vector<128xf32>
      %reduce_sum3A_177 = vector.multi_reduction <add>, %add3A_166, %reduce_sum3A [1] : vector<128x256xf32> to vector<128xf32>
      %broadcast_in_dim3A = vector.shape_cast %reduce_sum3A_177 : vector<128xf32> to vector<128x1xf32>
      %div3A = arith.constant 2.560000e+02 : f32
      %div3A_178 = vector.broadcast %div3A : f32 to vector<128x1xf32>
      %div3A_179 = arith.divf %broadcast_in_dim3A, %div3A_178 : vector<128x1xf32>
      %sub3A = vector.broadcast %div3A_179 : vector<128x1xf32> to vector<128x256xf32>
      %sub3A_180 = arith.subf %add3A_166, %sub3A : vector<128x256xf32>
      %integer_pow3A = arith.mulf %sub3A_180, %sub3A_180 : vector<128x256xf32>
      %reduce_sum3A_181 = arith.constant dense<0.000000e+00> : vector<128xf32>
      %reduce_sum3A_182 = vector.multi_reduction <add>, %integer_pow3A, %reduce_sum3A_181 [1] : vector<128x256xf32> to vector<128xf32>
      %broadcast_in_dim3A_183 = vector.shape_cast %reduce_sum3A_182 : vector<128xf32> to vector<128x1xf32>
      %div3A_184 = arith.constant 2.560000e+02 : f32
      %div3A_185 = vector.broadcast %div3A_184 : f32 to vector<128x1xf32>
      %div3A_186 = arith.divf %broadcast_in_dim3A_183, %div3A_185 : vector<128x1xf32>
      %sub3A_187 = vector.broadcast %div3A_179 : vector<128x1xf32> to vector<128x256xf32>
      %sub3A_188 = arith.subf %add3A_166, %sub3A_187 : vector<128x256xf32>
      %add3A_189 = arith.constant 9.99999974E-6 : f32
      %add3A_190 = vector.broadcast %add3A_189 : f32 to vector<128x1xf32>
      %add3A_191 = arith.addf %div3A_186, %add3A_190 : vector<128x1xf32>
      %rsqrt3A = math.rsqrt %add3A_191 : vector<128x1xf32>
      %mul3A_192 = vector.broadcast %rsqrt3A : vector<128x1xf32> to vector<128x256xf32>
      %mul3A_193 = arith.mulf %sub3A_188, %mul3A_192 : vector<128x256xf32>
      %mul3A_194 = vector.broadcast %get3A_171 : vector<1x256xf32> to vector<128x256xf32>
      %mul3A_195 = arith.mulf %mul3A_193, %mul3A_194 : vector<128x256xf32>
      %add3A_196 = vector.broadcast %get3A_176 : vector<1x256xf32> to vector<128x256xf32>
      %add3A_197 = arith.addf %mul3A_195, %add3A_196 : vector<128x256xf32>
      %get3A_198 = arith.index_cast %multiple_of3A_100 : i32 to index
      %get3A_199 = arith.constant 0 : index
      %get3A_200 = vector.load %arg6[%get3A_198, %get3A_199] : memref<4224x1xf32, #tpu.memory_space<vmem>>, vector<128x1xf32>
      %mul3A_201 = vector.broadcast %get3A_200 : vector<128x1xf32> to vector<128x256xf32>
      %mul3A_202 = arith.mulf %add3A_197, %mul3A_201 : vector<128x256xf32>
      %iota3A = tpu.iota {dimensions = array<i32: 0>} : vector<128x1xi32>
      %add3A_203 = vector.broadcast %multiple_of3A_100 : i32 to vector<128x1xi32>
      %add3A_204 = arith.addi %add3A_203, %iota3A : vector<128x1xi32>
      %ge3A = vector.broadcast %get3A_78 : i32 to vector<128x1xi32>
      %ge3A_205 = arith.cmpi sge, %add3A_204, %ge3A : vector<128x1xi32>
      %lt3A = vector.broadcast %get3A_80 : i32 to vector<128x1xi32>
      %lt3A_206 = arith.cmpi slt, %add3A_204, %lt3A : vector<128x1xi32>
      %and3A = arith.andi %ge3A_205, %lt3A_206 : vector<128x1xi1>
      %get3A_207 = arith.index_cast %multiple_of3A_100 : i32 to index
      %get3A_208 = arith.constant 0 : index
      %get3A_209 = vector.load %arg15[%get3A_207, %get3A_208] : memref<4224x256xf32, #tpu.memory_space<vmem>>, vector<128x256xf32>
      %broadcast_in_dim3A_210 = vector.shape_cast %and3A : vector<128x1xi1> to vector<128x1xi1>
      %broadcast_in_dim3A_211 = vector.broadcast %broadcast_in_dim3A_210 : vector<128x1xi1> to vector<128x256xi1>
      %select_n3A = arith.select %broadcast_in_dim3A_211, %mul3A_202, %get3A_209 : vector<128x256xi1>, vector<128x256xf32>
      %swap3A = arith.index_cast %multiple_of3A_100 : i32 to index
      %swap3A_212 = arith.constant 0 : index
      %swap3A_213 = vector.load %arg15[%swap3A, %swap3A_212] : memref<4224x256xf32, #tpu.memory_space<vmem>>, vector<128x256xf32>
      tpu.vector_store %arg15[%swap3A, %swap3A_212], %select_n3A {strides = array<i32>} : memref<4224x256xf32, #tpu.memory_space<vmem>>, vector<128x256xf32>,
      %while3A_214 = arith.constant 0 : i32
      scf.yield %while3A_214 : i32
    }
    %while3A_93 = arith.constant 1 : i32
    %while3A_94 = scf.for %while3A_95 = %while3A_90 to %while3A_86 step %while3A_93 iter_args(%while3A_96 = %while3A_92) -> (i32)  : i32 {
      %mul3A_97 = arith.constant 128 : i32
      %mul3A_98 = arith.muli %while3A_95, %mul3A_97 : i32
      %add3A_99 = arith.addi %multiple_of3A_76, %mul3A_98 : i32
      %multiple_of3A_100 = tpu.assume_multiple %add3A_99, 8 : i32
      %get3A_101 = arith.index_cast %multiple_of3A_100 : i32 to index
      %get3A_102 = arith.constant 0 : index
      %get3A_103 = vector.load %arg5[%get3A_101, %get3A_102] : memref<4224x256xf32, #tpu.memory_space<vmem>>, vector<128x256xf32>
      %get3A_104 = arith.constant 3 : index
      %get3A_105 = arith.constant 0 : index
      %get3A_106 = arith.constant 0 : index
      %get3A_107 = vector.load %arg7[%get3A_104, %get3A_105, %get3A_106] : memref<4x512x256xf32, #tpu.memory_space<vmem>>, vector<1x512x256xf32>
      %get3A_108 = vector.shape_cast %get3A_107 : vector<1x512x256xf32> to vector<512x256xf32>
      %dot_general3A = arith.constant dense<0.000000e+00> : vector<128x512xf32>
      %dot_general3A_109 = tpu.matmul %get3A_103, %get3A_108, %dot_general3A {dimension_numbers = #tpu.dot_dimension_numbers<[1], [1], [0], [0], [0, 0, 1, 0], [], []>, transpose_lhs_hint = false} : vector<128x256xf32>, vector<512x256xf32>, vector<128x512xf32> -> vector<128x512xf32>
      %get3A_110 = arith.constant 3 : index
      %get3A_111 = arith.constant 0 : index
      %get3A_112 = arith.constant 0 : index
      %get3A_113 = vector.load %arg8[%get3A_110, %get3A_111, %get3A_112] : memref<4x1x512xf32, #tpu.memory_space<vmem>>, vector<1x1x512xf32>
      %get3A_114 = vector.shape_cast %get3A_113 : vector<1x1x512xf32> to vector<1x512xf32>
      %add3A_115 = vector.broadcast %get3A_114 : vector<1x512xf32> to vector<128x512xf32>
      %add3A_116 = arith.addf %dot_general3A_109, %add3A_115 : vector<128x512xf32>
      %mul3A_117 = arith.constant 5.000000e-01 : f32
      %mul3A_118 = vector.broadcast %mul3A_117 : f32 to vector<128x512xf32>
      %mul3A_119 = arith.mulf %mul3A_118, %add3A_116 : vector<128x512xf32>
      %mul3A_120 = arith.constant 0.707106769 : f32
      %mul3A_121 = vector.broadcast %mul3A_120 : f32 to vector<128x512xf32>
      %mul3A_122 = arith.mulf %add3A_116, %mul3A_121 : vector<128x512xf32>
      %erf3A = math.erf %mul3A_122 : vector<128x512xf32>
      %add3A_123 = arith.constant 1.000000e+00 : f32
      %add3A_124 = vector.broadcast %add3A_123 : f32 to vector<128x512xf32>
      %add3A_125 = arith.addf %add3A_124, %erf3A : vector<128x512xf32>
      %mul3A_126 = arith.mulf %mul3A_119, %add3A_125 : vector<128x512xf32>
      %get3A_127 = arith.constant 3 : index
      %get3A_128 = arith.constant 0 : index
      %get3A_129 = arith.constant 0 : index
      %get3A_130 = vector.load %arg9[%get3A_127, %get3A_128, %get3A_129] : memref<4x256x512xf32, #tpu.memory_space<vmem>>, vector<1x256x512xf32>
      %get3A_131 = vector.shape_cast %get3A_130 : vector<1x256x512xf32> to vector<256x512xf32>
      %dot_general3A_132 = arith.constant dense<0.000000e+00> : vector<128x256xf32>
      %dot_general3A_133 = tpu.matmul %mul3A_126, %get3A_131, %dot_general3A_132 {dimension_numbers = #tpu.dot_dimension_numbers<[1], [1], [0], [0], [0, 0, 1, 0], [], []>, transpose_lhs_hint = false} : vector<128x512xf32>, vector<256x512xf32>, vector<128x256xf32> -> vector<128x256xf32>
      %get3A_134 = arith.constant 3 : index
      %get3A_135 = arith.constant 0 : index
      %get3A_136 = arith.constant 0 : index
      %get3A_137 = vector.load %arg10[%get3A_134, %get3A_135, %get3A_136] : memref<4x1x256xf32, #tpu.memory_space<vmem>>, vector<1x1x256xf32>
      %get3A_138 = vector.shape_cast %get3A_137 : vector<1x1x256xf32> to vector<1x256xf32>
      %add3A_139 = vector.broadcast %get3A_138 : vector<1x256xf32> to vector<128x256xf32>
      %add3A_140 = arith.addf %dot_general3A_133, %add3A_139 : vector<128x256xf32>
      %mul3A_141 = arith.constant 5.000000e-01 : f32
      %mul3A_142 = vector.broadcast %mul3A_141 : f32 to vector<128x256xf32>
      %mul3A_143 = arith.mulf %mul3A_142, %add3A_140 : vector<128x256xf32>
      %mul3A_144 = arith.constant 0.707106769 : f32
      %mul3A_145 = vector.broadcast %mul3A_144 : f32 to vector<128x256xf32>
      %mul3A_146 = arith.mulf %add3A_140, %mul3A_145 : vector<128x256xf32>
      %erf3A_147 = math.erf %mul3A_146 : vector<128x256xf32>
      %add3A_148 = arith.constant 1.000000e+00 : f32
      %add3A_149 = vector.broadcast %add3A_148 : f32 to vector<128x256xf32>
      %add3A_150 = arith.addf %add3A_149, %erf3A_147 : vector<128x256xf32>
      %mul3A_151 = arith.mulf %mul3A_143, %add3A_150 : vector<128x256xf32>
      %get3A_152 = arith.constant 3 : index
      %get3A_153 = arith.constant 0 : index
      %get3A_154 = arith.constant 0 : index
      %get3A_155 = vector.load %arg11[%get3A_152, %get3A_153, %get3A_154] : memref<4x256x256xf32, #tpu.memory_space<vmem>>, vector<1x256x256xf32>
      %get3A_156 = vector.shape_cast %get3A_155 : vector<1x256x256xf32> to vector<256x256xf32>
      %dot_general3A_157 = arith.constant dense<0.000000e+00> : vector<128x256xf32>
      %dot_general3A_158 = tpu.matmul %mul3A_151, %get3A_156, %dot_general3A_157 {dimension_numbers = #tpu.dot_dimension_numbers<[1], [1], [0], [0], [0, 0, 1, 0], [], []>, transpose_lhs_hint = false} : vector<128x256xf32>, vector<256x256xf32>, vector<128x256xf32> -> vector<128x256xf32>
      %get3A_159 = arith.constant 3 : index
      %get3A_160 = arith.constant 0 : index
      %get3A_161 = arith.constant 0 : index
      %get3A_162 = vector.load %arg12[%get3A_159, %get3A_160, %get3A_161] : memref<4x1x256xf32, #tpu.memory_space<vmem>>, vector<1x1x256xf32>
      %get3A_163 = vector.shape_cast %get3A_162 : vector<1x1x256xf32> to vector<1x256xf32>
      %add3A_164 = vector.broadcast %get3A_163 : vector<1x256xf32> to vector<128x256xf32>
      %add3A_165 = arith.addf %dot_general3A_158, %add3A_164 : vector<128x256xf32>
      %add3A_166 = arith.addf %get3A_103, %add3A_165 : vector<128x256xf32>
      %get3A_167 = arith.constant 3 : index
      %get3A_168 = arith.constant 0 : index
      %get3A_169 = arith.constant 0 : index
      %get3A_170 = vector.load %arg13[%get3A_167, %get3A_168, %get3A_169] : memref<4x1x256xf32, #tpu.memory_space<vmem>>, vector<1x1x256xf32>
      %get3A_171 = vector.shape_cast %get3A_170 : vector<1x1x256xf32> to vector<1x256xf32>
      %get3A_172 = arith.constant 3 : index
      %get3A_173 = arith.constant 0 : index
      %get3A_174 = arith.constant 0 : index
      %get3A_175 = vector.load %arg14[%get3A_172, %get3A_173, %get3A_174] : memref<4x1x256xf32, #tpu.memory_space<vmem>>, vector<1x1x256xf32>
      %get3A_176 = vector.shape_cast %get3A_175 : vector<1x1x256xf32> to vector<1x256xf32>
      %reduce_sum3A = arith.constant dense<0.000000e+00> : vector<128xf32>
      %reduce_sum3A_177 = vector.multi_reduction <add>, %add3A_166, %reduce_sum3A [1] : vector<128x256xf32> to vector<128xf32>
      %broadcast_in_dim3A = vector.shape_cast %reduce_sum3A_177 : vector<128xf32> to vector<128x1xf32>
      %div3A = arith.constant 2.560000e+02 : f32
      %div3A_178 = vector.broadcast %div3A : f32 to vector<128x1xf32>
      %div3A_179 = arith.divf %broadcast_in_dim3A, %div3A_178 : vector<128x1xf32>
      %sub3A = vector.broadcast %div3A_179 : vector<128x1xf32> to vector<128x256xf32>
      %sub3A_180 = arith.subf %add3A_166, %sub3A : vector<128x256xf32>
      %integer_pow3A = arith.mulf %sub3A_180, %sub3A_180 : vector<128x256xf32>
      %reduce_sum3A_181 = arith.constant dense<0.000000e+00> : vector<128xf32>
      %reduce_sum3A_182 = vector.multi_reduction <add>, %integer_pow3A, %reduce_sum3A_181 [1] : vector<128x256xf32> to vector<128xf32>
      %broadcast_in_dim3A_183 = vector.shape_cast %reduce_sum3A_182 : vector<128xf32> to vector<128x1xf32>
      %div3A_184 = arith.constant 2.560000e+02 : f32
      %div3A_185 = vector.broadcast %div3A_184 : f32 to vector<128x1xf32>
      %div3A_186 = arith.divf %broadcast_in_dim3A_183, %div3A_185 : vector<128x1xf32>
      %sub3A_187 = vector.broadcast %div3A_179 : vector<128x1xf32> to vector<128x256xf32>
      %sub3A_188 = arith.subf %add3A_166, %sub3A_187 : vector<128x256xf32>
      %add3A_189 = arith.constant 9.99999974E-6 : f32
      %add3A_190 = vector.broadcast %add3A_189 : f32 to vector<128x1xf32>
      %add3A_191 = arith.addf %div3A_186, %add3A_190 : vector<128x1xf32>
      %rsqrt3A = math.rsqrt %add3A_191 : vector<128x1xf32>
      %mul3A_192 = vector.broadcast %rsqrt3A : vector<128x1xf32> to vector<128x256xf32>
      %mul3A_193 = arith.mulf %sub3A_188, %mul3A_192 : vector<128x256xf32>
      %mul3A_194 = vector.broadcast %get3A_171 : vector<1x256xf32> to vector<128x256xf32>
      %mul3A_195 = arith.mulf %mul3A_193, %mul3A_194 : vector<128x256xf32>
      %add3A_196 = vector.broadcast %get3A_176 : vector<1x256xf32> to vector<128x256xf32>
      %add3A_197 = arith.addf %mul3A_195, %add3A_196 : vector<128x256xf32>
      %get3A_198 = arith.index_cast %multiple_of3A_100 : i32 to index
      %get3A_199 = arith.constant 0 : index
      %get3A_200 = vector.load %arg6[%get3A_198, %get3A_199] : memref<4224x1xf32, #tpu.memory_space<vmem>>, vector<128x1xf32>
      %mul3A_201 = vector.broadcast %get3A_200 : vector<128x1xf32> to vector<128x256xf32>
      %mul3A_202 = arith.mulf %add3A_197, %mul3A_201 : vector<128x256xf32>
      %iota3A = tpu.iota {dimensions = array<i32: 0>} : vector<128x1xi32>
      %add3A_203 = vector.broadcast %multiple_of3A_100 : i32 to vector<128x1xi32>
      %add3A_204 = arith.addi %add3A_203, %iota3A : vector<128x1xi32>
      %ge3A = vector.broadcast %get3A_78 : i32 to vector<128x1xi32>
      %ge3A_205 = arith.cmpi sge, %add3A_204, %ge3A : vector<128x1xi32>
      %lt3A = vector.broadcast %get3A_80 : i32 to vector<128x1xi32>
      %lt3A_206 = arith.cmpi slt, %add3A_204, %lt3A : vector<128x1xi32>
      %and3A = arith.andi %ge3A_205, %lt3A_206 : vector<128x1xi1>
      %get3A_207 = arith.index_cast %multiple_of3A_100 : i32 to index
      %get3A_208 = arith.constant 0 : index
      %get3A_209 = vector.load %arg15[%get3A_207, %get3A_208] : memref<4224x256xf32, #tpu.memory_space<vmem>>, vector<128x256xf32>
      %broadcast_in_dim3A_210 = vector.shape_cast %and3A : vector<128x1xi1> to vector<128x1xi1>
      %broadcast_in_dim3A_211 = vector.broadcast %broadcast_in_dim3A_210 : vector<128x1xi1> to vector<128x256xi1>
      %select_n3A = arith.select %broadcast_in_dim3A_211, %mul3A_202, %get3A_209 : vector<128x256xi1>, vector<128x256xf32>
      %swap3A = arith.index_cast %multiple_of3A_100 : i32 to index
      %swap3A_212 = arith.constant 0 : index
      %swap3A_213 = vector.load %arg15[%swap3A, %swap3A_212] : memref<4224x256xf32, #tpu.memory_space<vmem>>, vector<128x256xf32>
      tpu.vector_store %arg15[%swap3A, %swap3A_212], %select_n3A {strides = array<i32>} : memref<4224x256xf32, #tpu.memory_space<vmem>>, vector<128x256xf32>,
      %while3A_214 = arith.constant 0 : i32
      scf.yield %while3A_214 : i32
    }
    return
  }
  func.func @transform_0(%arg0: i32, %arg1: memref<64xi32, #tpu.memory_space<smem>>, %arg2: memref<64xi32, #tpu.memory_space<smem>>, %arg3: memref<64xi32, #tpu.memory_space<smem>>, %arg4: memref<64xi32, #tpu.memory_space<smem>>) -> (i32, i32) {
    %c0_i32 = arith.constant 0 : i32
    %c0_i32_0 = arith.constant 0 : i32
    %c0_i32_1 = arith.constant 0 : i32
    return %c0_i32, %c0_i32_0 : i32, i32
  }
  func.func @transform_1(%arg0: i32, %arg1: memref<64xi32, #tpu.memory_space<smem>>, %arg2: memref<64xi32, #tpu.memory_space<smem>>, %arg3: memref<64xi32, #tpu.memory_space<smem>>, %arg4: memref<64xi32, #tpu.memory_space<smem>>) -> (i32, i32) {
    %c0_i32 = arith.constant 0 : i32
    %c0_i32_0 = arith.constant 0 : i32
    %c0_i32_1 = arith.constant 0 : i32
    return %c0_i32, %c0_i32_0 : i32, i32
  }
  func.func @transform_2(%arg0: i32, %arg1: memref<64xi32, #tpu.memory_space<smem>>, %arg2: memref<64xi32, #tpu.memory_space<smem>>, %arg3: memref<64xi32, #tpu.memory_space<smem>>, %arg4: memref<64xi32, #tpu.memory_space<smem>>) -> (i32, i32, i32) {
    %c0_i32 = arith.constant 0 : i32
    %c0_i32_0 = arith.constant 0 : i32
    %c0_i32_1 = arith.constant 0 : i32
    return %arg0, %c0_i32, %c0_i32_0 : i32, i32, i32
  }
  func.func @transform_3(%arg0: i32, %arg1: memref<64xi32, #tpu.memory_space<smem>>, %arg2: memref<64xi32, #tpu.memory_space<smem>>, %arg3: memref<64xi32, #tpu.memory_space<smem>>, %arg4: memref<64xi32, #tpu.memory_space<smem>>) -> (i32, i32, i32) {
    %c0_i32 = arith.constant 0 : i32
    %c0_i32_0 = arith.constant 0 : i32
    %c0_i32_1 = arith.constant 0 : i32
    return %arg0, %c0_i32, %c0_i32_0 : i32, i32, i32
  }
  func.func @transform_4(%arg0: i32, %arg1: memref<64xi32, #tpu.memory_space<smem>>, %arg2: memref<64xi32, #tpu.memory_space<smem>>, %arg3: memref<64xi32, #tpu.memory_space<smem>>, %arg4: memref<64xi32, #tpu.memory_space<smem>>) -> (i32, i32, i32) {
    %c0_i32 = arith.constant 0 : i32
    %c0_i32_0 = arith.constant 0 : i32
    %c0_i32_1 = arith.constant 0 : i32
    return %arg0, %c0_i32, %c0_i32_0 : i32, i32, i32
  }
  func.func @transform_5(%arg0: i32, %arg1: memref<64xi32, #tpu.memory_space<smem>>, %arg2: memref<64xi32, #tpu.memory_space<smem>>, %arg3: memref<64xi32, #tpu.memory_space<smem>>, %arg4: memref<64xi32, #tpu.memory_space<smem>>) -> (i32, i32, i32) {
    %c0_i32 = arith.constant 0 : i32
    %c0_i32_0 = arith.constant 0 : i32
    %c0_i32_1 = arith.constant 0 : i32
    return %arg0, %c0_i32, %c0_i32_0 : i32, i32, i32
  }
  func.func @transform_6(%arg0: i32, %arg1: memref<64xi32, #tpu.memory_space<smem>>, %arg2: memref<64xi32, #tpu.memory_space<smem>>, %arg3: memref<64xi32, #tpu.memory_space<smem>>, %arg4: memref<64xi32, #tpu.memory_space<smem>>) -> (i32, i32, i32) {
    %c0_i32 = arith.constant 0 : i32
    %c0_i32_0 = arith.constant 0 : i32
    %c0_i32_1 = arith.constant 0 : i32
    return %arg0, %c0_i32, %c0_i32_0 : i32, i32, i32
  }
  func.func @transform_7(%arg0: i32, %arg1: memref<64xi32, #tpu.memory_space<smem>>, %arg2: memref<64xi32, #tpu.memory_space<smem>>, %arg3: memref<64xi32, #tpu.memory_space<smem>>, %arg4: memref<64xi32, #tpu.memory_space<smem>>) -> (i32, i32, i32) {
    %c0_i32 = arith.constant 0 : i32
    %c0_i32_0 = arith.constant 0 : i32
    %c0_i32_1 = arith.constant 0 : i32
    return %arg0, %c0_i32, %c0_i32_0 : i32, i32, i32
  }
  func.func @transform_8(%arg0: i32, %arg1: memref<64xi32, #tpu.memory_space<smem>>, %arg2: memref<64xi32, #tpu.memory_space<smem>>, %arg3: memref<64xi32, #tpu.memory_space<smem>>, %arg4: memref<64xi32, #tpu.memory_space<smem>>) -> (i32, i32, i32) {
    %c0_i32 = arith.constant 0 : i32
    %c0_i32_0 = arith.constant 0 : i32
    %c0_i32_1 = arith.constant 0 : i32
    return %arg0, %c0_i32, %c0_i32_0 : i32, i32, i32
  }
  func.func @transform_9(%arg0: i32, %arg1: memref<64xi32, #tpu.memory_space<smem>>, %arg2: memref<64xi32, #tpu.memory_space<smem>>, %arg3: memref<64xi32, #tpu.memory_space<smem>>, %arg4: memref<64xi32, #tpu.memory_space<smem>>) -> (i32, i32, i32) {
    %c0_i32 = arith.constant 0 : i32
    %c0_i32_0 = arith.constant 0 : i32
    %c0_i32_1 = arith.constant 0 : i32
    return %arg0, %c0_i32, %c0_i32_0 : i32, i32, i32
  }
  func.func @transform_10(%arg0: i32, %arg1: memref<64xi32, #tpu.memory_space<smem>>, %arg2: memref<64xi32, #tpu.memory_space<smem>>, %arg3: memref<64xi32, #tpu.memory_space<smem>>, %arg4: memref<64xi32, #tpu.memory_space<smem>>) -> (i32, i32) {
    %c0_i32 = arith.constant 0 : i32
    %c0_i32_0 = arith.constant 0 : i32
    %c0_i32_1 = arith.constant 0 : i32
    return %c0_i32, %c0_i32_0 : i32, i32
  }
}

</mosaic_0001>

<sc_bundles>
// kernel: kernel.6.cloned.1.call-start
scs
__scs_entry_jumppad:
0x0: {  	(pc) =	sbr.rel $0x88, $3  }
0x1: {  	(tag) =	ssettag $0x0;
	lr =	simm.s32 $0x1  }
0x2: {  	[smem:$0x3F91] =	sst lr;
	_ =	strace $0xD0000000  }
0x3: {  	_ = 	snop  }
0x4: {  	_ = 	snop  }
0x5: {  	_ = 	snop  }
0x6: {  	_ = 	snop  }
0x7: {  	_ = 	snop  }
__scs_overlays_trampoline_lowered:
0x8: {  	[smem:$0x3FA0] =	sst s0  }
0x9: {  	[smem:$0x3FA1] =	sst s1  }
0xa: {  	[smem:$0x3FA2] =	sst s2  }
0xb: {  	[smem:$0x3FA3] =	sst s3  }
0xc: {  	[smem:$0x3FA4] =	sst s4  }
0xd: {  	[smem:$0x3FA5] =	sst s5  }
0xe: {  	[smem:$0x3FA6] =	sst s6  }
0xf: {  	[smem:$0x3FA7] =	sst s7  }
0x10: {  	[smem:$0x3FA8] =	sst s8  }
0x11: {  	[smem:$0x3FA9] =	sst s9;
	s0 =	simm.s32 @!p0 $0x0  }
0x12: {  	s1 =	sld [smem:$0x3F8F];
	s0 =	simm.s32 @p0 $0x1  }
0x13: {  	[smem:$0x3FAA] =	sst s0;
	s0 =	simm.s32 @!p1 $0x0  }
0x14: {  	s2 =	sld [smem:$0x3F8E];
	s0 =	simm.s32 @p1 $0x1  }
0x15: {  	[smem:$0x3FAB] =	sst s0;
	s0 =	simm.s32 @!p2 $0x0  }
0x16: {  	s3 =	sld [smem:$0x3FDB];
	s0 =	simm.s32 @p2 $0x1  }
0x17: {  	s4 =	simm.s32 $0x1BF5;
	[smem:$0x3FAD] =	sst s0  }
0x18: {  	s0 =	sld [smem:$0x3F90];
	_ =	swait.ge [sflag:s4], $0x0  }
0x19: {  	s7 =	sld [smem:$0x3F91]  }
0x1a: {  	s8 =	sadd.s32 $0xFFFFE003, lr  }
0x1b: {  	s9 =	sadd.s32 $0xFFFFFEF7, lr;
	s5 =	simm.s32 $0xFFFFFFFF;
	p2 =	slt.u32 s8, $0xFFFFF086  }
0x1c: {  	p1 =	slt.u32 s9, $0xF7A;
	s5 =	simm.s32 @!p2 $0x0  }
0x1d: {  	s5 =	simm.s32 @p1 $0x1;
	p0 =	seq.s32 s7, s2  }
0x1e: {  	s7 =	smul.u32 @!p0 $0xF7A, s2;
	p2 =	seq.s32 @!p0 s5, $0x0  }
0x1f: {  	s9 =	smul.u32 $0xF7A, s1;
	s8 =	simm.s32 @!p0 $0x1BF5;
	p2 =	por !p2, p0  }
0x20: {  	[sflag:s8] =	ssyncset.s32 @!p0 $0xFFFFF086;
	s6 =	sadd.s32 @!p0 s3, s7;
	s7 =	simm.s32 @!p0 $0x108  }
0x21: {  	s3 =	sadd.s32 s3, s9;
	s6 =	sadd.s32 @!p0 $0x88, s6;
	s7 =	simm.s32 @p2 $0x1082  }
0x22: {  	[simem:s7], [sflag:s8] =	dma.local @!p0 [hbm:s6], $0xF7A  }
0x23: {  	s9 =	sor.u32 $0xD0000000, s2;
	s6 =	simm.s32 $0x108;
	_ =	swait.ge @!p0 [sflag:s8], $0x0  }
0x24: {  	s3 =	sadd.s32 $0x88, s3;
	s6 =	simm.s32 @!p1 $0x1082;
	[sflag:s4] =	ssyncset.s32 $0xFFFFF086  }
0x25: {  	[simem:s6], [sflag:s4] =	dma.local [hbm:s3], $0xF7A  }
0x26: {  	[smem:$0x3F91] =	sst s1;
	(tag) =	ssettag s2;
	_ =	strace s9  }
0x27: {  	s1 =	sld [smem:$0x3FA1]  }
0x28: {  	s2 =	sld [smem:$0x3FA2]  }
0x29: {  	s4 =	sld [smem:$0x3FA4]  }
0x2a: {  	p0 =	seq.s32 s5, $0x0;
	s5 =	sld [smem:$0x3FA5]  }
0x2b: {  	s6 =	sld [smem:$0x3FA6]  }
0x2c: {  	s7 =	sld [smem:$0x3FA7]  }
0x2d: {  	s3 =	simm.s32 $0x108;
	s8 =	sld [smem:$0x3FA8]  }
0x2e: {  	s3 =	simm.s32 @!p0 $0x1082;
	s9 =	sld [smem:$0x3FA9]  }
0x2f: {  	lr =	sadd.s32 s0, s3;
	s0 =	sld [smem:$0x3FA0]  }
0x30: {  	s3 =	sld [smem:$0x3FA3]  }
0x31: {  	[smem:$0x3FAC] =	sst s10  }
0x32: {  	s10 =	sld [smem:$0x3FAA];
	_ =	sdelay $0x3  }
0x33: {  	p0 =	seq.s32 s10, $0x1;
	s10 =	sld [smem:$0x3FAC];
	_ =	sdelay $0x3  }
0x34: {  	[smem:$0x3FAC] =	sst s10  }
0x35: {  	s10 =	sld [smem:$0x3FAB];
	_ =	sdelay $0x3  }
0x36: {  	p1 =	seq.s32 s10, $0x1;
	s10 =	sld [smem:$0x3FAC];
	_ =	sdelay $0x3  }
0x37: {  	[smem:$0x3FAC] =	sst s10  }
0x38: {  	s10 =	sld [smem:$0x3FAD]  }
0x39: {  	_ = 	snop;
	(pc) =	sbr.ind lr, $3  }
0x3a: {  	_ = 	snop  }
0x3b: {  	_ = 	snop  }
0x3c: {  	p2 =	seq.s32 s10, $0x1;
	s10 =	sld [smem:$0x3FAC]  }
0x3d: {  	_ =	shalt  }
0x3e: {  	_ =	shalt  }
0x3f: {  	_ =	shalt  }
0x40: {  	_ =	shalt  }
0x41: {  	_ =	shalt  }
0x42: {  	_ =	shalt  }
0x43: {  	_ =	shalt  }
0x44: {  	_ =	shalt  }
0x45: {  	_ =	shalt  }
0x46: {  	_ =	shalt  }
0x47: {  	_ =	shalt  }
0x48: {  	_ =	shalt  }
0x49: {  	_ =	shalt  }
0x4a: {  	_ =	shalt  }
0x4b: {  	_ =	shalt  }
0x4c: {  	_ =	shalt  }
0x4d: {  	_ =	shalt  }
0x4e: {  	_ =	shalt  }
0x4f: {  	_ =	shalt  }
0x50: {  	_ =	shalt  }
0x51: {  	_ =	shalt  }
0x52: {  	_ =	shalt  }
0x53: {  	_ =	shalt  }
0x54: {  	_ =	shalt  }
0x55: {  	_ =	shalt  }
0x56: {  	_ =	shalt  }
0x57: {  	_ =	shalt  }
0x58: {  	_ =	shalt  }
0x59: {  	_ =	shalt  }
0x5a: {  	_ =	shalt  }
0x5b: {  	_ =	shalt  }
0x5c: {  	_ =	shalt  }
0x5d: {  	_ =	shalt  }
0x5e: {  	_ =	shalt  }
0x5f: {  	_ =	shalt  }
0x60: {  	_ =	shalt  }
0x61: {  	_ =	shalt  }
0x62: {  	_ =	shalt  }
0x63: {  	_ =	shalt  }
0x64: {  	_ =	shalt  }
0x65: {  	_ =	shalt  }
0x66: {  	_ =	shalt  }
0x67: {  	_ =	shalt  }
0x68: {  	_ =	shalt  }
0x69: {  	_ =	shalt  }
0x6a: {  	_ =	shalt  }
0x6b: {  	_ =	shalt  }
0x6c: {  	_ =	shalt  }
0x6d: {  	_ =	shalt  }
0x6e: {  	_ =	shalt  }
0x6f: {  	_ =	shalt  }
0x70: {  	_ =	shalt  }
0x71: {  	_ =	shalt  }
0x72: {  	_ =	shalt  }
0x73: {  	_ =	shalt  }
0x74: {  	_ =	shalt  }
0x75: {  	_ =	shalt  }
0x76: {  	_ =	shalt  }
0x77: {  	_ =	shalt  }
0x78: {  	_ =	shalt  }
0x79: {  	_ =	shalt  }
0x7a: {  	_ =	shalt  }
0x7b: {  	_ =	shalt  }
0x7c: {  	_ =	shalt  }
0x7d: {  	_ =	shalt  }
0x7e: {  	_ =	shalt  }
0x7f: {  	_ =	shalt  }
0x80: {  	_ =	shalt  }
0x81: {  	_ =	shalt  }
0x82: {  	_ =	shalt  }
0x83: {  	_ =	shalt  }
0x84: {  	_ =	shalt  }
0x85: {  	_ =	shalt  }
0x86: {  	_ =	shalt  }
0x87: {  	_ =	shalt  }
.Lfunc_end0:
.L_simem_size_0:
called_computation_lowered:
.L_overlay_start_0:
0x88: {  	s2 =	sld [smem:$0x3FD9]  }
0x89: {  	s3 =	sld [smem:$0x3FFE];
	_ =	sdelay $0x1  }
0x8a: {  	s1 =	srdreg.scid  }
0x8b: {  	s0 =	sand.u32 $0x1, s1  }
0x8c: {  	s14 =	sshll.u32 s0, $0xA;
	s2 =	sadd.s32 s3, s2  }
0x8d: {  	s2 =	sadd.s32 s2, s14  }
0x8e: {  	[smem:$0x3FB8] =	sst s2  }
0x8f: {  	_ = 	snop  }
0x90: {  	s2 =	sld [smem:$0x3FD0];
	_ =	sdelay $0x2  }
0x91: {  	s15 =	simm.s32 $0xA;
	s4 =	simm.s32 $0x10  }
0x92: {  	[smem:s4], [sflag:s15] =	dma.local [hbm:s2], $0x1  }
0x93: {  	_ =	swait.eq [sflag:s15], $0x1  }
0x94: {  	[sflag:s15] =	ssyncset.done $0x0  }
0x95: {  	[sflag:s15] =	ssyncadd.s32 $0xFFFFFFFF  }
0x96: {  	s16 =	sld [smem:$0x10];
	(tm) =	ssettm $0x1  }
0x97: {  	s17 =	sld [smem:$0x3FFB];
	_ =	sdelay $0x3  }
0x98: {  	_ =	strace s17  }
0x99: {  	s3 =	sld [smem:$0x3FFC];
	_ =	sdelay $0x3  }
0x9a: {  	_ =	strace s3  }
0x9b: {  	s3 =	sld [smem:$0x3FFD];
	_ =	sdelay $0x3  }
0x9c: {  	_ =	strace s3  }
0x9d: {  	_ =	strace $0x8FFFFFFF  }
0x9e: {  	s18 =	sld [smem:$0x3FDB];
	_ =	sdelay $0x1  }
0x9f: {  	s19 =	simm.s32 $_scs_section_size  }
0xa0: {  	s5 =	simm.s32 $_size__tile_overlayer_lowered;
	s6 =	simm.s32 $_tile_overlayer_lowered  }
0xa1: {  	s22 =	simm.s32 $0x1BFF;
	s21 =	sshll.u32 s6, $0x1;
	s3 =	sadd.s32 s19, s18  }
0xa2: {  	s7 =	simm.s32 $0x0;
	s20 =	sshll.u32 s5, $0x1;
	s5 =	sadd.s32 s21, s3  }
0xa3: {  	[timem:s7], [sflag:s22] =	dma.local [hbm:s5], s20  }
0xa4: {  	_ =	swait.ge [sflag:s22], s20  }
0xa5: {  	s4 =	ssub.s32 $0x0, s20;
	[sflag:s22] =	ssyncset.done $0x0  }
0xa6: {  	[sflag:s22] =	ssyncadd.s32 s4;
	_ =	sdelay $0x1  }
0xa7: {  	s23 =	simm.s32 $0x1B8B  }
0xa8: {  	_ =	swait.ge [sflag:s23], $0x1  }
0xa9: {  	[sflag:s23] =	ssyncset.done $0x0  }
0xaa: {  	s25 =	simm.s32 $0x1B8E;
	s24 =	sld [smem:$0x3FFE];
	[sflag:s23] =	ssyncadd.s32 $0xFFFFFFFF  }
0xab: {  	s26 =	simm.s32 $execute0_lowered;
	[smem:$0x3FD2] =	sst s25  }
0xac: {  	s5 =	sshll.u32 s26, $0x1;
	_ =	strace $0x80000046;
	[dreg:$0x1] =	wrdreg $0xFFFFFFFF  }
0xad: {  	s28 =	simm.s32 $_size_execute0_lowered;
	s3 =	sadd.s32 s3, s5;
	[dreg:$0x0] =	wrdreg $0x0  }
0xae: {  	s5 =	sshll.u32 s28, $0x1;
	[dreg:$0x2] =	wrdreg s3  }
0xaf: {  	[dreg:$0x3] =	wrdreg s5  }
0xb0: {  	[dreg:$0x4] =	wrdreg $0xC0  }
0xb1: {  	_ =	task [dreg:s7], $0x5FFFF  }
0xb2: {  	[dreg:$0x1] =	wrdreg $0xFFFFFFFF  }
0xb3: {  	[dreg:$0x0] =	wrdreg $0x60  }
0xb4: {  	[dreg:$0x2] =	wrdreg s16  }
0xb5: {  	[dreg:$0x3] =	wrdreg s24  }
0xb6: {  	[dreg:$0x4] =	wrdreg $0x9  }
0xb7: {  	_ =	task.clear_ibuf [dreg:s7], $0x5FFFF;
	_ =	strace $0x90000046  }
0xb8: {  	s29 =	simm.s32 $0x9;
	_ =	strace $0x80000048  }
0xb9: {  	_ =	swait.ge [sflag:s29], $0x1  }
0xba: {  	[sflag:s29] =	ssyncadd.s32 $0xFFFFFFFF  }
0xbb: {  	_ =	strace $0x90000048  }
0xbc: {  	_ =	sfence  }
0xbd: {  	s30 =	sld [smem:$0x0];
	_ =	sdelay $0x2  }
0xbe: {  	s31 =	sshll.u32 s1, $0xD;
	s1 =	sshrl.u32 s1, $0x2  }
0xbf: {  	s3 =	sand.u32 $0x4000, s31;
	s1 =	sadd.s32 s1, s30  }
0xc0: {  	s0 =	sor.u32 s3, s0;
	s1 =	sshll.u32 s1, $0x11  }
0xc1: {  	s0 =	sor.u32 s1, s0  }
0xc2: {  	s0 =	sadd.s32 $0x8F2B, s0  }
0xc3: {  	[sflag:s0] =	ssyncadd.remote.s32 $0x1  }
0xc4: {  	_ =	sfence.sel $0xFFFF  }
0xc5: {  	[dreg:$0x0] =	wrdreg $0xFFFFFFFF;
	(pc) =	sbr.abs _section_cstart, $3  }
0xc6: {  	[dreg:$0x1] =	wrdreg $0xFFFFFFFF  }
0xc7: {  	_ =	task.clear_ibuf [dreg:s7], $0x2FFFF;
	_ =	strace $0x9FFFFFFF  }
0xc8: {  	(tm) =	ssettm $0x7FFFFFFF  }
0xc9: {  	_ =	shalt  }
tec
execute0_lowered:
.L_overlay_start_1:
0x0: {  	(tag) =	ssettag $0x1  }
0x1: {  	s2 =	rddreg [dreg:$0x0]  }
0x2: {  	s4 =	rddreg [dreg:$0x1];
	s3 =	srdreg.scid  }
0x3: {  	s0 =	rddreg [dreg:$0x2];
	s1 =	stileid.u32;
	s8 =	simm.s32 $0x2  }
0x4: {  	s9 =	simm.s32 $0x100;
	s10 =	simm.s32 $0x900;
	s11 =	simm.s32 $0x1100  }
0x5: {  	s12 =	simm.s32 $0x1900;
	s13 =	simm.s32 $0x2100;
	s14 =	simm.s32 $0x2900  }
0x6: {  	s15 =	simm.s32 $0x3100;
	s16 =	simm.s32 $0x3900;
	s17 =	simm.s32 $0x4100  }
0x7: {  	s18 =	simm.s32 $0x4900;
	s19 =	simm.s32 $0x5100;
	s20 =	simm.s32 $0x5900  }
0x8: {  	s21 =	simm.s32 $0x6100;
	s22 =	simm.s32 $0x6900;
	s23 =	simm.s32 $0x7100  }
0x9: {  	s24 =	simm.s32 $0x7900;
	s25 =	simm.s32 $0x1;
	s26 =	simm.s32 $0x80  }
0xa: {  	s5 =	sand.u32 $0x1, s3;
	s3 =	simm.s32 $0x0;
	s6 =	sshll.u32 s1, $0x5  }
0xb: {  	s7 =	sshll.u32 s5, $0x4;
	[smem:$0x7FF] =	sst s3;
	s5 =	ssub.s32 $0x2, s5  }
0xc: {  	v2 =	vlaneseq.u32;
	s6 =	sor.u32 s7, s6;
	_ =	strace $0x80000047;
	s31 =	sshrl.u32 s5, $0x1  }
0xd: {  	vm0 =	vmmov $0xffff;
	v1 =	vshrl.u32 v2, $0x3;
	s6 =	sadd.s32 s6, s4;
	s4 =	sadd.s32 $0x2200, s4;
	s7 =	ssub.s32 s5, s31  }
0xe: {  	v0 =	vand.u32 $0x7, v2;
	v2 =	vor.u32 $0x8, v2;
	v1 =	vmul.u32 $0x8, v1;
	s5 =	sadd.s32 $0x1E00, s6;
	s6 =	sadd.s32 $0x2000, s6;
	s7 =	smax.u32 s7, $0x1  }
.LBB2_1:
0xf: {  	[tilespmem:s3], [sflag:$0x2] =	stream.linear.gather [hbm4b:s5+s3], $0x80, $0x38;
	[tilespmem:$0x8100] =	vst v63  }
0x10: {  	_ =	swait.ge [sflag:s8], $0x80  }
0x11: {  	[sflag:s8] =	ssyncset.done $0x0  }
0x12: {  	[sflag:s8] =	ssyncadd.s32 $0xFFFFFF80  }
0x13: {  	v3 =	vld [tilespmem:$0x0];
	_ =	sdelay $0x4  }
0x14: {  	v4 =	vshll.u32 v3, $0x1  }
0x15: {  	v3 =	vand.u32 $0x7, v3;
	v4 =	vand.u32 $0xFFFFFFF0, v4  }
0x16: {  	v3 =	vor.u32 v3, v4  }
0x17: {  	v4 =	vperm.xlane v3, v0;
	_ =	sdelay $0x1  }
0x18: {  	v3 =	vperm.xlane v3, v2;
	v4 =	vadd.s32 v1, v4;
	_ =	sdelay $0x1  }
0x19: {  	v3 =	vadd.s32 v1, v3;
	_ =	sdelay $0x2  }
0x1a: {  	[tilespmem:s9], [sflag:$0x1] =	stream.indirect_vreg.gather [hbm4b:s2+s3], $0x80, v4, vm0, $0xb8;
	[tilespmem:$0x8100] =	vst v63  }
0x1b: {  	_ = 	snop  }
0x1c: {  	[tilespmem:s10], [sflag:$0x1] =	stream.indirect_vreg.gather [hbm4b:s2+s3], $0x80, v3, vm0, $0xb8;
	[tilespmem:$0x8100] =	vst v63  }
0x1d: {  	v3 =	vld [tilespmem:$0x10];
	_ =	sdelay $0x4  }
0x1e: {  	v49 =	vshll.u32 v3, $0x1  }
0x1f: {  	v3 =	vand.u32 $0x7, v3;
	v4 =	vand.u32 $0xFFFFFFF0, v49  }
0x20: {  	v3 =	vor.u32 v3, v4  }
0x21: {  	v4 =	vperm.xlane v3, v0;
	_ =	sdelay $0x1  }
0x22: {  	v3 =	vperm.xlane v3, v2;
	v4 =	vadd.s32 v1, v4;
	_ =	sdelay $0x1  }
0x23: {  	v3 =	vadd.s32 v1, v3;
	_ =	sdelay $0x2  }
0x24: {  	[tilespmem:s11], [sflag:$0x1] =	stream.indirect_vreg.gather [hbm4b:s2+s3], $0x80, v4, vm0, $0xb8;
	[tilespmem:$0x8100] =	vst v63  }
0x25: {  	_ = 	snop  }
0x26: {  	[tilespmem:s12], [sflag:$0x1] =	stream.indirect_vreg.gather [hbm4b:s2+s3], $0x80, v3, vm0, $0xb8;
	[tilespmem:$0x8100] =	vst v63  }
0x27: {  	v3 =	vld [tilespmem:$0x20];
	_ =	sdelay $0x4  }
0x28: {  	v50 =	vshll.u32 v3, $0x1  }
0x29: {  	v3 =	vand.u32 $0x7, v3;
	v4 =	vand.u32 $0xFFFFFFF0, v50  }
0x2a: {  	v3 =	vor.u32 v3, v4  }
0x2b: {  	v4 =	vperm.xlane v3, v0;
	_ =	sdelay $0x1  }
0x2c: {  	v3 =	vperm.xlane v3, v2;
	v4 =	vadd.s32 v1, v4;
	_ =	sdelay $0x1  }
0x2d: {  	v3 =	vadd.s32 v1, v3;
	_ =	sdelay $0x2  }
0x2e: {  	[tilespmem:s13], [sflag:$0x1] =	stream.indirect_vreg.gather [hbm4b:s2+s3], $0x80, v4, vm0, $0xb8;
	[tilespmem:$0x8100] =	vst v63  }
0x2f: {  	_ = 	snop  }
0x30: {  	[tilespmem:s14], [sflag:$0x1] =	stream.indirect_vreg.gather [hbm4b:s2+s3], $0x80, v3, vm0, $0xb8;
	[tilespmem:$0x8100] =	vst v63  }
0x31: {  	v3 =	vld [tilespmem:$0x30];
	_ =	sdelay $0x4  }
0x32: {  	v51 =	vshll.u32 v3, $0x1  }
0x33: {  	v3 =	vand.u32 $0x7, v3;
	v4 =	vand.u32 $0xFFFFFFF0, v51  }
0x34: {  	v3 =	vor.u32 v3, v4  }
0x35: {  	v4 =	vperm.xlane v3, v0;
	_ =	sdelay $0x1  }
0x36: {  	v3 =	vperm.xlane v3, v2;
	v4 =	vadd.s32 v1, v4;
	_ =	sdelay $0x1  }
0x37: {  	v3 =	vadd.s32 v1, v3;
	_ =	sdelay $0x2  }
0x38: {  	[tilespmem:s15], [sflag:$0x1] =	stream.indirect_vreg.gather [hbm4b:s2+s3], $0x80, v4, vm0, $0xb8;
	[tilespmem:$0x8100] =	vst v63  }
0x39: {  	_ = 	snop  }
0x3a: {  	[tilespmem:s16], [sflag:$0x1] =	stream.indirect_vreg.gather [hbm4b:s2+s3], $0x80, v3, vm0, $0xb8;
	[tilespmem:$0x8100] =	vst v63  }
0x3b: {  	v3 =	vld [tilespmem:$0x40];
	_ =	sdelay $0x4  }
0x3c: {  	v52 =	vshll.u32 v3, $0x1  }
0x3d: {  	v3 =	vand.u32 $0x7, v3;
	v4 =	vand.u32 $0xFFFFFFF0, v52  }
0x3e: {  	v3 =	vor.u32 v3, v4  }
0x3f: {  	v4 =	vperm.xlane v3, v0;
	_ =	sdelay $0x1  }
0x40: {  	v3 =	vperm.xlane v3, v2;
	v4 =	vadd.s32 v1, v4;
	_ =	sdelay $0x1  }
0x41: {  	v3 =	vadd.s32 v1, v3;
	_ =	sdelay $0x2  }
0x42: {  	[tilespmem:s17], [sflag:$0x1] =	stream.indirect_vreg.gather [hbm4b:s2+s3], $0x80, v4, vm0, $0xb8;
	[tilespmem:$0x8100] =	vst v63  }
0x43: {  	_ = 	snop  }
0x44: {  	[tilespmem:s18], [sflag:$0x1] =	stream.indirect_vreg.gather [hbm4b:s2+s3], $0x80, v3, vm0, $0xb8;
	[tilespmem:$0x8100] =	vst v63  }
0x45: {  	v3 =	vld [tilespmem:$0x50];
	_ =	sdelay $0x4  }
0x46: {  	v53 =	vshll.u32 v3, $0x1  }
0x47: {  	v3 =	vand.u32 $0x7, v3;
	v4 =	vand.u32 $0xFFFFFFF0, v53  }
0x48: {  	v3 =	vor.u32 v3, v4  }
0x49: {  	v4 =	vperm.xlane v3, v0;
	_ =	sdelay $0x1  }
0x4a: {  	v3 =	vperm.xlane v3, v2;
	v4 =	vadd.s32 v1, v4;
	_ =	sdelay $0x1  }
0x4b: {  	v3 =	vadd.s32 v1, v3;
	_ =	sdelay $0x2  }
0x4c: {  	[tilespmem:s19], [sflag:$0x1] =	stream.indirect_vreg.gather [hbm4b:s2+s3], $0x80, v4, vm0, $0xb8;
	[tilespmem:$0x8100] =	vst v63  }
0x4d: {  	_ = 	snop  }
0x4e: {  	[tilespmem:s20], [sflag:$0x1] =	stream.indirect_vreg.gather [hbm4b:s2+s3], $0x80, v3, vm0, $0xb8;
	[tilespmem:$0x8100] =	vst v63  }
0x4f: {  	v3 =	vld [tilespmem:$0x60];
	_ =	sdelay $0x4  }
0x50: {  	v54 =	vshll.u32 v3, $0x1  }
0x51: {  	v3 =	vand.u32 $0x7, v3;
	v4 =	vand.u32 $0xFFFFFFF0, v54  }
0x52: {  	v3 =	vor.u32 v3, v4  }
0x53: {  	v4 =	vperm.xlane v3, v0;
	_ =	sdelay $0x1  }
0x54: {  	v3 =	vperm.xlane v3, v2;
	v4 =	vadd.s32 v1, v4;
	_ =	sdelay $0x1  }
0x55: {  	v3 =	vadd.s32 v1, v3;
	_ =	sdelay $0x2  }
0x56: {  	[tilespmem:s21], [sflag:$0x1] =	stream.indirect_vreg.gather [hbm4b:s2+s3], $0x80, v4, vm0, $0xb8;
	[tilespmem:$0x8100] =	vst v63  }
0x57: {  	_ = 	snop  }
0x58: {  	[tilespmem:s22], [sflag:$0x1] =	stream.indirect_vreg.gather [hbm4b:s2+s3], $0x80, v3, vm0, $0xb8;
	[tilespmem:$0x8100] =	vst v63  }
0x59: {  	v3 =	vld [tilespmem:$0x70];
	_ =	sdelay $0x4  }
0x5a: {  	v55 =	vshll.u32 v3, $0x1  }
0x5b: {  	v3 =	vand.u32 $0x7, v3;
	v4 =	vand.u32 $0xFFFFFFF0, v55  }
0x5c: {  	v3 =	vor.u32 v3, v4  }
0x5d: {  	v4 =	vperm.xlane v3, v0;
	_ =	sdelay $0x1  }
0x5e: {  	v3 =	vperm.xlane v3, v2;
	v4 =	vadd.s32 v1, v4;
	_ =	sdelay $0x1  }
0x5f: {  	v3 =	vadd.s32 v1, v3;
	_ =	sdelay $0x2  }
0x60: {  	[tilespmem:s23], [sflag:$0x1] =	stream.indirect_vreg.gather [hbm4b:s2+s3], $0x80, v4, vm0, $0xb8;
	[tilespmem:$0x8100] =	vst v63  }
0x61: {  	_ = 	snop  }
0x62: {  	[tilespmem:s24], [sflag:$0x1] =	stream.indirect_vreg.gather [hbm4b:s2+s3], $0x80, v3, vm0, $0xb8;
	[tilespmem:$0x8100] =	vst v63  }
0x63: {  	_ =	swait.ge [sflag:s25], $0x8000  }
0x64: {  	[sflag:s25] =	ssyncset.done $0x0  }
0x65: {  	[sflag:s25] =	ssyncadd.s32 $0xFFFF8000  }
0x66: {  	[tilespmem:s26], [sflag:$0x2] =	stream.linear.gather [hbm4b:s6+s3], $0x80, $0x38;
	[tilespmem:$0x8100] =	vst v63  }
0x67: {  	_ =	swait.ge [sflag:s8], $0x80  }
0x68: {  	[sflag:s8] =	ssyncset.done $0x0  }
0x69: {  	[sflag:s8] =	ssyncadd.s32 $0xFFFFFF80  }
0x6a: {  	v3 =	vld [tilespmem:$0x80];
	_ =	sdelay $0x4  }
0x6b: {  	v56 =	vshll.u32 v3, $0x1  }
0x6c: {  	v3 =	vand.u32 $0x7, v3;
	v4 =	vand.u32 $0xFFFFFFF0, v56  }
0x6d: {  	v3 =	vor.u32 v3, v4  }
0x6e: {  	v4 =	vperm.xlane v3, v0;
	_ =	sdelay $0x1  }
0x6f: {  	v3 =	vperm.xlane v3, v2;
	v4 =	vadd.s32 v1, v4;
	_ =	sdelay $0x1  }
0x70: {  	v3 =	vadd.s32 v1, v3;
	_ =	sdelay $0x2  }
0x71: {  	[hbm4b:s4+s3] =	stream.indirect_vreg.scatter [tilespmem:s9], [sflag:$0x1], $0x80, v4, vm0, $0xb8;
	[tilespmem:$0x8100] =	vst v63  }
0x72: {  	_ = 	snop  }
0x73: {  	[hbm4b:s4+s3] =	stream.indirect_vreg.scatter [tilespmem:s10], [sflag:$0x1], $0x80, v3, vm0, $0xb8;
	[tilespmem:$0x8100] =	vst v63  }
0x74: {  	v3 =	vld [tilespmem:$0x90];
	_ =	sdelay $0x4  }
0x75: {  	v57 =	vshll.u32 v3, $0x1  }
0x76: {  	v3 =	vand.u32 $0x7, v3;
	v4 =	vand.u32 $0xFFFFFFF0, v57  }
0x77: {  	v3 =	vor.u32 v3, v4  }
0x78: {  	v4 =	vperm.xlane v3, v0;
	_ =	sdelay $0x1  }
0x79: {  	v3 =	vperm.xlane v3, v2;
	v4 =	vadd.s32 v1, v4;
	_ =	sdelay $0x1  }
0x7a: {  	v3 =	vadd.s32 v1, v3;
	_ =	sdelay $0x2  }
0x7b: {  	[hbm4b:s4+s3] =	stream.indirect_vreg.scatter [tilespmem:s11], [sflag:$0x1], $0x80, v4, vm0, $0xb8;
	[tilespmem:$0x8100] =	vst v63  }
0x7c: {  	_ = 	snop  }
0x7d: {  	[hbm4b:s4+s3] =	stream.indirect_vreg.scatter [tilespmem:s12], [sflag:$0x1], $0x80, v3, vm0, $0xb8;
	[tilespmem:$0x8100] =	vst v63  }
0x7e: {  	v3 =	vld [tilespmem:$0xA0];
	_ =	sdelay $0x4  }
0x7f: {  	v58 =	vshll.u32 v3, $0x1  }
0x80: {  	v3 =	vand.u32 $0x7, v3;
	v4 =	vand.u32 $0xFFFFFFF0, v58  }
0x81: {  	v3 =	vor.u32 v3, v4  }
0x82: {  	v4 =	vperm.xlane v3, v0;
	_ =	sdelay $0x1  }
0x83: {  	v3 =	vperm.xlane v3, v2;
	v4 =	vadd.s32 v1, v4;
	_ =	sdelay $0x1  }
0x84: {  	v3 =	vadd.s32 v1, v3;
	_ =	sdelay $0x2  }
0x85: {  	[hbm4b:s4+s3] =	stream.indirect_vreg.scatter [tilespmem:s13], [sflag:$0x1], $0x80, v4, vm0, $0xb8;
	[tilespmem:$0x8100] =	vst v63  }
0x86: {  	_ = 	snop  }
0x87: {  	[hbm4b:s4+s3] =	stream.indirect_vreg.scatter [tilespmem:s14], [sflag:$0x1], $0x80, v3, vm0, $0xb8;
	[tilespmem:$0x8100] =	vst v63  }
0x88: {  	v3 =	vld [tilespmem:$0xB0];
	_ =	sdelay $0x4  }
0x89: {  	v59 =	vshll.u32 v3, $0x1  }
0x8a: {  	v3 =	vand.u32 $0x7, v3;
	v4 =	vand.u32 $0xFFFFFFF0, v59  }
0x8b: {  	v3 =	vor.u32 v3, v4  }
0x8c: {  	v4 =	vperm.xlane v3, v0;
	_ =	sdelay $0x1  }
0x8d: {  	v3 =	vperm.xlane v3, v2;
	v4 =	vadd.s32 v1, v4;
	_ =	sdelay $0x1  }
0x8e: {  	v3 =	vadd.s32 v1, v3;
	_ =	sdelay $0x2  }
0x8f: {  	[hbm4b:s4+s3] =	stream.indirect_vreg.scatter [tilespmem:s15], [sflag:$0x1], $0x80, v4, vm0, $0xb8;
	[tilespmem:$0x8100] =	vst v63  }
0x90: {  	_ = 	snop  }
0x91: {  	[hbm4b:s4+s3] =	stream.indirect_vreg.scatter [tilespmem:s16], [sflag:$0x1], $0x80, v3, vm0, $0xb8;
	[tilespmem:$0x8100] =	vst v63  }
0x92: {  	v3 =	vld [tilespmem:$0xC0];
	_ =	sdelay $0x4  }
0x93: {  	v60 =	vshll.u32 v3, $0x1  }
0x94: {  	v3 =	vand.u32 $0x7, v3;
	v4 =	vand.u32 $0xFFFFFFF0, v60  }
0x95: {  	v3 =	vor.u32 v3, v4  }
0x96: {  	v4 =	vperm.xlane v3, v0;
	_ =	sdelay $0x1  }
0x97: {  	v3 =	vperm.xlane v3, v2;
	v4 =	vadd.s32 v1, v4;
	_ =	sdelay $0x1  }
0x98: {  	v3 =	vadd.s32 v1, v3;
	_ =	sdelay $0x2  }
0x99: {  	[hbm4b:s4+s3] =	stream.indirect_vreg.scatter [tilespmem:s17], [sflag:$0x1], $0x80, v4, vm0, $0xb8;
	[tilespmem:$0x8100] =	vst v63  }
0x9a: {  	_ = 	snop  }
0x9b: {  	[hbm4b:s4+s3] =	stream.indirect_vreg.scatter [tilespmem:s18], [sflag:$0x1], $0x80, v3, vm0, $0xb8;
	[tilespmem:$0x8100] =	vst v63  }
0x9c: {  	v3 =	vld [tilespmem:$0xD0];
	_ =	sdelay $0x4  }
0x9d: {  	v61 =	vshll.u32 v3, $0x1  }
0x9e: {  	v3 =	vand.u32 $0x7, v3;
	v4 =	vand.u32 $0xFFFFFFF0, v61  }
0x9f: {  	v3 =	vor.u32 v3, v4  }
0xa0: {  	v4 =	vperm.xlane v3, v0;
	_ =	sdelay $0x1  }
0xa1: {  	v3 =	vperm.xlane v3, v2;
	v4 =	vadd.s32 v1, v4;
	_ =	sdelay $0x1  }
0xa2: {  	v3 =	vadd.s32 v1, v3;
	_ =	sdelay $0x2  }
0xa3: {  	[hbm4b:s4+s3] =	stream.indirect_vreg.scatter [tilespmem:s19], [sflag:$0x1], $0x80, v4, vm0, $0xb8;
	[tilespmem:$0x8100] =	vst v63  }
0xa4: {  	_ = 	snop  }
0xa5: {  	[hbm4b:s4+s3] =	stream.indirect_vreg.scatter [tilespmem:s20], [sflag:$0x1], $0x80, v3, vm0, $0xb8;
	[tilespmem:$0x8100] =	vst v63  }
0xa6: {  	v3 =	vld [tilespmem:$0xE0];
	_ =	sdelay $0x4  }
0xa7: {  	v62 =	vshll.u32 v3, $0x1  }
0xa8: {  	v3 =	vand.u32 $0x7, v3;
	v4 =	vand.u32 $0xFFFFFFF0, v62  }
0xa9: {  	v3 =	vor.u32 v3, v4  }
0xaa: {  	v4 =	vperm.xlane v3, v0;
	_ =	sdelay $0x1  }
0xab: {  	v3 =	vperm.xlane v3, v2;
	v4 =	vadd.s32 v1, v4;
	_ =	sdelay $0x1  }
0xac: {  	v3 =	vadd.s32 v1, v3;
	_ =	sdelay $0x2  }
0xad: {  	[hbm4b:s4+s3] =	stream.indirect_vreg.scatter [tilespmem:s21], [sflag:$0x1], $0x80, v4, vm0, $0xb8;
	[tilespmem:$0x8100] =	vst v63  }
0xae: {  	_ = 	snop  }
0xaf: {  	[hbm4b:s4+s3] =	stream.indirect_vreg.scatter [tilespmem:s22], [sflag:$0x1], $0x80, v3, vm0, $0xb8;
	[tilespmem:$0x8100] =	vst v63  }
0xb0: {  	v3 =	vld [tilespmem:$0xF0];
	_ =	sdelay $0x4  }
0xb1: {  	v63 =	vshll.u32 v3, $0x1  }
0xb2: {  	v3 =	vand.u32 $0x7, v3;
	v4 =	vand.u32 $0xFFFFFFF0, v63  }
0xb3: {  	v3 =	vor.u32 v3, v4  }
0xb4: {  	v4 =	vperm.xlane v3, v0;
	_ =	sdelay $0x1  }
0xb5: {  	v3 =	vperm.xlane v3, v2;
	v4 =	vadd.s32 v1, v4;
	_ =	sdelay $0x1  }
0xb6: {  	v3 =	vadd.s32 v1, v3;
	_ =	sdelay $0x1  }
0xb7: {  	p0 =	sne.s32 s7, $0x1  }
0xb8: {  	[hbm4b:s4+s3] =	stream.indirect_vreg.scatter [tilespmem:s23], [sflag:$0x1], $0x80, v4, vm0, $0xb8;
	[tilespmem:$0x8100] =	vst v63  }
.Ltmp0:
0xb9: {  	_ = 	snop;
	(pc) =	sbr.rel @p0 .LBB2_1-.Ltmp0, $4  }
0xba: {  	[hbm4b:s4+s3] =	stream.indirect_vreg.scatter [tilespmem:s24], [sflag:$0x1], $0x80, v3, vm0, $0xb8;
	[tilespmem:$0x8100] =	vst v63  }
0xbb: {  	_ =	swait.ge [sflag:s25], $0x8000  }
0xbc: {  	[sflag:s25] =	ssyncset.done $0x0  }
0xbd: {  	s7 =	sadd.s32 $0xFFFFFFFF, s7;
	[sflag:s25] =	ssyncadd.s32 $0xFFFF8000  }
0xbe: {  	_ =	sfence.sel $0x180000  }
0xbf: {  	[bflag:$0x0] =	sbarrier.arrive $0xFFFF  }
0xc0: {  	p0 =	sne.s32 s1, $0x0;
	_ =	strace $0x90000047  }
0xc1: {  	s0 =	sadd.s32 @!p0 $0x100000, s0;
	[bflag:$0x2] =	sbarrier.arrive $0xFFFF  }
0xc2: {  	[sflag:s0] =	ssyncadd.tile.s32 @!p0 $0x1;
	_ =	shalt  }
.Lfunc_end2:
_tile_overlayer_lowered:
.L_overlay_start_2:
0xc3: {  	(tag) =	ssettag $0x2  }
0xc4: {  	s0 =	rddreg [dreg:$0x0];
	s2 =	stileid.u32  }
0xc5: {  	s1 =	rddreg [dreg:$0x1];
	p0 =	sne.s32 s2, $0x0  }
0xc6: {  	s3 =	rddreg [dreg:$0x2];
	[bflag:$0x3] =	sbarrier.arrive $0xFFFF;
	s2 =	simm.s32 @!p0 $0x1C02  }
0xc7: {  	[timem:s3], [sflag:s2] =	dma.local @!p0 [hbm:s0], s1  }
0xc8: {  	s0 =	simm.s32 @!p0 $0x2  }
0xc9: {  	_ =	swait.ge @!p0 [sflag:s0], s1  }
0xca: {  	s1 =	ssub.s32 @!p0 $0x0, s1;
	[sflag:s0] =	ssyncset.done @!p0 $0x0  }
0xcb: {  	[sflag:s0] =	ssyncadd.s32 @!p0 s1  }
0xcc: {  	[bflag:$0x3] =	sbarrier.arrive $0xFFFF  }
0xcd: {  	_ =	shalt  }

// kernel: kernel.9.cloned.1.call-start
scs
__scs_entry_jumppad:
0x0: {  	(pc) =	sbr.rel $0x88, $3  }
0x1: {  	(tag) =	ssettag $0x0;
	lr =	simm.s32 $0x1  }
0x2: {  	[smem:$0x3F91] =	sst lr;
	_ =	strace $0xD0000000  }
0x3: {  	_ = 	snop  }
0x4: {  	_ = 	snop  }
0x5: {  	_ = 	snop  }
0x6: {  	_ = 	snop  }
0x7: {  	_ = 	snop  }
__scs_overlays_trampoline_lowered:
0x8: {  	[smem:$0x3FA0] =	sst s0  }
0x9: {  	[smem:$0x3FA1] =	sst s1  }
0xa: {  	[smem:$0x3FA2] =	sst s2  }
0xb: {  	[smem:$0x3FA3] =	sst s3  }
0xc: {  	[smem:$0x3FA4] =	sst s4  }
0xd: {  	[smem:$0x3FA5] =	sst s5  }
0xe: {  	[smem:$0x3FA6] =	sst s6  }
0xf: {  	[smem:$0x3FA7] =	sst s7  }
0x10: {  	[smem:$0x3FA8] =	sst s8  }
0x11: {  	[smem:$0x3FA9] =	sst s9;
	s0 =	simm.s32 @!p0 $0x0  }
0x12: {  	s1 =	sld [smem:$0x3F8F];
	s0 =	simm.s32 @p0 $0x1  }
0x13: {  	[smem:$0x3FAA] =	sst s0;
	s0 =	simm.s32 @!p1 $0x0  }
0x14: {  	s2 =	sld [smem:$0x3F8E];
	s0 =	simm.s32 @p1 $0x1  }
0x15: {  	[smem:$0x3FAB] =	sst s0;
	s0 =	simm.s32 @!p2 $0x0  }
0x16: {  	s3 =	sld [smem:$0x3FDB];
	s0 =	simm.s32 @p2 $0x1  }
0x17: {  	s4 =	simm.s32 $0x1BF5;
	[smem:$0x3FAD] =	sst s0  }
0x18: {  	s0 =	sld [smem:$0x3F90];
	_ =	swait.ge [sflag:s4], $0x0  }
0x19: {  	s7 =	sld [smem:$0x3F91]  }
0x1a: {  	s8 =	sadd.s32 $0xFFFFE003, lr  }
0x1b: {  	s9 =	sadd.s32 $0xFFFFFEF7, lr;
	s5 =	simm.s32 $0xFFFFFFFF;
	p2 =	slt.u32 s8, $0xFFFFF086  }
0x1c: {  	p1 =	slt.u32 s9, $0xF7A;
	s5 =	simm.s32 @!p2 $0x0  }
0x1d: {  	s5 =	simm.s32 @p1 $0x1;
	p0 =	seq.s32 s7, s2  }
0x1e: {  	s7 =	smul.u32 @!p0 $0xF7A, s2;
	p2 =	seq.s32 @!p0 s5, $0x0  }
0x1f: {  	s9 =	smul.u32 $0xF7A, s1;
	s8 =	simm.s32 @!p0 $0x1BF5;
	p2 =	por !p2, p0  }
0x20: {  	[sflag:s8] =	ssyncset.s32 @!p0 $0xFFFFF086;
	s6 =	sadd.s32 @!p0 s3, s7;
	s7 =	simm.s32 @!p0 $0x108  }
0x21: {  	s3 =	sadd.s32 s3, s9;
	s6 =	sadd.s32 @!p0 $0x88, s6;
	s7 =	simm.s32 @p2 $0x1082  }
0x22: {  	[simem:s7], [sflag:s8] =	dma.local @!p0 [hbm:s6], $0xF7A  }
0x23: {  	s9 =	sor.u32 $0xD0000000, s2;
	s6 =	simm.s32 $0x108;
	_ =	swait.ge @!p0 [sflag:s8], $0x0  }
0x24: {  	s3 =	sadd.s32 $0x88, s3;
	s6 =	simm.s32 @!p1 $0x1082;
	[sflag:s4] =	ssyncset.s32 $0xFFFFF086  }
0x25: {  	[simem:s6], [sflag:s4] =	dma.local [hbm:s3], $0xF7A  }
0x26: {  	[smem:$0x3F91] =	sst s1;
	(tag) =	ssettag s2;
	_ =	strace s9  }
0x27: {  	s1 =	sld [smem:$0x3FA1]  }
0x28: {  	s2 =	sld [smem:$0x3FA2]  }
0x29: {  	s4 =	sld [smem:$0x3FA4]  }
0x2a: {  	p0 =	seq.s32 s5, $0x0;
	s5 =	sld [smem:$0x3FA5]  }
0x2b: {  	s6 =	sld [smem:$0x3FA6]  }
0x2c: {  	s7 =	sld [smem:$0x3FA7]  }
0x2d: {  	s3 =	simm.s32 $0x108;
	s8 =	sld [smem:$0x3FA8]  }
0x2e: {  	s3 =	simm.s32 @!p0 $0x1082;
	s9 =	sld [smem:$0x3FA9]  }
0x2f: {  	lr =	sadd.s32 s0, s3;
	s0 =	sld [smem:$0x3FA0]  }
0x30: {  	s3 =	sld [smem:$0x3FA3]  }
0x31: {  	[smem:$0x3FAC] =	sst s10  }
0x32: {  	s10 =	sld [smem:$0x3FAA];
	_ =	sdelay $0x3  }
0x33: {  	p0 =	seq.s32 s10, $0x1;
	s10 =	sld [smem:$0x3FAC];
	_ =	sdelay $0x3  }
0x34: {  	[smem:$0x3FAC] =	sst s10  }
0x35: {  	s10 =	sld [smem:$0x3FAB];
	_ =	sdelay $0x3  }
0x36: {  	p1 =	seq.s32 s10, $0x1;
	s10 =	sld [smem:$0x3FAC];
	_ =	sdelay $0x3  }
0x37: {  	[smem:$0x3FAC] =	sst s10  }
0x38: {  	s10 =	sld [smem:$0x3FAD]  }
0x39: {  	_ = 	snop;
	(pc) =	sbr.ind lr, $3  }
0x3a: {  	_ = 	snop  }
0x3b: {  	_ = 	snop  }
0x3c: {  	p2 =	seq.s32 s10, $0x1;
	s10 =	sld [smem:$0x3FAC]  }
0x3d: {  	_ =	shalt  }
0x3e: {  	_ =	shalt  }
0x3f: {  	_ =	shalt  }
0x40: {  	_ =	shalt  }
0x41: {  	_ =	shalt  }
0x42: {  	_ =	shalt  }
0x43: {  	_ =	shalt  }
0x44: {  	_ =	shalt  }
0x45: {  	_ =	shalt  }
0x46: {  	_ =	shalt  }
0x47: {  	_ =	shalt  }
0x48: {  	_ =	shalt  }
0x49: {  	_ =	shalt  }
0x4a: {  	_ =	shalt  }
0x4b: {  	_ =	shalt  }
0x4c: {  	_ =	shalt  }
0x4d: {  	_ =	shalt  }
0x4e: {  	_ =	shalt  }
0x4f: {  	_ =	shalt  }
0x50: {  	_ =	shalt  }
0x51: {  	_ =	shalt  }
0x52: {  	_ =	shalt  }
0x53: {  	_ =	shalt  }
0x54: {  	_ =	shalt  }
0x55: {  	_ =	shalt  }
0x56: {  	_ =	shalt  }
0x57: {  	_ =	shalt  }
0x58: {  	_ =	shalt  }
0x59: {  	_ =	shalt  }
0x5a: {  	_ =	shalt  }
0x5b: {  	_ =	shalt  }
0x5c: {  	_ =	shalt  }
0x5d: {  	_ =	shalt  }
0x5e: {  	_ =	shalt  }
0x5f: {  	_ =	shalt  }
0x60: {  	_ =	shalt  }
0x61: {  	_ =	shalt  }
0x62: {  	_ =	shalt  }
0x63: {  	_ =	shalt  }
0x64: {  	_ =	shalt  }
0x65: {  	_ =	shalt  }
0x66: {  	_ =	shalt  }
0x67: {  	_ =	shalt  }
0x68: {  	_ =	shalt  }
0x69: {  	_ =	shalt  }
0x6a: {  	_ =	shalt  }
0x6b: {  	_ =	shalt  }
0x6c: {  	_ =	shalt  }
0x6d: {  	_ =	shalt  }
0x6e: {  	_ =	shalt  }
0x6f: {  	_ =	shalt  }
0x70: {  	_ =	shalt  }
0x71: {  	_ =	shalt  }
0x72: {  	_ =	shalt  }
0x73: {  	_ =	shalt  }
0x74: {  	_ =	shalt  }
0x75: {  	_ =	shalt  }
0x76: {  	_ =	shalt  }
0x77: {  	_ =	shalt  }
0x78: {  	_ =	shalt  }
0x79: {  	_ =	shalt  }
0x7a: {  	_ =	shalt  }
0x7b: {  	_ =	shalt  }
0x7c: {  	_ =	shalt  }
0x7d: {  	_ =	shalt  }
0x7e: {  	_ =	shalt  }
0x7f: {  	_ =	shalt  }
0x80: {  	_ =	shalt  }
0x81: {  	_ =	shalt  }
0x82: {  	_ =	shalt  }
0x83: {  	_ =	shalt  }
0x84: {  	_ =	shalt  }
0x85: {  	_ =	shalt  }
0x86: {  	_ =	shalt  }
0x87: {  	_ =	shalt  }
.Lfunc_end0:
.L_simem_size_0:
called_computation.1_lowered:
.L_overlay_start_0:
0x88: {  	s2 =	sld [smem:$0x3FD9]  }
0x89: {  	s3 =	sld [smem:$0x3FFE];
	_ =	sdelay $0x1  }
0x8a: {  	s1 =	srdreg.scid  }
0x8b: {  	s0 =	sand.u32 $0x1, s1  }
0x8c: {  	s14 =	sshll.u32 s0, $0xA;
	s2 =	sadd.s32 s3, s2  }
0x8d: {  	s2 =	sadd.s32 s2, s14  }
0x8e: {  	[smem:$0x3FB8] =	sst s2  }
0x8f: {  	_ = 	snop  }
0x90: {  	s2 =	sld [smem:$0x3FD0];
	_ =	sdelay $0x2  }
0x91: {  	s15 =	simm.s32 $0xA;
	s4 =	simm.s32 $0x10  }
0x92: {  	[smem:s4], [sflag:s15] =	dma.local [hbm:s2], $0x1  }
0x93: {  	_ =	swait.eq [sflag:s15], $0x1  }
0x94: {  	[sflag:s15] =	ssyncset.done $0x0  }
0x95: {  	[sflag:s15] =	ssyncadd.s32 $0xFFFFFFFF  }
0x96: {  	s16 =	sld [smem:$0x10];
	(tm) =	ssettm $0x1  }
0x97: {  	s17 =	sld [smem:$0x3FFB];
	_ =	sdelay $0x3  }
0x98: {  	_ =	strace s17  }
0x99: {  	s3 =	sld [smem:$0x3FFC];
	_ =	sdelay $0x3  }
0x9a: {  	_ =	strace s3  }
0x9b: {  	s3 =	sld [smem:$0x3FFD];
	_ =	sdelay $0x3  }
0x9c: {  	_ =	strace s3  }
0x9d: {  	_ =	strace $0x8FFFFFFF  }
0x9e: {  	s18 =	sld [smem:$0x3FDB];
	_ =	sdelay $0x1  }
0x9f: {  	s19 =	simm.s32 $_scs_section_size  }
0xa0: {  	s5 =	simm.s32 $_size__tile_overlayer_lowered;
	s6 =	simm.s32 $_tile_overlayer_lowered  }
0xa1: {  	s22 =	simm.s32 $0x1BFF;
	s21 =	sshll.u32 s6, $0x1;
	s3 =	sadd.s32 s19, s18  }
0xa2: {  	s7 =	simm.s32 $0x0;
	s20 =	sshll.u32 s5, $0x1;
	s5 =	sadd.s32 s21, s3  }
0xa3: {  	[timem:s7], [sflag:s22] =	dma.local [hbm:s5], s20  }
0xa4: {  	_ =	swait.ge [sflag:s22], s20  }
0xa5: {  	s4 =	ssub.s32 $0x0, s20;
	[sflag:s22] =	ssyncset.done $0x0  }
0xa6: {  	[sflag:s22] =	ssyncadd.s32 s4;
	_ =	sdelay $0x1  }
0xa7: {  	s23 =	simm.s32 $0x1B8B  }
0xa8: {  	_ =	swait.ge [sflag:s23], $0x1  }
0xa9: {  	[sflag:s23] =	ssyncset.done $0x0  }
0xaa: {  	s25 =	simm.s32 $0x1B8E;
	s24 =	sld [smem:$0x3FFE];
	[sflag:s23] =	ssyncadd.s32 $0xFFFFFFFF  }
0xab: {  	s26 =	simm.s32 $execute0_lowered;
	[smem:$0x3FD2] =	sst s25  }
0xac: {  	s5 =	sshll.u32 s26, $0x1;
	_ =	strace $0x80000049;
	[dreg:$0x1] =	wrdreg $0xFFFFFFFF  }
0xad: {  	s28 =	simm.s32 $_size_execute0_lowered;
	s3 =	sadd.s32 s3, s5;
	[dreg:$0x0] =	wrdreg $0x0  }
0xae: {  	s5 =	sshll.u32 s28, $0x1;
	[dreg:$0x2] =	wrdreg s3  }
0xaf: {  	[dreg:$0x3] =	wrdreg s5  }
0xb0: {  	[dreg:$0x4] =	wrdreg $0xC0  }
0xb1: {  	_ =	task [dreg:s7], $0x5FFFF  }
0xb2: {  	[dreg:$0x1] =	wrdreg $0xFFFFFFFF  }
0xb3: {  	[dreg:$0x0] =	wrdreg $0x60  }
0xb4: {  	[dreg:$0x2] =	wrdreg s24  }
0xb5: {  	[dreg:$0x3] =	wrdreg s16  }
0xb6: {  	[dreg:$0x4] =	wrdreg $0x9  }
0xb7: {  	_ =	task.clear_ibuf [dreg:s7], $0x5FFFF;
	_ =	strace $0x90000049  }
0xb8: {  	s29 =	simm.s32 $0x9;
	_ =	strace $0x8000004B  }
0xb9: {  	_ =	swait.ge [sflag:s29], $0x1  }
0xba: {  	[sflag:s29] =	ssyncadd.s32 $0xFFFFFFFF  }
0xbb: {  	_ =	strace $0x9000004B  }
0xbc: {  	_ =	sfence  }
0xbd: {  	s30 =	sld [smem:$0x0];
	_ =	sdelay $0x2  }
0xbe: {  	s31 =	sshll.u32 s1, $0xD;
	s1 =	sshrl.u32 s1, $0x2  }
0xbf: {  	s3 =	sand.u32 $0x4000, s31;
	s1 =	sadd.s32 s1, s30  }
0xc0: {  	s0 =	sor.u32 s3, s0;
	s1 =	sshll.u32 s1, $0x11  }
0xc1: {  	s0 =	sor.u32 s1, s0  }
0xc2: {  	s0 =	sadd.s32 $0x8F2B, s0  }
0xc3: {  	[sflag:s0] =	ssyncadd.remote.s32 $0x1  }
0xc4: {  	_ =	sfence.sel $0xFFFF  }
0xc5: {  	[dreg:$0x0] =	wrdreg $0xFFFFFFFF;
	(pc) =	sbr.abs _section_cstart, $3  }
0xc6: {  	[dreg:$0x1] =	wrdreg $0xFFFFFFFF  }
0xc7: {  	_ =	task.clear_ibuf [dreg:s7], $0x2FFFF;
	_ =	strace $0x9FFFFFFF  }
0xc8: {  	(tm) =	ssettm $0x7FFFFFFF  }
0xc9: {  	_ =	shalt  }
tec
execute0_lowered:
.L_overlay_start_1:
0x0: {  	(tag) =	ssettag $0x1  }
0x1: {  	s0 =	rddreg [dreg:$0x0]  }
0x2: {  	s1 =	rddreg [dreg:$0x1];
	s2 =	srdreg.scid  }
0x3: {  	s4 =	stileid.u32;
	s8 =	simm.s32 $0x2;
	s10 =	simm.s32 $0x100  }
0x4: {  	s11 =	simm.s32 $0x900;
	s12 =	simm.s32 $0x1100;
	s13 =	simm.s32 $0x1900  }
0x5: {  	s14 =	simm.s32 $0x2100;
	s15 =	simm.s32 $0x2900;
	s16 =	simm.s32 $0x3100  }
0x6: {  	s17 =	simm.s32 $0x3900;
	s18 =	simm.s32 $0x1;
	s19 =	simm.s32 $0x4100  }
0x7: {  	s20 =	simm.s32 $0x4900;
	s21 =	simm.s32 $0x5100;
	s22 =	simm.s32 $0x5900  }
0x8: {  	s23 =	simm.s32 $0x6100;
	s24 =	simm.s32 $0x6900;
	s25 =	simm.s32 $0x7100  }
0x9: {  	s26 =	simm.s32 $0x7900;
	s28 =	simm.s32 $0x8100;
	s29 =	simm.s32 $0x0  }
0xa: {  	s3 =	sand.u32 $0x1, s2;
	s2 =	simm.s32 $0x0;
	s4 =	sshll.u32 s4, $0x7  }
0xb: {  	s5 =	sshll.u32 s3, $0x6;
	[smem:$0x7FF] =	sst s2;
	s6 =	ssub.s32 $0x2, s3  }
0xc: {  	s3 =	sadd.s32 $0x1E00, s0;
	s5 =	sor.u32 s5, s4;
	_ =	strace $0x8000004A  }
0xd: {  	v2 =	vlaneseq.u32;
	s30 =	sshrl.u32 s6, $0x1;
	s4 =	sshrl.u32 s5, $0x3;
	s31 =	sshll.u32 s5, $0x5  }
0xe: {  	vm0 =	vmmov $0xffff;
	v1 =	vshrl.u32 v2, $0x3;
	s7 =	ssub.s32 s6, s30;
	s0 =	sadd.s32 s4, s0;
	s6 =	sadd.s32 s1, s31  }
0xf: {  	v0 =	vand.u32 $0x7, v2;
	v2 =	vor.u32 $0x8, v2;
	v1 =	vmul.u32 $0x8, v1;
	s7 =	smax.u32 s7, $0x1;
	s4 =	sadd.s32 $0x23400, s0;
	s5 =	sadd.s32 $0x23200, s0  }
.LBB2_1:
0x10: {  	[tilespmem:s2], [sflag:$0x2] =	stream.linear.gather [hbm4b:s4+s2], $0x40, $0x38;
	[tilespmem:$0xC100] =	vst v63  }
0x11: {  	_ =	swait.ge [sflag:s8], $0x40  }
0x12: {  	[sflag:s8] =	ssyncset.done $0x0  }
0x13: {  	s0 =	simm.s32 $0x80;
	[sflag:s8] =	ssyncadd.s32 $0xFFFFFFC0  }
0x14: {  	[tilespmem:s0], [sflag:$0x2] =	stream.linear.gather [hbm4b:s5+s2], $0x40, $0x38;
	[tilespmem:$0xC100] =	vst v63  }
0x15: {  	_ =	swait.ge [sflag:s8], $0x40  }
0x16: {  	[sflag:s8] =	ssyncset.done $0x0  }
0x17: {  	[sflag:s8] =	ssyncadd.s32 $0xFFFFFFC0  }
0x18: {  	v3 =	vld [tilespmem:$0x0];
	_ =	sdelay $0x4  }
0x19: {  	v4 =	vshll.u32 v3, $0x1  }
0x1a: {  	v3 =	vand.u32 $0x7, v3;
	v4 =	vand.u32 $0xFFFFFFF0, v4  }
0x1b: {  	v3 =	vor.u32 v3, v4  }
0x1c: {  	v4 =	vperm.xlane v3, v0;
	_ =	sdelay $0x1  }
0x1d: {  	v3 =	vperm.xlane v3, v2;
	v4 =	vadd.s32 v1, v4;
	_ =	sdelay $0x1  }
0x1e: {  	v3 =	vadd.s32 v1, v3;
	_ =	sdelay $0x2  }
0x1f: {  	[tilespmem:s10], [sflag:$0x1] =	stream.indirect_vreg.gather [hbm4b:s3+s2], $0x80, v4, vm0, $0xb8;
	[tilespmem:$0xC100] =	vst v63  }
0x20: {  	_ = 	snop  }
0x21: {  	[tilespmem:s11], [sflag:$0x1] =	stream.indirect_vreg.gather [hbm4b:s3+s2], $0x80, v3, vm0, $0xb8;
	[tilespmem:$0xC100] =	vst v63  }
0x22: {  	v3 =	vld [tilespmem:$0x10];
	_ =	sdelay $0x4  }
0x23: {  	v4 =	vshll.u32 v3, $0x1  }
0x24: {  	v3 =	vand.u32 $0x7, v3;
	v4 =	vand.u32 $0xFFFFFFF0, v4  }
0x25: {  	v3 =	vor.u32 v3, v4  }
0x26: {  	v4 =	vperm.xlane v3, v0;
	_ =	sdelay $0x1  }
0x27: {  	v3 =	vperm.xlane v3, v2;
	v4 =	vadd.s32 v1, v4;
	_ =	sdelay $0x1  }
0x28: {  	v3 =	vadd.s32 v1, v3;
	_ =	sdelay $0x2  }
0x29: {  	[tilespmem:s12], [sflag:$0x1] =	stream.indirect_vreg.gather [hbm4b:s3+s2], $0x80, v4, vm0, $0xb8;
	[tilespmem:$0xC100] =	vst v63  }
0x2a: {  	_ = 	snop  }
0x2b: {  	[tilespmem:s13], [sflag:$0x1] =	stream.indirect_vreg.gather [hbm4b:s3+s2], $0x80, v3, vm0, $0xb8;
	[tilespmem:$0xC100] =	vst v63  }
0x2c: {  	v3 =	vld [tilespmem:$0x20];
	_ =	sdelay $0x4  }
0x2d: {  	v4 =	vshll.u32 v3, $0x1  }
0x2e: {  	v3 =	vand.u32 $0x7, v3;
	v4 =	vand.u32 $0xFFFFFFF0, v4  }
0x2f: {  	v3 =	vor.u32 v3, v4  }
0x30: {  	v4 =	vperm.xlane v3, v0;
	_ =	sdelay $0x1  }
0x31: {  	v3 =	vperm.xlane v3, v2;
	v4 =	vadd.s32 v1, v4;
	_ =	sdelay $0x1  }
0x32: {  	v3 =	vadd.s32 v1, v3;
	_ =	sdelay $0x2  }
0x33: {  	[tilespmem:s14], [sflag:$0x1] =	stream.indirect_vreg.gather [hbm4b:s3+s2], $0x80, v4, vm0, $0xb8;
	[tilespmem:$0xC100] =	vst v63  }
0x34: {  	_ = 	snop  }
0x35: {  	[tilespmem:s15], [sflag:$0x1] =	stream.indirect_vreg.gather [hbm4b:s3+s2], $0x80, v3, vm0, $0xb8;
	[tilespmem:$0xC100] =	vst v63  }
0x36: {  	v3 =	vld [tilespmem:$0x30];
	_ =	sdelay $0x4  }
0x37: {  	v4 =	vshll.u32 v3, $0x1  }
0x38: {  	v3 =	vand.u32 $0x7, v3;
	v4 =	vand.u32 $0xFFFFFFF0, v4  }
0x39: {  	v3 =	vor.u32 v3, v4  }
0x3a: {  	v4 =	vperm.xlane v3, v0;
	_ =	sdelay $0x1  }
0x3b: {  	v3 =	vperm.xlane v3, v2;
	v4 =	vadd.s32 v1, v4;
	_ =	sdelay $0x1  }
0x3c: {  	v3 =	vadd.s32 v1, v3;
	_ =	sdelay $0x2  }
0x3d: {  	[tilespmem:s16], [sflag:$0x1] =	stream.indirect_vreg.gather [hbm4b:s3+s2], $0x80, v4, vm0, $0xb8;
	[tilespmem:$0xC100] =	vst v63  }
0x3e: {  	_ = 	snop  }
0x3f: {  	[tilespmem:s17], [sflag:$0x1] =	stream.indirect_vreg.gather [hbm4b:s3+s2], $0x80, v3, vm0, $0xb8;
	[tilespmem:$0xC100] =	vst v63  }
0x40: {  	_ =	swait.ge [sflag:s18], $0x4000  }
0x41: {  	[sflag:s18] =	ssyncset.done $0x0  }
0x42: {  	[sflag:s18] =	ssyncadd.s32 $0xFFFFC000  }
0x43: {  	v3 =	vld [tilespmem:$0x80];
	_ =	sdelay $0x4  }
0x44: {  	v4 =	vshll.u32 v3, $0x1  }
0x45: {  	v3 =	vand.u32 $0x7, v3;
	v4 =	vand.u32 $0xFFFFFFF0, v4  }
0x46: {  	v3 =	vor.u32 v3, v4  }
0x47: {  	v4 =	vperm.xlane v3, v0;
	_ =	sdelay $0x1  }
0x48: {  	v3 =	vperm.xlane v3, v2;
	v4 =	vadd.s32 v1, v4;
	_ =	sdelay $0x1  }
0x49: {  	v3 =	vadd.s32 v1, v3;
	_ =	sdelay $0x2  }
0x4a: {  	[tilespmem:s19], [sflag:$0x1] =	stream.indirect_vreg.gather [hbm4b:s3+s2], $0x80, v4, vm0, $0xb8;
	[tilespmem:$0xC100] =	vst v63  }
0x4b: {  	_ = 	snop  }
0x4c: {  	[tilespmem:s20], [sflag:$0x1] =	stream.indirect_vreg.gather [hbm4b:s3+s2], $0x80, v3, vm0, $0xb8;
	[tilespmem:$0xC100] =	vst v63  }
0x4d: {  	v3 =	vld [tilespmem:$0x90];
	_ =	sdelay $0x4  }
0x4e: {  	v4 =	vshll.u32 v3, $0x1  }
0x4f: {  	v3 =	vand.u32 $0x7, v3;
	v4 =	vand.u32 $0xFFFFFFF0, v4  }
0x50: {  	v3 =	vor.u32 v3, v4  }
0x51: {  	v4 =	vperm.xlane v3, v0;
	_ =	sdelay $0x1  }
0x52: {  	v3 =	vperm.xlane v3, v2;
	v4 =	vadd.s32 v1, v4;
	_ =	sdelay $0x1  }
0x53: {  	v3 =	vadd.s32 v1, v3;
	_ =	sdelay $0x2  }
0x54: {  	[tilespmem:s21], [sflag:$0x1] =	stream.indirect_vreg.gather [hbm4b:s3+s2], $0x80, v4, vm0, $0xb8;
	[tilespmem:$0xC100] =	vst v63  }
0x55: {  	_ = 	snop  }
0x56: {  	[tilespmem:s22], [sflag:$0x1] =	stream.indirect_vreg.gather [hbm4b:s3+s2], $0x80, v3, vm0, $0xb8;
	[tilespmem:$0xC100] =	vst v63  }
0x57: {  	v3 =	vld [tilespmem:$0xA0];
	_ =	sdelay $0x4  }
0x58: {  	v4 =	vshll.u32 v3, $0x1  }
0x59: {  	v3 =	vand.u32 $0x7, v3;
	v4 =	vand.u32 $0xFFFFFFF0, v4  }
0x5a: {  	v3 =	vor.u32 v3, v4  }
0x5b: {  	v4 =	vperm.xlane v3, v0;
	_ =	sdelay $0x1  }
0x5c: {  	v3 =	vperm.xlane v3, v2;
	v4 =	vadd.s32 v1, v4;
	_ =	sdelay $0x1  }
0x5d: {  	v3 =	vadd.s32 v1, v3;
	_ =	sdelay $0x2  }
0x5e: {  	[tilespmem:s23], [sflag:$0x1] =	stream.indirect_vreg.gather [hbm4b:s3+s2], $0x80, v4, vm0, $0xb8;
	[tilespmem:$0xC100] =	vst v63  }
0x5f: {  	_ = 	snop  }
0x60: {  	[tilespmem:s24], [sflag:$0x1] =	stream.indirect_vreg.gather [hbm4b:s3+s2], $0x80, v3, vm0, $0xb8;
	[tilespmem:$0xC100] =	vst v63  }
0x61: {  	v3 =	vld [tilespmem:$0xB0];
	_ =	sdelay $0x4  }
0x62: {  	v4 =	vshll.u32 v3, $0x1  }
0x63: {  	v3 =	vand.u32 $0x7, v3;
	v4 =	vand.u32 $0xFFFFFFF0, v4  }
0x64: {  	v3 =	vor.u32 v3, v4  }
0x65: {  	v4 =	vperm.xlane v3, v0;
	_ =	sdelay $0x1  }
0x66: {  	v3 =	vperm.xlane v3, v2;
	v4 =	vadd.s32 v1, v4;
	_ =	sdelay $0x1  }
0x67: {  	v3 =	vadd.s32 v1, v3;
	_ =	sdelay $0x2  }
0x68: {  	[tilespmem:s25], [sflag:$0x1] =	stream.indirect_vreg.gather [hbm4b:s3+s2], $0x80, v4, vm0, $0xb8;
	[tilespmem:$0xC100] =	vst v63  }
0x69: {  	_ = 	snop  }
0x6a: {  	[tilespmem:s26], [sflag:$0x1] =	stream.indirect_vreg.gather [hbm4b:s3+s2], $0x80, v3, vm0, $0xb8;
	[tilespmem:$0xC100] =	vst v63  }
0x6b: {  	_ =	swait.ge [sflag:s18], $0x4000  }
0x6c: {  	s9 =	sand.u32 $0x3800, s2;
	s1 =	sand.u32 $0x380, s2;
	[sflag:s18] =	ssyncset.done $0x0  }
0x6d: {  	s30 =	sor.u32 s1, s9;
	[sflag:s18] =	ssyncadd.s32 $0xFFFFC000  }
0x6e: {  	v3 =	vld [tilespmem:s30+$0x570]  }
0x6f: {  	v4 =	vld [tilespmem:s30+$0x4570]  }
0x70: {  	v5 =	vld [tilespmem:s30+$0x100]  }
0x71: {  	v6 =	vld [tilespmem:s30+$0x4100]  }
0x72: {  	v7 =	vld [tilespmem:s30+$0x110]  }
0x73: {  	v8 =	vld [tilespmem:s30+$0x4110]  }
0x74: {  	v9 =	vld [tilespmem:s30+$0x120]  }
0x75: {  	v10 =	vld [tilespmem:s30+$0x130];
	v3 =	vadd.f32 v4, v3  }
0x76: {  	v4 =	vld [tilespmem:s30+$0x4120]  }
0x77: {  	v5 =	vadd.f32 v6, v5;
	[tilespmem:s30+$0x8570] =	vst v3;
	v3 =	vld [tilespmem:s30+$0x4130]  }
0x78: {  	v6 =	vld [tilespmem:s30+$0x140]  }
0x79: {  	[tilespmem:s30+$0x8100] =	vst v5;
	v5 =	vadd.f32 v8, v7;
	v7 =	vld [tilespmem:s30+$0x4140]  }
0x7a: {  	v8 =	vld [tilespmem:s30+$0x4150]  }
0x7b: {  	[tilespmem:s30+$0x8110] =	vst v5;
	v5 =	vld [tilespmem:s30+$0x150];
	v4 =	vadd.f32 v4, v9  }
0x7c: {  	v9 =	vld [tilespmem:s30+$0x4160];
	v3 =	vadd.f32 v3, v10  }
0x7d: {  	[tilespmem:s30+$0x8120] =	vst v4;
	v4 =	vld [tilespmem:s30+$0x160]  }
0x7e: {  	[tilespmem:s30+$0x8130] =	vst v3;
	v3 =	vadd.f32 v7, v6;
	v6 =	vld [tilespmem:s30+$0x170]  }
0x7f: {  	v7 =	vld [tilespmem:s30+$0x4170]  }
0x80: {  	[tilespmem:s30+$0x8140] =	vst v3;
	v3 =	vadd.f32 v8, v5;
	v5 =	vld [tilespmem:s30+$0x500]  }
0x81: {  	v8 =	vld [tilespmem:s30+$0x4500]  }
0x82: {  	[tilespmem:s30+$0x8150] =	vst v3;
	v3 =	vadd.f32 v9, v4;
	v4 =	vld [tilespmem:s30+$0x510]  }
0x83: {  	v9 =	vld [tilespmem:s30+$0x4510]  }
0x84: {  	[tilespmem:s30+$0x8160] =	vst v3;
	v3 =	vadd.f32 v7, v6;
	v6 =	vld [tilespmem:s30+$0x520]  }
0x85: {  	v7 =	vld [tilespmem:s30+$0x4520]  }
0x86: {  	v10 =	vld [tilespmem:s30+$0x4530]  }
0x87: {  	[tilespmem:s30+$0x8170] =	vst v3;
	v3 =	vadd.f32 v8, v5;
	v8 =	vld [tilespmem:s30+$0x530]  }
0x88: {  	v5 =	vld [tilespmem:s30+$0x4540];
	v4 =	vadd.f32 v9, v4  }
0x89: {  	[tilespmem:s30+$0x8500] =	vst v3;
	v3 =	vld [tilespmem:s30+$0x540]  }
0x8a: {  	[tilespmem:s30+$0x8510] =	vst v4;
	v7 =	vadd.f32 v7, v6;
	v4 =	vld [tilespmem:s30+$0x550]  }
0x8b: {  	s31 =	simm.s32 $0x80;
	s1 =	simm.s32 $0x100;
	v6 =	vld [tilespmem:s30+$0x4550]  }
0x8c: {  	s9 =	sand.u32 $0x380, s31;
	s0 =	sand.u32 $0x3800, s1;
	[tilespmem:s30+$0x8520] =	vst v7;
	v7 =	vld [tilespmem:s30+$0x560];
	v9 =	vadd.f32 v10, v8  }
0x8d: {  	s1 =	sor.u32 s9, s0;
	s0 =	simm.s32 $0x200;
	v8 =	vld [tilespmem:s30+$0x4560]  }
.LBB2_2:
0x8e: {  	p0 =	sne.s32 s0, $0x3F00;
	v10 =	vld [tilespmem:s1+$0x570];
	[tilespmem:s30+$0x8530] =	vst v9;
	v3 =	vadd.f32 v5, v3  }
0x8f: {  	v5 =	vld [tilespmem:s1+$0x4570]  }
0x90: {  	v9 =	vld [tilespmem:s1+$0x100];
	[tilespmem:s30+$0x8540] =	vst v3;
	v3 =	vadd.f32 v6, v4  }
0x91: {  	v4 =	vld [tilespmem:s1+$0x4100]  }
0x92: {  	v6 =	vld [tilespmem:s1+$0x110];
	[tilespmem:s30+$0x8550] =	vst v3;
	v3 =	vadd.f32 v8, v7  }
0x93: {  	v7 =	vld [tilespmem:s1+$0x4110]  }
0x94: {  	v8 =	vld [tilespmem:s1+$0x120];
	v5 =	vadd.f32 v5, v10;
	[tilespmem:s30+$0x8560] =	vst v3;
	s30 =	smov.u32 s1  }
0x95: {  	v3 =	vld [tilespmem:s30+$0x4120]  }
0x96: {  	v4 =	vadd.f32 v4, v9;
	v9 =	vld [tilespmem:s30+$0x130];
	[tilespmem:s30+$0x8570] =	vst v5  }
0x97: {  	v5 =	vld [tilespmem:s30+$0x4130]  }
0x98: {  	[tilespmem:s30+$0x8100] =	vst v4;
	v4 =	vadd.f32 v7, v6;
	v6 =	vld [tilespmem:s30+$0x140]  }
0x99: {  	v7 =	vld [tilespmem:s30+$0x4140]  }
0x9a: {  	[tilespmem:s30+$0x8110] =	vst v4;
	v3 =	vadd.f32 v3, v8;
	v4 =	vld [tilespmem:s30+$0x150]  }
0x9b: {  	v8 =	vld [tilespmem:s30+$0x4150]  }
0x9c: {  	[tilespmem:s30+$0x8120] =	vst v3;
	v3 =	vadd.f32 v5, v9;
	v5 =	vld [tilespmem:s30+$0x160]  }
0x9d: {  	v9 =	vld [tilespmem:s30+$0x4160]  }
0x9e: {  	[tilespmem:s30+$0x8130] =	vst v3;
	v3 =	vadd.f32 v7, v6;
	v6 =	vld [tilespmem:s30+$0x170]  }
0x9f: {  	v7 =	vld [tilespmem:s30+$0x4170]  }
0xa0: {  	[tilespmem:s30+$0x8140] =	vst v3;
	v3 =	vadd.f32 v8, v4;
	v4 =	vld [tilespmem:s30+$0x500]  }
0xa1: {  	v8 =	vld [tilespmem:s30+$0x4500]  }
0xa2: {  	[tilespmem:s30+$0x8150] =	vst v3;
	v3 =	vadd.f32 v9, v5;
	v5 =	vld [tilespmem:s30+$0x510]  }
0xa3: {  	v9 =	vld [tilespmem:s30+$0x4510]  }
0xa4: {  	[tilespmem:s30+$0x8160] =	vst v3;
	v3 =	vadd.f32 v7, v6;
	v6 =	vld [tilespmem:s30+$0x520]  }
0xa5: {  	v7 =	vld [tilespmem:s30+$0x4520]  }
0xa6: {  	[tilespmem:s30+$0x8170] =	vst v3;
	v3 =	vadd.f32 v8, v4;
	v8 =	vld [tilespmem:s30+$0x530]  }
0xa7: {  	v10 =	vld [tilespmem:s30+$0x4530]  }
0xa8: {  	[tilespmem:s30+$0x8500] =	vst v3;
	v4 =	vadd.f32 v9, v5;
	v3 =	vld [tilespmem:s30+$0x540]  }
.Ltmp0:
0xa9: {  	v5 =	vld [tilespmem:s30+$0x4540];
	(pc) =	sbr.rel @p0 .LBB2_2-.Ltmp0, $4  }
0xaa: {  	[tilespmem:s30+$0x8510] =	vst v4;
	v7 =	vadd.f32 v7, v6;
	v4 =	vld [tilespmem:s30+$0x550]  }
0xab: {  	s31 =	sadd.s32 $0x80, s31;
	v6 =	vld [tilespmem:s30+$0x4550]  }
0xac: {  	s9 =	sand.u32 $0x380, s31;
	s1 =	sand.u32 $0x3800, s0;
	[tilespmem:s30+$0x8520] =	vst v7;
	v9 =	vadd.f32 v10, v8;
	v7 =	vld [tilespmem:s30+$0x560]  }
0xad: {  	s0 =	sadd.s32 $0x100, s0;
	s1 =	sor.u32 s9, s1;
	v8 =	vld [tilespmem:s30+$0x4560]  }
0xae: {  	v10 =	vld [tilespmem:s1+$0x570];
	[tilespmem:s30+$0x8530] =	vst v9;
	v3 =	vadd.f32 v5, v3  }
0xaf: {  	v33 =	vld [tilespmem:s1+$0x4570]  }
0xb0: {  	v9 =	vld [tilespmem:s1+$0x100];
	[tilespmem:s30+$0x8540] =	vst v3;
	v3 =	vadd.f32 v6, v4  }
0xb1: {  	v34 =	vld [tilespmem:s1+$0x4100]  }
0xb2: {  	v35 =	vld [tilespmem:s1+$0x110];
	[tilespmem:s30+$0x8550] =	vst v3;
	v3 =	vadd.f32 v8, v7  }
0xb3: {  	v36 =	vld [tilespmem:s1+$0x4110]  }
0xb4: {  	v37 =	vld [tilespmem:s1+$0x120];
	[tilespmem:s30+$0x8560] =	vst v3  }
0xb5: {  	v38 =	vld [tilespmem:s1+$0x4120]  }
0xb6: {  	v3 =	vadd.f32 v33, v10;
	v39 =	vld [tilespmem:s1+$0x130]  }
0xb7: {  	v41 =	vld [tilespmem:s1+$0x140]  }
0xb8: {  	[tilespmem:s1+$0x8570] =	vst v3;
	v3 =	vld [tilespmem:s1+$0x4130]  }
0xb9: {  	v42 =	vld [tilespmem:s1+$0x4140]  }
0xba: {  	v44 =	vld [tilespmem:s1+$0x150]  }
0xbb: {  	v45 =	vld [tilespmem:s1+$0x4150]  }
0xbc: {  	v46 =	vld [tilespmem:s1+$0x160]  }
0xbd: {  	v47 =	vld [tilespmem:s1+$0x4160];
	v3 =	vadd.f32 v3, v39  }
0xbe: {  	v48 =	vld [tilespmem:s1+$0x170]  }
0xbf: {  	v49 =	vld [tilespmem:s1+$0x4170];
	[tilespmem:s1+$0x8130] =	vst v3;
	v3 =	vadd.f32 v42, v41  }
0xc0: {  	v50 =	vld [tilespmem:s1+$0x500]  }
0xc1: {  	v51 =	vld [tilespmem:s1+$0x4500];
	[tilespmem:s1+$0x8140] =	vst v3;
	v3 =	vadd.f32 v45, v44  }
0xc2: {  	v52 =	vld [tilespmem:s1+$0x510]  }
0xc3: {  	v53 =	vld [tilespmem:s1+$0x4510];
	[tilespmem:s1+$0x8150] =	vst v3;
	v3 =	vadd.f32 v47, v46  }
0xc4: {  	v54 =	vld [tilespmem:s1+$0x520]  }
0xc5: {  	v55 =	vld [tilespmem:s1+$0x4520];
	[tilespmem:s1+$0x8160] =	vst v3;
	v3 =	vadd.f32 v49, v48  }
0xc6: {  	v56 =	vld [tilespmem:s1+$0x530]  }
0xc7: {  	v57 =	vld [tilespmem:s1+$0x4530];
	[tilespmem:s1+$0x8170] =	vst v3;
	v3 =	vadd.f32 v51, v50  }
0xc8: {  	v58 =	vld [tilespmem:s1+$0x540]  }
0xc9: {  	v59 =	vld [tilespmem:s1+$0x4540];
	[tilespmem:s1+$0x8500] =	vst v3;
	v3 =	vadd.f32 v53, v52  }
0xca: {  	v60 =	vld [tilespmem:s1+$0x550]  }
0xcb: {  	v61 =	vld [tilespmem:s1+$0x4550];
	[tilespmem:s1+$0x8510] =	vst v3;
	v3 =	vadd.f32 v55, v54  }
0xcc: {  	v62 =	vld [tilespmem:s1+$0x4560];
	v4 =	vadd.f32 v34, v9  }
0xcd: {  	v40 =	vadd.f32 v36, v35;
	[tilespmem:s1+$0x8520] =	vst v3;
	v3 =	vld [tilespmem:s1+$0x560]  }
0xce: {  	[tilespmem:s1+$0x8100] =	vst v4;
	v43 =	vadd.f32 v38, v37  }
0xcf: {  	[tilespmem:s1+$0x8110] =	vst v40;
	v5 =	vadd.f32 v57, v56  }
0xd0: {  	v4 =	vadd.f32 v59, v58;
	[tilespmem:s1+$0x8120] =	vst v43  }
0xd1: {  	v63 =	vadd.f32 v61, v60;
	[tilespmem:s1+$0x8530] =	vst v5  }
0xd2: {  	s29 =	sadd.s32 $0x1, s29;
	[tilespmem:s1+$0x8540] =	vst v4;
	v3 =	vadd.f32 v62, v3  }
0xd3: {  	p0 =	sne.s32 s29, s7;
	[tilespmem:s1+$0x8550] =	vst v63  }
.Ltmp1:
0xd4: {  	[tilespmem:s1+$0x8560] =	vst v3;
	(pc) =	sbr.rel @p0 .LBB2_1-.Ltmp1, $4  }
0xd5: {  	[hbm4b:s6+s2] =	stream.linear.scatter [tilespmem:s28], [sflag:$0x2], $0x4000, $0x38;
	[tilespmem:$0xC100] =	vst v63  }
0xd6: {  	_ =	swait.ge [sflag:s8], $0x4000  }
0xd7: {  	[sflag:s8] =	ssyncset.done $0x0  }
0xd8: {  	[sflag:s8] =	ssyncadd.s32 $0xFFFFC000  }
0xd9: {  	_ =	sfence.sel $0x180000  }
0xda: {  	[bflag:$0x0] =	sbarrier.arrive $0xFFFF  }
0xdb: {  	_ =	strace $0x9000004A  }
0xdc: {  	s0 =	stileid.u32;
	[bflag:$0x2] =	sbarrier.arrive $0xFFFF  }
0xdd: {  	p0 =	sne.s32 s0, $0x0;
	s0 =	rddreg [dreg:$0x2]  }
0xde: {  	s0 =	sadd.s32 @!p0 $0x100000, s0  }
0xdf: {  	[sflag:s0] =	ssyncadd.tile.s32 @!p0 $0x1;
	_ =	shalt  }
.Lfunc_end2:
_tile_overlayer_lowered:
.L_overlay_start_2:
0xe0: {  	(tag) =	ssettag $0x2  }
0xe1: {  	s0 =	rddreg [dreg:$0x0];
	s2 =	stileid.u32  }
0xe2: {  	s1 =	rddreg [dreg:$0x1];
	p0 =	sne.s32 s2, $0x0  }
0xe3: {  	s3 =	rddreg [dreg:$0x2];
	[bflag:$0x3] =	sbarrier.arrive $0xFFFF;
	s2 =	simm.s32 @!p0 $0x1C02  }
0xe4: {  	[timem:s3], [sflag:s2] =	dma.local @!p0 [hbm:s0], s1  }
0xe5: {  	s0 =	simm.s32 @!p0 $0x2  }
0xe6: {  	_ =	swait.ge @!p0 [sflag:s0], s1  }
0xe7: {  	s1 =	ssub.s32 @!p0 $0x0, s1;
	[sflag:s0] =	ssyncset.done @!p0 $0x0  }
0xe8: {  	[sflag:s0] =	ssyncadd.s32 @!p0 s1  }
0xe9: {  	[bflag:$0x3] =	sbarrier.arrive $0xFFFF  }
0xea: {  	_ =	shalt  }

</sc_bundles>
